<compile_context>
chip_gen: v7x
topology: tpu7x:2x2x1
jax: 0.10.2.dev20260603
libtpu: 0.0.44.dev20260713+nightly
codegen_flags: <defaults>
</compile_context>

<pallas_src>
import functools

import jax
import jax.numpy as jnp
from jax import lax
from jax.experimental import pallas as pl
from jax.experimental.pallas import tpu as pltpu
from jax.experimental.pallas import tpu_sc as plsc

B, T, D, P = 16, 512, 256, 2048
NROWS = B * P
VROWS = B * T
PAD = 1024
TBL = VROWS + PAD

NW = 32
ROWS_PER_W = NROWS // NW
CH = 128
NCH = ROWS_PER_W // CH


def _prep_body(ltri_ref, durT_ref, x_ref, idx_ref, tot_ref, xpad_ref):
    i = pl.program_id(0)
    xpad_ref[...] = jnp.where(i < VROWS // _XBLK, x_ref[...], 0.0)

    @pl.when(i == 0)
    def _():
        _idx_compute(ltri_ref, durT_ref, idx_ref, tot_ref)


def _idx_compute(ltri_ref, durT_ref, idx_ref, tot_ref):
    durT = durT_ref[...].astype(jnp.float32)
    cum = jnp.dot(ltri_ref[...], durT,
                  preferred_element_type=jnp.float32)
    m = lax.broadcasted_iota(jnp.int32, (1, P), 1)
    pos_i = (m // 1024 + 2 * ((m % 1024) // CH)) * CH + m % CH
    pos_row = pos_i.astype(jnp.float32)
    zrow = VROWS + (pos_i % PAD)
    ones_row = jnp.full((1, T), 1.0, dtype=jnp.float32)
    for b in range(B):
        cum_b = lax.slice(cum, (0, b), (T, b + 1))
        cmp = (cum_b <= pos_row).astype(jnp.float32)
        idx = jnp.dot(ones_row, cmp,
                      preferred_element_type=jnp.float32
                      ).astype(jnp.int32)
        total = lax.slice(cum_b, (T - 1, 0), (T, 1))
        valid = pos_row < total
        flat = jnp.where(valid,
                         b * T + jnp.minimum(idx, T - 1),
                         zrow).astype(jnp.int32)
        idx_ref[b] = flat
        tot_ref[b] = jnp.broadcast_to(total.astype(jnp.int32), (1, 16))


_XBLK = 1024
_NXBLK = TBL // _XBLK


def _build_prep(duration, x_flat):
    durT = duration.T
    ltri = jnp.tri(T, dtype=jnp.float32)
    idx, tot, xpad = pl.pallas_call(
        _prep_body,
        grid=(_NXBLK,),
        in_specs=[
            pl.BlockSpec((T, T), lambda i: (0, 0)),
            pl.BlockSpec((T, B), lambda i: (0, 0)),
            pl.BlockSpec(
                (_XBLK, D), lambda i: (jnp.minimum(i, VROWS // _XBLK - 1), 0)),
        ],
        out_specs=[
            pl.BlockSpec((B, 1, P), lambda i: (0, 0, 0)),
            pl.BlockSpec((B, 1, 16), lambda i: (0, 0, 0)),
            pl.BlockSpec((_XBLK, D), lambda i: (i, 0)),
        ],
        out_shape=[jax.ShapeDtypeStruct((B, 1, P), jnp.int32),
                   jax.ShapeDtypeStruct((B, 1, 16), jnp.int32),
                   jax.ShapeDtypeStruct((TBL, D), jnp.float32)],
    )(ltri, durT, x_flat)
    return idx.reshape(B, 2, NCH, CH), tot.reshape(B, 16), xpad


NBUF = 2


@functools.lru_cache(maxsize=None)
def _make_sc_gather():
    mesh = plsc.VectorSubcoreMesh(
        core_axis_name="c", subcore_axis_name="s",
        num_cores=2, num_subcores=16)

    @functools.partial(
        pl.kernel,
        out_type=jax.ShapeDtypeStruct((NROWS, D), jnp.float32),
        mesh=mesh,
        scratch_types=[
            pltpu.VMEM((NCH, CH), jnp.int32),
            pltpu.VMEM((16,), jnp.int32),
            pltpu.VMEM((NBUF, CH, D), jnp.float32),
            pltpu.VMEM((CH, D), jnp.float32),
            pltpu.SemaphoreType.DMA((NBUF,)),
            pltpu.SemaphoreType.DMA((NBUF,)),
        ],
    )
    def _sc_gather(xpad_hbm, idx_hbm, tot_hbm, out_hbm,
                   idx_v, tot_v, rows_v, zbuf, gsem, wsem):
        wid = lax.axis_index("s") * 2 + lax.axis_index("c")
        b = wid % B
        h = wid // B
        pltpu.sync_copy(idx_hbm.at[b, h], idx_v)
        pltpu.sync_copy(tot_hbm.at[b], tot_v)
        pltpu.sync_copy(xpad_hbm.at[pl.ds(VROWS, CH)], zbuf)
        tot = tot_v[...]

        def g_copy(j):
            return pltpu.make_async_copy(
                xpad_hbm.at[idx_v.at[j]], rows_v.at[j % NBUF],
                gsem.at[j % NBUF])

        def dst(j):
            return out_hbm.at[pl.ds(b * P + (h + 2 * j) * CH, CH)]

        def w_rows(j):
            return pltpu.make_async_copy(
                rows_v.at[j % NBUF], dst(j), wsem.at[j % NBUF])

        def w_zero(j):
            return pltpu.make_async_copy(zbuf, dst(j), wsem.at[j % NBUF])

        t = tot[0]
        conds = [t > (h + 2 * j) * CH for j in range(NCH)]

        @pl.when(conds[0])
        def _():
            g_copy(0).start()

        for j in range(NCH):
            if j + 1 < NCH:
                if j - 1 >= 0:
                    w_rows(j - 1).wait()

                @pl.when(conds[j + 1])
                def _(jj=j + 1):
                    g_copy(jj).start()

            @pl.when(conds[j])
            def _(jj=j):
                g_copy(jj).wait()
                w_rows(jj).start()

            @pl.when(jnp.logical_not(conds[j]))
            def _(jj=j):
                w_zero(jj).start()

        w_rows(NCH - 2).wait()
        w_rows(NCH - 1).wait()

    return _sc_gather


def kernel(x, duration_predictor_output, max_len):
    x_flat = x.reshape(VROWS, D)
    idx3, tot2, xpad = _build_prep(duration_predictor_output, x_flat)
    out = _make_sc_gather()(xpad, idx3, tot2)
    return out.reshape(B, P, D)

# --- scband reference (transcript-rebuilt; emitter-appended) ---
"""Pipeline reference for scband-length-regulator-10840497455833 (READ-ONLY COPY).

The authoritative reference and input builder live on the scoring server;
editing this copy changes nothing except your own understanding.
"""

import jax, jax.numpy as jnp
import numpy as np


def setup_inputs(seed: int = 0) -> dict:
    key = jax.random.key(seed)
    k1, k2 = jax.random.split(key)
    x = jax.random.normal(k1, (16, 512, 256), dtype=jnp.float32)
    duration = jax.random.randint(k2, (16, 512), 0, 5).astype(jnp.int32)
    return {"x": x, "duration_predictor_output": duration, "max_len": 2048}


def reference(x, duration_predictor_output, max_len):
    # Faithful LengthRegulator: for each batch row, token j is repeated
    # duration[i, j] times contiguously starting at pos = sum(duration[i, :j]);
    # positions beyond the total expanded length stay zero.
    B, T, D = x.shape
    dur = duration_predictor_output
    cum = jnp.cumsum(dur, axis=-1)  # [B, T]
    MAX_LEN = 2048
    pos = jnp.arange(MAX_LEN) + (max_len - max_len)  # [max_len]

    def expand_row(xi, cumi):
        # token index for each output position: smallest j with pos < cum[j]
        idx = jnp.searchsorted(cumi, pos, side='right')  # [max_len]
        valid = pos < cumi[-1]
        idx = jnp.clip(idx, 0, T - 1)
        gathered = jnp.take(xi, idx, axis=0)  # [max_len, D] gather
        return jnp.where(valid[:, None], gathered, jnp.zeros((), dtype=xi.dtype))

    output = jax.vmap(expand_row)(x, cum)  # [B, max_len, D]
    return output

if __name__ == "__main__":
    import jax
    _d = setup_inputs()
    print(jax.jit(kernel)(*tuple(_d.values())))

</pallas_src>

<mosaic_0001>
#map = affine_map<(d0, d1) -> (0, 0)>
#map1 = affine_map<(d0, d1) -> (0, 0, 0, 0)>
module attributes {stable_mosaic.version = 14 : i64} {
  func.func @_sc_gather(%arg0: i32, %arg1: i32, %arg2: memref<9216x256xf32, #tpu.memory_space<hbm>>, %arg3: memref<16x2x8x128xi32, #tpu.memory_space<hbm>>, %arg4: memref<16x16xi32, #tpu.memory_space<hbm>>, %arg5: memref<32768x256xf32, #tpu.memory_space<hbm>>, %arg6: memref<8x128xi32, #tpu.memory_space<vmem>>, %arg7: memref<16xi32, #tpu.memory_space<vmem>>, %arg8: memref<2x128x256xf32, #tpu.memory_space<vmem>>, %arg9: memref<128x256xf32, #tpu.memory_space<vmem>>, %arg10: memref<2x!tpu.dma_semaphore, #tpu.memory_space<semaphore_mem>>, %arg11: memref<2x!tpu.dma_semaphore, #tpu.memory_space<semaphore_mem>>) attributes {dimension_semantics = [#tpu.dimension_semantics<core_parallel>, #tpu.dimension_semantics<subcore_parallel>], iteration_bounds = array<i64: 2, 16>, scalar_prefetch = 0 : i64, scratch_operands = 6 : i64, tpu.core_type = #tpu.core_type<sc_vector_subcore>, window_params = [{transform_indices = #map}, {transform_indices = #map1}, {transform_indices = #map}, {transform_indices = #map}]} {
    %mul3A = arith.constant 2 : i32
    %mul3A_0 = arith.muli %arg1, %mul3A : i32
    %add3A = arith.addi %mul3A_0, %arg0 : i32
    %jit3A = arith.constant 16 : i32
    %eq3A = arith.constant 0 : i32
    %eq3A_1 = arith.cmpi eq, %jit3A, %eq3A : i32
    %jit3A_2 = arith.constant 1 : i32
    %select_n3A = arith.select %eq3A_1, %jit3A_2, %jit3A : i32
    %rem3A = arith.remsi %add3A, %select_n3A : i32
    %ne3A = arith.constant 0 : i32
    %ne3A_3 = arith.cmpi ne, %rem3A, %ne3A : i32
    %lt3A = arith.constant 0 : i32
    %lt3A_4 = arith.cmpi slt, %rem3A, %lt3A : i32
    %lt3A_5 = arith.constant 0 : i32
    %lt3A_6 = arith.cmpi slt, %select_n3A, %lt3A_5 : i32
    %ne3A_7 = arith.xori %lt3A_4, %lt3A_6 : i1
    %and3A = arith.andi %ne3A_7, %ne3A_3 : i1
    %add3A_8 = arith.addi %rem3A, %select_n3A : i32
    %select_n3A_9 = arith.select %and3A, %add3A_8, %rem3A : i32
    %jit3A_10 = arith.constant 16 : i32
    %div3A = arith.divsi %add3A, %jit3A_10 : i32
    %sign3A = arith.constant 0 : i32
    %sign3A_11 = arith.cmpi sgt, %add3A, %sign3A : i32
    %sign3A_12 = arith.extui %sign3A_11 : i1 to i32
    %sign3A_13 = arith.constant 0 : i32
    %sign3A_14 = arith.cmpi slt, %add3A, %sign3A_13 : i32
    %sign3A_15 = arith.extui %sign3A_14 : i1 to i32
    %sign3A_16 = arith.subi %sign3A_12, %sign3A_15 : i32
    %sign3A_17 = arith.constant 0 : i32
    %sign3A_18 = arith.cmpi sgt, %jit3A_10, %sign3A_17 : i32
    %sign3A_19 = arith.extui %sign3A_18 : i1 to i32
    %sign3A_20 = arith.constant 0 : i32
    %sign3A_21 = arith.cmpi slt, %jit3A_10, %sign3A_20 : i32
    %sign3A_22 = arith.extui %sign3A_21 : i1 to i32
    %sign3A_23 = arith.subi %sign3A_19, %sign3A_22 : i32
    %ne3A_24 = arith.cmpi ne, %sign3A_16, %sign3A_23 : i32
    %rem3A_25 = arith.remsi %add3A, %jit3A_10 : i32
    %ne3A_26 = arith.constant 0 : i32
    %ne3A_27 = arith.cmpi ne, %rem3A_25, %ne3A_26 : i32
    %and3A_28 = arith.andi %ne3A_24, %ne3A_27 : i1
    %sub3A = arith.constant 1 : i32
    %sub3A_29 = arith.subi %div3A, %sub3A : i32
    %select_n3A_30 = arith.select %and3A_28, %sub3A_29, %div3A : i32
    "tpu.region"() ({
      %run_scoped3A = tpu.sem_alloc : memref<!tpu.dma_semaphore, #tpu.memory_space<semaphore_mem>>
      %dma_start3A = arith.constant 0 : i32
      %dma_start3A_340 = arith.constant 0 : i32
      %dma_start3A_341 = tpu.memref_slice %arg3[%select_n3A_9, %select_n3A_30, %dma_start3A, %dma_start3A_340] : memref<16x2x8x128xi32, #tpu.memory_space<hbm>> -> memref<1x1x8x128xi32, #tpu.memory_space<hbm>>
      %dma_start3A_342 = tpu.memref_squeeze %dma_start3A_341 : memref<1x1x8x128xi32, #tpu.memory_space<hbm>> -> memref<8x128xi32, #tpu.memory_space<hbm>>
      %dma_start3A_343 = arith.constant 0 : i32
      %dma_start3A_344 = arith.constant 0 : i32
      %dma_start3A_345 = tpu.memref_slice %arg3[%select_n3A_9, %select_n3A_30, %dma_start3A_343, %dma_start3A_344] : memref<16x2x8x128xi32, #tpu.memory_space<hbm>> -> memref<1x1x8x128xi32, #tpu.memory_space<hbm>>
      %dma_start3A_346 = tpu.memref_squeeze %dma_start3A_345 : memref<1x1x8x128xi32, #tpu.memory_space<hbm>> -> memref<8x128xi32, #tpu.memory_space<hbm>>
      tpu.enqueue_dma source(%dma_start3A_346 : memref<8x128xi32, #tpu.memory_space<hbm>>) target(%arg6 : memref<8x128xi32, #tpu.memory_space<vmem>>) target_semaphore(%run_scoped3A : memref<!tpu.dma_semaphore, #tpu.memory_space<semaphore_mem>>)
      %dma_wait3A_347 = arith.constant 0 : i32
      %dma_wait3A_348 = arith.constant 0 : i32
      %dma_wait3A_349 = tpu.memref_slice %arg3[%select_n3A_9, %select_n3A_30, %dma_wait3A_347, %dma_wait3A_348] : memref<16x2x8x128xi32, #tpu.memory_space<hbm>> -> memref<1x1x8x128xi32, #tpu.memory_space<hbm>>
      %dma_wait3A_350 = tpu.memref_squeeze %dma_wait3A_349 : memref<1x1x8x128xi32, #tpu.memory_space<hbm>> -> memref<8x128xi32, #tpu.memory_space<hbm>>
      %dma_wait3A_351 = arith.constant 0 : i32
      %dma_wait3A_352 = arith.constant 0 : i32
      %dma_wait3A_353 = tpu.memref_slice %arg3[%select_n3A_9, %select_n3A_30, %dma_wait3A_351, %dma_wait3A_352] : memref<16x2x8x128xi32, #tpu.memory_space<hbm>> -> memref<1x1x8x128xi32, #tpu.memory_space<hbm>>
      %dma_wait3A_354 = tpu.memref_squeeze %dma_wait3A_353 : memref<1x1x8x128xi32, #tpu.memory_space<hbm>> -> memref<8x128xi32, #tpu.memory_space<hbm>>
      tpu.wait_dma2 semaphore(%run_scoped3A : memref<!tpu.dma_semaphore, #tpu.memory_space<semaphore_mem>>) src(%dma_wait3A_354 : memref<8x128xi32, #tpu.memory_space<hbm>>) dst(%arg6 : memref<8x128xi32, #tpu.memory_space<vmem>>)
      tpu.yield
    }) : () -> ()
    "tpu.region"() ({
      %run_scoped3A = tpu.sem_alloc : memref<!tpu.dma_semaphore, #tpu.memory_space<semaphore_mem>>
      %dma_start3A = arith.constant 0 : i32
      %dma_start3A_340 = tpu.memref_slice %arg4[%select_n3A_9, %dma_start3A] : memref<16x16xi32, #tpu.memory_space<hbm>> -> memref<1x16xi32, #tpu.memory_space<hbm>>
      %dma_start3A_341 = tpu.memref_squeeze %dma_start3A_340 : memref<1x16xi32, #tpu.memory_space<hbm>> -> memref<16xi32, #tpu.memory_space<hbm>>
      %dma_start3A_342 = arith.constant 0 : i32
      %dma_start3A_343 = tpu.memref_slice %arg4[%select_n3A_9, %dma_start3A_342] : memref<16x16xi32, #tpu.memory_space<hbm>> -> memref<1x16xi32, #tpu.memory_space<hbm>>
      %dma_start3A_344 = tpu.memref_squeeze %dma_start3A_343 : memref<1x16xi32, #tpu.memory_space<hbm>> -> memref<16xi32, #tpu.memory_space<hbm>>
      tpu.enqueue_dma source(%dma_start3A_344 : memref<16xi32, #tpu.memory_space<hbm>>) target(%arg7 : memref<16xi32, #tpu.memory_space<vmem>>) target_semaphore(%run_scoped3A : memref<!tpu.dma_semaphore, #tpu.memory_space<semaphore_mem>>)
      %dma_wait3A_345 = arith.constant 0 : i32
      %dma_wait3A_346 = tpu.memref_slice %arg4[%select_n3A_9, %dma_wait3A_345] : memref<16x16xi32, #tpu.memory_space<hbm>> -> memref<1x16xi32, #tpu.memory_space<hbm>>
      %dma_wait3A_347 = tpu.memref_squeeze %dma_wait3A_346 : memref<1x16xi32, #tpu.memory_space<hbm>> -> memref<16xi32, #tpu.memory_space<hbm>>
      %dma_wait3A_348 = arith.constant 0 : i32
      %dma_wait3A_349 = tpu.memref_slice %arg4[%select_n3A_9, %dma_wait3A_348] : memref<16x16xi32, #tpu.memory_space<hbm>> -> memref<1x16xi32, #tpu.memory_space<hbm>>
      %dma_wait3A_350 = tpu.memref_squeeze %dma_wait3A_349 : memref<1x16xi32, #tpu.memory_space<hbm>> -> memref<16xi32, #tpu.memory_space<hbm>>
      tpu.wait_dma2 semaphore(%run_scoped3A : memref<!tpu.dma_semaphore, #tpu.memory_space<semaphore_mem>>) src(%dma_wait3A_350 : memref<16xi32, #tpu.memory_space<hbm>>) dst(%arg7 : memref<16xi32, #tpu.memory_space<vmem>>)
      tpu.yield
    }) : () -> ()
    "tpu.region"() ({
      %run_scoped3A = tpu.sem_alloc : memref<!tpu.dma_semaphore, #tpu.memory_space<semaphore_mem>>
      %dma_start3A = arith.constant 8192 : i32
      %dma_start3A_340 = arith.constant 0 : i32
      %dma_start3A_341 = tpu.memref_slice %arg2[%dma_start3A, %dma_start3A_340] : memref<9216x256xf32, #tpu.memory_space<hbm>> -> memref<128x256xf32, #tpu.memory_space<hbm>>
      %dma_start3A_342 = arith.constant 8192 : i32
      %dma_start3A_343 = arith.constant 0 : i32
      %dma_start3A_344 = tpu.memref_slice %arg2[%dma_start3A_342, %dma_start3A_343] : memref<9216x256xf32, #tpu.memory_space<hbm>> -> memref<128x256xf32, #tpu.memory_space<hbm>>
      tpu.enqueue_dma source(%dma_start3A_344 : memref<128x256xf32, #tpu.memory_space<hbm>>) target(%arg9 : memref<128x256xf32, #tpu.memory_space<vmem>>) target_semaphore(%run_scoped3A : memref<!tpu.dma_semaphore, #tpu.memory_space<semaphore_mem>>)
      %dma_wait3A_345 = arith.constant 8192 : i32
      %dma_wait3A_346 = arith.constant 0 : i32
      %dma_wait3A_347 = tpu.memref_slice %arg2[%dma_wait3A_345, %dma_wait3A_346] : memref<9216x256xf32, #tpu.memory_space<hbm>> -> memref<128x256xf32, #tpu.memory_space<hbm>>
      %dma_wait3A_348 = arith.constant 8192 : i32
      %dma_wait3A_349 = arith.constant 0 : i32
      %dma_wait3A_350 = tpu.memref_slice %arg2[%dma_wait3A_348, %dma_wait3A_349] : memref<9216x256xf32, #tpu.memory_space<hbm>> -> memref<128x256xf32, #tpu.memory_space<hbm>>
      tpu.wait_dma2 semaphore(%run_scoped3A : memref<!tpu.dma_semaphore, #tpu.memory_space<semaphore_mem>>) src(%dma_wait3A_350 : memref<128x256xf32, #tpu.memory_space<hbm>>) dst(%arg9 : memref<128x256xf32, #tpu.memory_space<vmem>>)
      tpu.yield
    }) : () -> ()
    %get3A = arith.constant 0 : index
    %get3A_31 = tpu.vector_load %arg7[%get3A] {strides = array<i32>} : memref<16xi32, #tpu.memory_space<vmem>>, vector<16xi32>,
    %get3A_32 = vector.shape_cast %get3A_31 : vector<16xi32> to vector<16xi32>
    %slice3A = vector.extract_strided_slice %get3A_32 {offsets = [0], sizes = [1], strides = [1]} : vector<16xi32> to vector<1xi32>
    %squeeze3A = vector.extract %slice3A[0] : i32 from vector<1xi32>
    %add3A_33 = arith.constant 0 : i32
    %add3A_34 = arith.addi %select_n3A_30, %add3A_33 : i32
    %mul3A_35 = arith.constant 128 : i32
    %mul3A_36 = arith.muli %add3A_34, %mul3A_35 : i32
    %gt3A = arith.cmpi sgt, %squeeze3A, %mul3A_36 : i32
    %add3A_37 = arith.constant 2 : i32
    %add3A_38 = arith.addi %select_n3A_30, %add3A_37 : i32
    %mul3A_39 = arith.constant 128 : i32
    %mul3A_40 = arith.muli %add3A_38, %mul3A_39 : i32
    %gt3A_41 = arith.cmpi sgt, %squeeze3A, %mul3A_40 : i32
    %add3A_42 = arith.constant 4 : i32
    %add3A_43 = arith.addi %select_n3A_30, %add3A_42 : i32
    %mul3A_44 = arith.constant 128 : i32
    %mul3A_45 = arith.muli %add3A_43, %mul3A_44 : i32
    %gt3A_46 = arith.cmpi sgt, %squeeze3A, %mul3A_45 : i32
    %add3A_47 = arith.constant 6 : i32
    %add3A_48 = arith.addi %select_n3A_30, %add3A_47 : i32
    %mul3A_49 = arith.constant 128 : i32
    %mul3A_50 = arith.muli %add3A_48, %mul3A_49 : i32
    %gt3A_51 = arith.cmpi sgt, %squeeze3A, %mul3A_50 : i32
    %add3A_52 = arith.constant 8 : i32
    %add3A_53 = arith.addi %select_n3A_30, %add3A_52 : i32
    %mul3A_54 = arith.constant 128 : i32
    %mul3A_55 = arith.muli %add3A_53, %mul3A_54 : i32
    %gt3A_56 = arith.cmpi sgt, %squeeze3A, %mul3A_55 : i32
    %add3A_57 = arith.constant 10 : i32
    %add3A_58 = arith.addi %select_n3A_30, %add3A_57 : i32
    %mul3A_59 = arith.constant 128 : i32
    %mul3A_60 = arith.muli %add3A_58, %mul3A_59 : i32
    %gt3A_61 = arith.cmpi sgt, %squeeze3A, %mul3A_60 : i32
    %add3A_62 = arith.constant 12 : i32
    %add3A_63 = arith.addi %select_n3A_30, %add3A_62 : i32
    %mul3A_64 = arith.constant 128 : i32
    %mul3A_65 = arith.muli %add3A_63, %mul3A_64 : i32
    %gt3A_66 = arith.cmpi sgt, %squeeze3A, %mul3A_65 : i32
    %add3A_67 = arith.constant 14 : i32
    %add3A_68 = arith.addi %select_n3A_30, %add3A_67 : i32
    %mul3A_69 = arith.constant 128 : i32
    %mul3A_70 = arith.muli %add3A_68, %mul3A_69 : i32
    %gt3A_71 = arith.cmpi sgt, %squeeze3A, %mul3A_70 : i32
    %convert_element_type3A = arith.extui %gt3A : i1 to i32
    %cond3A = arith.constant 0 : i32
    %cond3A_72 = arith.cmpi ne, %convert_element_type3A, %cond3A : i32
    scf.if %cond3A_72 {
      %dma_start3A = arith.constant 0 : i32
      %dma_start3A_340 = arith.constant 0 : i32
      %dma_start3A_341 = arith.constant 0 : i32
      %dma_start3A_342 = arith.constant 0 : i32
      %dma_start3A_343 = arith.constant 0 : i32
      %dma_start3A_344 = tpu.memref_slice %arg8[%dma_start3A_340, %dma_start3A_342, %dma_start3A_343] : memref<2x128x256xf32, #tpu.memory_space<vmem>> -> memref<1x128x256xf32, #tpu.memory_space<vmem>>
      %dma_start3A_345 = tpu.memref_squeeze %dma_start3A_344 : memref<1x128x256xf32, #tpu.memory_space<vmem>> -> memref<128x256xf32, #tpu.memory_space<vmem>>
      %dma_start3A_346 = arith.constant 0 : i32
      %dma_start3A_347 = tpu.memref_slice %arg6[%dma_start3A, %dma_start3A_346] : memref<8x128xi32, #tpu.memory_space<vmem>> -> memref<1x128xi32, #tpu.memory_space<vmem>>
      %dma_start3A_348 = tpu.memref_squeeze %dma_start3A_347 : memref<1x128xi32, #tpu.memory_space<vmem>> -> memref<128xi32, #tpu.memory_space<vmem>>
      %dma_start3A_349 = arith.constant 0 : i32
      %dma_start3A_350 = arith.constant 0 : i32
      %dma_start3A_351 = tpu.memref_slice %arg2[%dma_start3A_349, %dma_start3A_350] : memref<9216x256xf32, #tpu.memory_space<hbm>> -> memref<9216x256xf32, #tpu.memory_space<hbm>>
      %dma_start3A_352 = tpu.memref_slice %arg10[%dma_start3A_341] : memref<2x!tpu.dma_semaphore, #tpu.memory_space<semaphore_mem>> -> memref<1x!tpu.dma_semaphore, #tpu.memory_space<semaphore_mem>>
      %dma_start3A_353 = tpu.memref_squeeze %dma_start3A_352 : memref<1x!tpu.dma_semaphore, #tpu.memory_space<semaphore_mem>> -> memref<!tpu.dma_semaphore, #tpu.memory_space<semaphore_mem>>
      tpu.enqueue_indirect_dma source(%dma_start3A_351 : memref<9216x256xf32, #tpu.memory_space<hbm>>) target(%dma_start3A_345 : memref<128x256xf32, #tpu.memory_space<vmem>>) offsets(%dma_start3A_348 : memref<128xi32, #tpu.memory_space<vmem>>) semaphore(%dma_start3A_353 : memref<!tpu.dma_semaphore, #tpu.memory_space<semaphore_mem>>)
    } else {
    }
    %convert_element_type3A_73 = arith.extui %gt3A_41 : i1 to i32
    %cond3A_74 = arith.constant 0 : i32
    %cond3A_75 = arith.cmpi ne, %convert_element_type3A_73, %cond3A_74 : i32
    scf.if %cond3A_75 {
      %dma_start3A = arith.constant 1 : i32
      %dma_start3A_340 = arith.constant 1 : i32
      %dma_start3A_341 = arith.constant 1 : i32
      %dma_start3A_342 = arith.constant 0 : i32
      %dma_start3A_343 = arith.constant 0 : i32
      %dma_start3A_344 = tpu.memref_slice %arg8[%dma_start3A_340, %dma_start3A_342, %dma_start3A_343] : memref<2x128x256xf32, #tpu.memory_space<vmem>> -> memref<1x128x256xf32, #tpu.memory_space<vmem>>
      %dma_start3A_345 = tpu.memref_squeeze %dma_start3A_344 : memref<1x128x256xf32, #tpu.memory_space<vmem>> -> memref<128x256xf32, #tpu.memory_space<vmem>>
      %dma_start3A_346 = arith.constant 0 : i32
      %dma_start3A_347 = tpu.memref_slice %arg6[%dma_start3A, %dma_start3A_346] : memref<8x128xi32, #tpu.memory_space<vmem>> -> memref<1x128xi32, #tpu.memory_space<vmem>>
      %dma_start3A_348 = tpu.memref_squeeze %dma_start3A_347 : memref<1x128xi32, #tpu.memory_space<vmem>> -> memref<128xi32, #tpu.memory_space<vmem>>
      %dma_start3A_349 = arith.constant 0 : i32
      %dma_start3A_350 = arith.constant 0 : i32
      %dma_start3A_351 = tpu.memref_slice %arg2[%dma_start3A_349, %dma_start3A_350] : memref<9216x256xf32, #tpu.memory_space<hbm>> -> memref<9216x256xf32, #tpu.memory_space<hbm>>
      %dma_start3A_352 = tpu.memref_slice %arg10[%dma_start3A_341] : memref<2x!tpu.dma_semaphore, #tpu.memory_space<semaphore_mem>> -> memref<1x!tpu.dma_semaphore, #tpu.memory_space<semaphore_mem>>
      %dma_start3A_353 = tpu.memref_squeeze %dma_start3A_352 : memref<1x!tpu.dma_semaphore, #tpu.memory_space<semaphore_mem>> -> memref<!tpu.dma_semaphore, #tpu.memory_space<semaphore_mem>>
      tpu.enqueue_indirect_dma source(%dma_start3A_351 : memref<9216x256xf32, #tpu.memory_space<hbm>>) target(%dma_start3A_345 : memref<128x256xf32, #tpu.memory_space<vmem>>) offsets(%dma_start3A_348 : memref<128xi32, #tpu.memory_space<vmem>>) semaphore(%dma_start3A_353 : memref<!tpu.dma_semaphore, #tpu.memory_space<semaphore_mem>>)
    } else {
    }
    %convert_element_type3A_76 = arith.extui %gt3A : i1 to i32
    %cond3A_77 = arith.constant 0 : i32
    %cond3A_78 = arith.cmpi ne, %convert_element_type3A_76, %cond3A_77 : i32
    scf.if %cond3A_78 {
      %dma_wait3A_340 = arith.constant 0 : i32
      %dma_wait3A_341 = arith.constant 0 : i32
      %dma_wait3A_342 = arith.constant 0 : i32
      %dma_wait3A_343 = arith.constant 0 : i32
      %dma_wait3A_344 = arith.constant 0 : i32
      %dma_wait3A_345 = tpu.memref_slice %arg8[%dma_wait3A_341, %dma_wait3A_343, %dma_wait3A_344] : memref<2x128x256xf32, #tpu.memory_space<vmem>> -> memref<1x128x256xf32, #tpu.memory_space<vmem>>
      %dma_wait3A_346 = tpu.memref_squeeze %dma_wait3A_345 : memref<1x128x256xf32, #tpu.memory_space<vmem>> -> memref<128x256xf32, #tpu.memory_space<vmem>>
      %dma_wait3A_347 = arith.constant 0 : i32
      %dma_wait3A_348 = tpu.memref_slice %arg6[%dma_wait3A_340, %dma_wait3A_347] : memref<8x128xi32, #tpu.memory_space<vmem>> -> memref<1x128xi32, #tpu.memory_space<vmem>>
      %dma_wait3A_349 = tpu.memref_squeeze %dma_wait3A_348 : memref<1x128xi32, #tpu.memory_space<vmem>> -> memref<128xi32, #tpu.memory_space<vmem>>
      %dma_wait3A_350 = arith.constant 0 : i32
      %dma_wait3A_351 = arith.constant 0 : i32
      %dma_wait3A_352 = tpu.memref_slice %arg2[%dma_wait3A_350, %dma_wait3A_351] : memref<9216x256xf32, #tpu.memory_space<hbm>> -> memref<9216x256xf32, #tpu.memory_space<hbm>>
      %dma_wait3A_353 = tpu.memref_slice %arg10[%dma_wait3A_342] : memref<2x!tpu.dma_semaphore, #tpu.memory_space<semaphore_mem>> -> memref<1x!tpu.dma_semaphore, #tpu.memory_space<semaphore_mem>>
      %dma_wait3A_354 = tpu.memref_squeeze %dma_wait3A_353 : memref<1x!tpu.dma_semaphore, #tpu.memory_space<semaphore_mem>> -> memref<!tpu.dma_semaphore, #tpu.memory_space<semaphore_mem>>
      tpu.wait_indirect_dma semaphore(%dma_wait3A_354 : memref<!tpu.dma_semaphore, #tpu.memory_space<semaphore_mem>>) src(%dma_wait3A_352 : memref<9216x256xf32, #tpu.memory_space<hbm>>) dst(%dma_wait3A_346 : memref<128x256xf32, #tpu.memory_space<vmem>>)
      %mul3A_355 = arith.constant 2048 : i32
      %mul3A_356 = arith.muli %select_n3A_9, %mul3A_355 : i32
      %add3A_357 = arith.constant 0 : i32
      %add3A_358 = arith.addi %select_n3A_30, %add3A_357 : i32
      %mul3A_359 = arith.constant 128 : i32
      %mul3A_360 = arith.muli %add3A_358, %mul3A_359 : i32
      %add3A_361 = arith.addi %mul3A_356, %mul3A_360 : i32
      %dma_start3A = arith.constant 0 : i32
      %dma_start3A_362 = arith.constant 0 : i32
      %dma_start3A_363 = arith.constant 0 : i32
      %dma_start3A_364 = arith.constant 0 : i32
      %dma_start3A_365 = tpu.memref_slice %arg8[%dma_start3A, %dma_start3A_363, %dma_start3A_364] : memref<2x128x256xf32, #tpu.memory_space<vmem>> -> memref<1x128x256xf32, #tpu.memory_space<vmem>>
      %dma_start3A_366 = tpu.memref_squeeze %dma_start3A_365 : memref<1x128x256xf32, #tpu.memory_space<vmem>> -> memref<128x256xf32, #tpu.memory_space<vmem>>
      %dma_start3A_367 = arith.constant 0 : i32
      %dma_start3A_368 = tpu.memref_slice %arg5[%add3A_361, %dma_start3A_367] : memref<32768x256xf32, #tpu.memory_space<hbm>> -> memref<128x256xf32, #tpu.memory_space<hbm>>
      %dma_start3A_369 = tpu.memref_slice %arg11[%dma_start3A_362] : memref<2x!tpu.dma_semaphore, #tpu.memory_space<semaphore_mem>> -> memref<1x!tpu.dma_semaphore, #tpu.memory_space<semaphore_mem>>
      %dma_start3A_370 = tpu.memref_squeeze %dma_start3A_369 : memref<1x!tpu.dma_semaphore, #tpu.memory_space<semaphore_mem>> -> memref<!tpu.dma_semaphore, #tpu.memory_space<semaphore_mem>>
      %dma_start3A_371 = arith.constant 0 : i32
      %dma_start3A_372 = tpu.memref_slice %arg5[%add3A_361, %dma_start3A_371] : memref<32768x256xf32, #tpu.memory_space<hbm>> -> memref<128x256xf32, #tpu.memory_space<hbm>>
      %dma_start3A_373 = arith.constant 0 : i32
      %dma_start3A_374 = arith.constant 0 : i32
      %dma_start3A_375 = tpu.memref_slice %arg8[%dma_start3A, %dma_start3A_373, %dma_start3A_374] : memref<2x128x256xf32, #tpu.memory_space<vmem>> -> memref<1x128x256xf32, #tpu.memory_space<vmem>>
      %dma_start3A_376 = tpu.memref_squeeze %dma_start3A_375 : memref<1x128x256xf32, #tpu.memory_space<vmem>> -> memref<128x256xf32, #tpu.memory_space<vmem>>
      tpu.enqueue_dma source(%dma_start3A_376 : memref<128x256xf32, #tpu.memory_space<vmem>>) target(%dma_start3A_372 : memref<128x256xf32, #tpu.memory_space<hbm>>) target_semaphore(%dma_start3A_370 : memref<!tpu.dma_semaphore, #tpu.memory_space<semaphore_mem>>)
    } else {
    }
    %not3A = arith.constant true
    %not3A_79 = arith.xori %gt3A, %not3A : i1
    %convert_element_type3A_80 = arith.extui %not3A_79 : i1 to i32
    %cond3A_81 = arith.constant 0 : i32
    %cond3A_82 = arith.cmpi ne, %convert_element_type3A_80, %cond3A_81 : i32
    scf.if %cond3A_82 {
      %mul3A_340 = arith.constant 2048 : i32
      %mul3A_341 = arith.muli %select_n3A_9, %mul3A_340 : i32
      %add3A_342 = arith.constant 0 : i32
      %add3A_343 = arith.addi %select_n3A_30, %add3A_342 : i32
      %mul3A_344 = arith.constant 128 : i32
      %mul3A_345 = arith.muli %add3A_343, %mul3A_344 : i32
      %add3A_346 = arith.addi %mul3A_341, %mul3A_345 : i32
      %dma_start3A = arith.constant 0 : i32
      %dma_start3A_347 = arith.constant 0 : i32
      %dma_start3A_348 = tpu.memref_slice %arg5[%add3A_346, %dma_start3A_347] : memref<32768x256xf32, #tpu.memory_space<hbm>> -> memref<128x256xf32, #tpu.memory_space<hbm>>
      %dma_start3A_349 = tpu.memref_slice %arg11[%dma_start3A] : memref<2x!tpu.dma_semaphore, #tpu.memory_space<semaphore_mem>> -> memref<1x!tpu.dma_semaphore, #tpu.memory_space<semaphore_mem>>
      %dma_start3A_350 = tpu.memref_squeeze %dma_start3A_349 : memref<1x!tpu.dma_semaphore, #tpu.memory_space<semaphore_mem>> -> memref<!tpu.dma_semaphore, #tpu.memory_space<semaphore_mem>>
      %dma_start3A_351 = arith.constant 0 : i32
      %dma_start3A_352 = tpu.memref_slice %arg5[%add3A_346, %dma_start3A_351] : memref<32768x256xf32, #tpu.memory_space<hbm>> -> memref<128x256xf32, #tpu.memory_space<hbm>>
      tpu.enqueue_dma source(%arg9 : memref<128x256xf32, #tpu.memory_space<vmem>>) target(%dma_start3A_352 : memref<128x256xf32, #tpu.memory_space<hbm>>) target_semaphore(%dma_start3A_350 : memref<!tpu.dma_semaphore, #tpu.memory_space<semaphore_mem>>)
    } else {
    }
    %mul3A_83 = arith.constant 2048 : i32
    %mul3A_84 = arith.muli %select_n3A_9, %mul3A_83 : i32
    %add3A_85 = arith.constant 0 : i32
    %add3A_86 = arith.addi %select_n3A_30, %add3A_85 : i32
    %mul3A_87 = arith.constant 128 : i32
    %mul3A_88 = arith.muli %add3A_86, %mul3A_87 : i32
    %add3A_89 = arith.addi %mul3A_84, %mul3A_88 : i32
    %dma_wait3A = arith.constant 0 : i32
    %dma_wait3A_90 = arith.constant 0 : i32
    %dma_wait3A_91 = arith.constant 0 : i32
    %dma_wait3A_92 = arith.constant 0 : i32
    %dma_wait3A_93 = tpu.memref_slice %arg8[%dma_wait3A, %dma_wait3A_91, %dma_wait3A_92] : memref<2x128x256xf32, #tpu.memory_space<vmem>> -> memref<1x128x256xf32, #tpu.memory_space<vmem>>
    %dma_wait3A_94 = tpu.memref_squeeze %dma_wait3A_93 : memref<1x128x256xf32, #tpu.memory_space<vmem>> -> memref<128x256xf32, #tpu.memory_space<vmem>>
    %dma_wait3A_95 = arith.constant 0 : i32
    %dma_wait3A_96 = tpu.memref_slice %arg5[%add3A_89, %dma_wait3A_95] : memref<32768x256xf32, #tpu.memory_space<hbm>> -> memref<128x256xf32, #tpu.memory_space<hbm>>
    %dma_wait3A_97 = tpu.memref_slice %arg11[%dma_wait3A_90] : memref<2x!tpu.dma_semaphore, #tpu.memory_space<semaphore_mem>> -> memref<1x!tpu.dma_semaphore, #tpu.memory_space<semaphore_mem>>
    %dma_wait3A_98 = tpu.memref_squeeze %dma_wait3A_97 : memref<1x!tpu.dma_semaphore, #tpu.memory_space<semaphore_mem>> -> memref<!tpu.dma_semaphore, #tpu.memory_space<semaphore_mem>>
    %dma_wait3A_99 = arith.constant 0 : i32
    %dma_wait3A_100 = tpu.memref_slice %arg5[%add3A_89, %dma_wait3A_99] : memref<32768x256xf32, #tpu.memory_space<hbm>> -> memref<128x256xf32, #tpu.memory_space<hbm>>
    %dma_wait3A_101 = arith.constant 0 : i32
    %dma_wait3A_102 = arith.constant 0 : i32
    %dma_wait3A_103 = tpu.memref_slice %arg8[%dma_wait3A, %dma_wait3A_101, %dma_wait3A_102] : memref<2x128x256xf32, #tpu.memory_space<vmem>> -> memref<1x128x256xf32, #tpu.memory_space<vmem>>
    %dma_wait3A_104 = tpu.memref_squeeze %dma_wait3A_103 : memref<1x128x256xf32, #tpu.memory_space<vmem>> -> memref<128x256xf32, #tpu.memory_space<vmem>>
    tpu.wait_dma2 semaphore(%dma_wait3A_98 : memref<!tpu.dma_semaphore, #tpu.memory_space<semaphore_mem>>) src(%dma_wait3A_104 : memref<128x256xf32, #tpu.memory_space<vmem>>) dst(%dma_wait3A_100 : memref<128x256xf32, #tpu.memory_space<hbm>>)
    %convert_element_type3A_105 = arith.extui %gt3A_46 : i1 to i32
    %cond3A_106 = arith.constant 0 : i32
    %cond3A_107 = arith.cmpi ne, %convert_element_type3A_105, %cond3A_106 : i32
    scf.if %cond3A_107 {
      %dma_start3A = arith.constant 2 : i32
      %dma_start3A_340 = arith.constant 0 : i32
      %dma_start3A_341 = arith.constant 0 : i32
      %dma_start3A_342 = arith.constant 0 : i32
      %dma_start3A_343 = arith.constant 0 : i32
      %dma_start3A_344 = tpu.memref_slice %arg8[%dma_start3A_340, %dma_start3A_342, %dma_start3A_343] : memref<2x128x256xf32, #tpu.memory_space<vmem>> -> memref<1x128x256xf32, #tpu.memory_space<vmem>>
      %dma_start3A_345 = tpu.memref_squeeze %dma_start3A_344 : memref<1x128x256xf32, #tpu.memory_space<vmem>> -> memref<128x256xf32, #tpu.memory_space<vmem>>
      %dma_start3A_346 = arith.constant 0 : i32
      %dma_start3A_347 = tpu.memref_slice %arg6[%dma_start3A, %dma_start3A_346] : memref<8x128xi32, #tpu.memory_space<vmem>> -> memref<1x128xi32, #tpu.memory_space<vmem>>
      %dma_start3A_348 = tpu.memref_squeeze %dma_start3A_347 : memref<1x128xi32, #tpu.memory_space<vmem>> -> memref<128xi32, #tpu.memory_space<vmem>>
      %dma_start3A_349 = arith.constant 0 : i32
      %dma_start3A_350 = arith.constant 0 : i32
      %dma_start3A_351 = tpu.memref_slice %arg2[%dma_start3A_349, %dma_start3A_350] : memref<9216x256xf32, #tpu.memory_space<hbm>> -> memref<9216x256xf32, #tpu.memory_space<hbm>>
      %dma_start3A_352 = tpu.memref_slice %arg10[%dma_start3A_341] : memref<2x!tpu.dma_semaphore, #tpu.memory_space<semaphore_mem>> -> memref<1x!tpu.dma_semaphore, #tpu.memory_space<semaphore_mem>>
      %dma_start3A_353 = tpu.memref_squeeze %dma_start3A_352 : memref<1x!tpu.dma_semaphore, #tpu.memory_space<semaphore_mem>> -> memref<!tpu.dma_semaphore, #tpu.memory_space<semaphore_mem>>
      tpu.enqueue_indirect_dma source(%dma_start3A_351 : memref<9216x256xf32, #tpu.memory_space<hbm>>) target(%dma_start3A_345 : memref<128x256xf32, #tpu.memory_space<vmem>>) offsets(%dma_start3A_348 : memref<128xi32, #tpu.memory_space<vmem>>) semaphore(%dma_start3A_353 : memref<!tpu.dma_semaphore, #tpu.memory_space<semaphore_mem>>)
    } else {
    }
    %convert_element_type3A_108 = arith.extui %gt3A_41 : i1 to i32
    %cond3A_109 = arith.constant 0 : i32
    %cond3A_110 = arith.cmpi ne, %convert_element_type3A_108, %cond3A_109 : i32
    scf.if %cond3A_110 {
      %dma_wait3A_340 = arith.constant 1 : i32
      %dma_wait3A_341 = arith.constant 1 : i32
      %dma_wait3A_342 = arith.constant 1 : i32
      %dma_wait3A_343 = arith.constant 0 : i32
      %dma_wait3A_344 = arith.constant 0 : i32
      %dma_wait3A_345 = tpu.memref_slice %arg8[%dma_wait3A_341, %dma_wait3A_343, %dma_wait3A_344] : memref<2x128x256xf32, #tpu.memory_space<vmem>> -> memref<1x128x256xf32, #tpu.memory_space<vmem>>
      %dma_wait3A_346 = tpu.memref_squeeze %dma_wait3A_345 : memref<1x128x256xf32, #tpu.memory_space<vmem>> -> memref<128x256xf32, #tpu.memory_space<vmem>>
      %dma_wait3A_347 = arith.constant 0 : i32
      %dma_wait3A_348 = tpu.memref_slice %arg6[%dma_wait3A_340, %dma_wait3A_347] : memref<8x128xi32, #tpu.memory_space<vmem>> -> memref<1x128xi32, #tpu.memory_space<vmem>>
      %dma_wait3A_349 = tpu.memref_squeeze %dma_wait3A_348 : memref<1x128xi32, #tpu.memory_space<vmem>> -> memref<128xi32, #tpu.memory_space<vmem>>
      %dma_wait3A_350 = arith.constant 0 : i32
      %dma_wait3A_351 = arith.constant 0 : i32
      %dma_wait3A_352 = tpu.memref_slice %arg2[%dma_wait3A_350, %dma_wait3A_351] : memref<9216x256xf32, #tpu.memory_space<hbm>> -> memref<9216x256xf32, #tpu.memory_space<hbm>>
      %dma_wait3A_353 = tpu.memref_slice %arg10[%dma_wait3A_342] : memref<2x!tpu.dma_semaphore, #tpu.memory_space<semaphore_mem>> -> memref<1x!tpu.dma_semaphore, #tpu.memory_space<semaphore_mem>>
      %dma_wait3A_354 = tpu.memref_squeeze %dma_wait3A_353 : memref<1x!tpu.dma_semaphore, #tpu.memory_space<semaphore_mem>> -> memref<!tpu.dma_semaphore, #tpu.memory_space<semaphore_mem>>
      tpu.wait_indirect_dma semaphore(%dma_wait3A_354 : memref<!tpu.dma_semaphore, #tpu.memory_space<semaphore_mem>>) src(%dma_wait3A_352 : memref<9216x256xf32, #tpu.memory_space<hbm>>) dst(%dma_wait3A_346 : memref<128x256xf32, #tpu.memory_space<vmem>>)
      %mul3A_355 = arith.constant 2048 : i32
      %mul3A_356 = arith.muli %select_n3A_9, %mul3A_355 : i32
      %add3A_357 = arith.constant 2 : i32
      %add3A_358 = arith.addi %select_n3A_30, %add3A_357 : i32
      %mul3A_359 = arith.constant 128 : i32
      %mul3A_360 = arith.muli %add3A_358, %mul3A_359 : i32
      %add3A_361 = arith.addi %mul3A_356, %mul3A_360 : i32
      %dma_start3A = arith.constant 1 : i32
      %dma_start3A_362 = arith.constant 1 : i32
      %dma_start3A_363 = arith.constant 0 : i32
      %dma_start3A_364 = arith.constant 0 : i32
      %dma_start3A_365 = tpu.memref_slice %arg8[%dma_start3A, %dma_start3A_363, %dma_start3A_364] : memref<2x128x256xf32, #tpu.memory_space<vmem>> -> memref<1x128x256xf32, #tpu.memory_space<vmem>>
      %dma_start3A_366 = tpu.memref_squeeze %dma_start3A_365 : memref<1x128x256xf32, #tpu.memory_space<vmem>> -> memref<128x256xf32, #tpu.memory_space<vmem>>
      %dma_start3A_367 = arith.constant 0 : i32
      %dma_start3A_368 = tpu.memref_slice %arg5[%add3A_361, %dma_start3A_367] : memref<32768x256xf32, #tpu.memory_space<hbm>> -> memref<128x256xf32, #tpu.memory_space<hbm>>
      %dma_start3A_369 = tpu.memref_slice %arg11[%dma_start3A_362] : memref<2x!tpu.dma_semaphore, #tpu.memory_space<semaphore_mem>> -> memref<1x!tpu.dma_semaphore, #tpu.memory_space<semaphore_mem>>
      %dma_start3A_370 = tpu.memref_squeeze %dma_start3A_369 : memref<1x!tpu.dma_semaphore, #tpu.memory_space<semaphore_mem>> -> memref<!tpu.dma_semaphore, #tpu.memory_space<semaphore_mem>>
      %dma_start3A_371 = arith.constant 0 : i32
      %dma_start3A_372 = tpu.memref_slice %arg5[%add3A_361, %dma_start3A_371] : memref<32768x256xf32, #tpu.memory_space<hbm>> -> memref<128x256xf32, #tpu.memory_space<hbm>>
      %dma_start3A_373 = arith.constant 0 : i32
      %dma_start3A_374 = arith.constant 0 : i32
      %dma_start3A_375 = tpu.memref_slice %arg8[%dma_start3A, %dma_start3A_373, %dma_start3A_374] : memref<2x128x256xf32, #tpu.memory_space<vmem>> -> memref<1x128x256xf32, #tpu.memory_space<vmem>>
      %dma_start3A_376 = tpu.memref_squeeze %dma_start3A_375 : memref<1x128x256xf32, #tpu.memory_space<vmem>> -> memref<128x256xf32, #tpu.memory_space<vmem>>
      tpu.enqueue_dma source(%dma_start3A_376 : memref<128x256xf32, #tpu.memory_space<vmem>>) target(%dma_start3A_372 : memref<128x256xf32, #tpu.memory_space<hbm>>) target_semaphore(%dma_start3A_370 : memref<!tpu.dma_semaphore, #tpu.memory_space<semaphore_mem>>)
    } else {
    }
    %not3A_111 = arith.constant true
    %not3A_112 = arith.xori %gt3A_41, %not3A_111 : i1
    %convert_element_type3A_113 = arith.extui %not3A_112 : i1 to i32
    %cond3A_114 = arith.constant 0 : i32
    %cond3A_115 = arith.cmpi ne, %convert_element_type3A_113, %cond3A_114 : i32
    scf.if %cond3A_115 {
      %mul3A_340 = arith.constant 2048 : i32
      %mul3A_341 = arith.muli %select_n3A_9, %mul3A_340 : i32
      %add3A_342 = arith.constant 2 : i32
      %add3A_343 = arith.addi %select_n3A_30, %add3A_342 : i32
      %mul3A_344 = arith.constant 128 : i32
      %mul3A_345 = arith.muli %add3A_343, %mul3A_344 : i32
      %add3A_346 = arith.addi %mul3A_341, %mul3A_345 : i32
      %dma_start3A = arith.constant 1 : i32
      %dma_start3A_347 = arith.constant 0 : i32
      %dma_start3A_348 = tpu.memref_slice %arg5[%add3A_346, %dma_start3A_347] : memref<32768x256xf32, #tpu.memory_space<hbm>> -> memref<128x256xf32, #tpu.memory_space<hbm>>
      %dma_start3A_349 = tpu.memref_slice %arg11[%dma_start3A] : memref<2x!tpu.dma_semaphore, #tpu.memory_space<semaphore_mem>> -> memref<1x!tpu.dma_semaphore, #tpu.memory_space<semaphore_mem>>
      %dma_start3A_350 = tpu.memref_squeeze %dma_start3A_349 : memref<1x!tpu.dma_semaphore, #tpu.memory_space<semaphore_mem>> -> memref<!tpu.dma_semaphore, #tpu.memory_space<semaphore_mem>>
      %dma_start3A_351 = arith.constant 0 : i32
      %dma_start3A_352 = tpu.memref_slice %arg5[%add3A_346, %dma_start3A_351] : memref<32768x256xf32, #tpu.memory_space<hbm>> -> memref<128x256xf32, #tpu.memory_space<hbm>>
      tpu.enqueue_dma source(%arg9 : memref<128x256xf32, #tpu.memory_space<vmem>>) target(%dma_start3A_352 : memref<128x256xf32, #tpu.memory_space<hbm>>) target_semaphore(%dma_start3A_350 : memref<!tpu.dma_semaphore, #tpu.memory_space<semaphore_mem>>)
    } else {
    }
    %mul3A_116 = arith.constant 2048 : i32
    %mul3A_117 = arith.muli %select_n3A_9, %mul3A_116 : i32
    %add3A_118 = arith.constant 2 : i32
    %add3A_119 = arith.addi %select_n3A_30, %add3A_118 : i32
    %mul3A_120 = arith.constant 128 : i32
    %mul3A_121 = arith.muli %add3A_119, %mul3A_120 : i32
    %add3A_122 = arith.addi %mul3A_117, %mul3A_121 : i32
    %dma_wait3A_123 = arith.constant 1 : i32
    %dma_wait3A_124 = arith.constant 1 : i32
    %dma_wait3A_125 = arith.constant 0 : i32
    %dma_wait3A_126 = arith.constant 0 : i32
    %dma_wait3A_127 = tpu.memref_slice %arg8[%dma_wait3A_123, %dma_wait3A_125, %dma_wait3A_126] : memref<2x128x256xf32, #tpu.memory_space<vmem>> -> memref<1x128x256xf32, #tpu.memory_space<vmem>>
    %dma_wait3A_128 = tpu.memref_squeeze %dma_wait3A_127 : memref<1x128x256xf32, #tpu.memory_space<vmem>> -> memref<128x256xf32, #tpu.memory_space<vmem>>
    %dma_wait3A_129 = arith.constant 0 : i32
    %dma_wait3A_130 = tpu.memref_slice %arg5[%add3A_122, %dma_wait3A_129] : memref<32768x256xf32, #tpu.memory_space<hbm>> -> memref<128x256xf32, #tpu.memory_space<hbm>>
    %dma_wait3A_131 = tpu.memref_slice %arg11[%dma_wait3A_124] : memref<2x!tpu.dma_semaphore, #tpu.memory_space<semaphore_mem>> -> memref<1x!tpu.dma_semaphore, #tpu.memory_space<semaphore_mem>>
    %dma_wait3A_132 = tpu.memref_squeeze %dma_wait3A_131 : memref<1x!tpu.dma_semaphore, #tpu.memory_space<semaphore_mem>> -> memref<!tpu.dma_semaphore, #tpu.memory_space<semaphore_mem>>
    %dma_wait3A_133 = arith.constant 0 : i32
    %dma_wait3A_134 = tpu.memref_slice %arg5[%add3A_122, %dma_wait3A_133] : memref<32768x256xf32, #tpu.memory_space<hbm>> -> memref<128x256xf32, #tpu.memory_space<hbm>>
    %dma_wait3A_135 = arith.constant 0 : i32
    %dma_wait3A_136 = arith.constant 0 : i32
    %dma_wait3A_137 = tpu.memref_slice %arg8[%dma_wait3A_123, %dma_wait3A_135, %dma_wait3A_136] : memref<2x128x256xf32, #tpu.memory_space<vmem>> -> memref<1x128x256xf32, #tpu.memory_space<vmem>>
    %dma_wait3A_138 = tpu.memref_squeeze %dma_wait3A_137 : memref<1x128x256xf32, #tpu.memory_space<vmem>> -> memref<128x256xf32, #tpu.memory_space<vmem>>
    tpu.wait_dma2 semaphore(%dma_wait3A_132 : memref<!tpu.dma_semaphore, #tpu.memory_space<semaphore_mem>>) src(%dma_wait3A_138 : memref<128x256xf32, #tpu.memory_space<vmem>>) dst(%dma_wait3A_134 : memref<128x256xf32, #tpu.memory_space<hbm>>)
    %convert_element_type3A_139 = arith.extui %gt3A_51 : i1 to i32
    %cond3A_140 = arith.constant 0 : i32
    %cond3A_141 = arith.cmpi ne, %convert_element_type3A_139, %cond3A_140 : i32
    scf.if %cond3A_141 {
      %dma_start3A = arith.constant 3 : i32
      %dma_start3A_340 = arith.constant 1 : i32
      %dma_start3A_341 = arith.constant 1 : i32
      %dma_start3A_342 = arith.constant 0 : i32
      %dma_start3A_343 = arith.constant 0 : i32
      %dma_start3A_344 = tpu.memref_slice %arg8[%dma_start3A_340, %dma_start3A_342, %dma_start3A_343] : memref<2x128x256xf32, #tpu.memory_space<vmem>> -> memref<1x128x256xf32, #tpu.memory_space<vmem>>
      %dma_start3A_345 = tpu.memref_squeeze %dma_start3A_344 : memref<1x128x256xf32, #tpu.memory_space<vmem>> -> memref<128x256xf32, #tpu.memory_space<vmem>>
      %dma_start3A_346 = arith.constant 0 : i32
      %dma_start3A_347 = tpu.memref_slice %arg6[%dma_start3A, %dma_start3A_346] : memref<8x128xi32, #tpu.memory_space<vmem>> -> memref<1x128xi32, #tpu.memory_space<vmem>>
      %dma_start3A_348 = tpu.memref_squeeze %dma_start3A_347 : memref<1x128xi32, #tpu.memory_space<vmem>> -> memref<128xi32, #tpu.memory_space<vmem>>
      %dma_start3A_349 = arith.constant 0 : i32
      %dma_start3A_350 = arith.constant 0 : i32
      %dma_start3A_351 = tpu.memref_slice %arg2[%dma_start3A_349, %dma_start3A_350] : memref<9216x256xf32, #tpu.memory_space<hbm>> -> memref<9216x256xf32, #tpu.memory_space<hbm>>
      %dma_start3A_352 = tpu.memref_slice %arg10[%dma_start3A_341] : memref<2x!tpu.dma_semaphore, #tpu.memory_space<semaphore_mem>> -> memref<1x!tpu.dma_semaphore, #tpu.memory_space<semaphore_mem>>
      %dma_start3A_353 = tpu.memref_squeeze %dma_start3A_352 : memref<1x!tpu.dma_semaphore, #tpu.memory_space<semaphore_mem>> -> memref<!tpu.dma_semaphore, #tpu.memory_space<semaphore_mem>>
      tpu.enqueue_indirect_dma source(%dma_start3A_351 : memref<9216x256xf32, #tpu.memory_space<hbm>>) target(%dma_start3A_345 : memref<128x256xf32, #tpu.memory_space<vmem>>) offsets(%dma_start3A_348 : memref<128xi32, #tpu.memory_space<vmem>>) semaphore(%dma_start3A_353 : memref<!tpu.dma_semaphore, #tpu.memory_space<semaphore_mem>>)
    } else {
    }
    %convert_element_type3A_142 = arith.extui %gt3A_46 : i1 to i32
    %cond3A_143 = arith.constant 0 : i32
    %cond3A_144 = arith.cmpi ne, %convert_element_type3A_142, %cond3A_143 : i32
    scf.if %cond3A_144 {
      %dma_wait3A_340 = arith.constant 2 : i32
      %dma_wait3A_341 = arith.constant 0 : i32
      %dma_wait3A_342 = arith.constant 0 : i32
      %dma_wait3A_343 = arith.constant 0 : i32
      %dma_wait3A_344 = arith.constant 0 : i32
      %dma_wait3A_345 = tpu.memref_slice %arg8[%dma_wait3A_341, %dma_wait3A_343, %dma_wait3A_344] : memref<2x128x256xf32, #tpu.memory_space<vmem>> -> memref<1x128x256xf32, #tpu.memory_space<vmem>>
      %dma_wait3A_346 = tpu.memref_squeeze %dma_wait3A_345 : memref<1x128x256xf32, #tpu.memory_space<vmem>> -> memref<128x256xf32, #tpu.memory_space<vmem>>
      %dma_wait3A_347 = arith.constant 0 : i32
      %dma_wait3A_348 = tpu.memref_slice %arg6[%dma_wait3A_340, %dma_wait3A_347] : memref<8x128xi32, #tpu.memory_space<vmem>> -> memref<1x128xi32, #tpu.memory_space<vmem>>
      %dma_wait3A_349 = tpu.memref_squeeze %dma_wait3A_348 : memref<1x128xi32, #tpu.memory_space<vmem>> -> memref<128xi32, #tpu.memory_space<vmem>>
      %dma_wait3A_350 = arith.constant 0 : i32
      %dma_wait3A_351 = arith.constant 0 : i32
      %dma_wait3A_352 = tpu.memref_slice %arg2[%dma_wait3A_350, %dma_wait3A_351] : memref<9216x256xf32, #tpu.memory_space<hbm>> -> memref<9216x256xf32, #tpu.memory_space<hbm>>
      %dma_wait3A_353 = tpu.memref_slice %arg10[%dma_wait3A_342] : memref<2x!tpu.dma_semaphore, #tpu.memory_space<semaphore_mem>> -> memref<1x!tpu.dma_semaphore, #tpu.memory_space<semaphore_mem>>
      %dma_wait3A_354 = tpu.memref_squeeze %dma_wait3A_353 : memref<1x!tpu.dma_semaphore, #tpu.memory_space<semaphore_mem>> -> memref<!tpu.dma_semaphore, #tpu.memory_space<semaphore_mem>>
      tpu.wait_indirect_dma semaphore(%dma_wait3A_354 : memref<!tpu.dma_semaphore, #tpu.memory_space<semaphore_mem>>) src(%dma_wait3A_352 : memref<9216x256xf32, #tpu.memory_space<hbm>>) dst(%dma_wait3A_346 : memref<128x256xf32, #tpu.memory_space<vmem>>)
      %mul3A_355 = arith.constant 2048 : i32
      %mul3A_356 = arith.muli %select_n3A_9, %mul3A_355 : i32
      %add3A_357 = arith.constant 4 : i32
      %add3A_358 = arith.addi %select_n3A_30, %add3A_357 : i32
      %mul3A_359 = arith.constant 128 : i32
      %mul3A_360 = arith.muli %add3A_358, %mul3A_359 : i32
      %add3A_361 = arith.addi %mul3A_356, %mul3A_360 : i32
      %dma_start3A = arith.constant 0 : i32
      %dma_start3A_362 = arith.constant 0 : i32
      %dma_start3A_363 = arith.constant 0 : i32
      %dma_start3A_364 = arith.constant 0 : i32
      %dma_start3A_365 = tpu.memref_slice %arg8[%dma_start3A, %dma_start3A_363, %dma_start3A_364] : memref<2x128x256xf32, #tpu.memory_space<vmem>> -> memref<1x128x256xf32, #tpu.memory_space<vmem>>
      %dma_start3A_366 = tpu.memref_squeeze %dma_start3A_365 : memref<1x128x256xf32, #tpu.memory_space<vmem>> -> memref<128x256xf32, #tpu.memory_space<vmem>>
      %dma_start3A_367 = arith.constant 0 : i32
      %dma_start3A_368 = tpu.memref_slice %arg5[%add3A_361, %dma_start3A_367] : memref<32768x256xf32, #tpu.memory_space<hbm>> -> memref<128x256xf32, #tpu.memory_space<hbm>>
      %dma_start3A_369 = tpu.memref_slice %arg11[%dma_start3A_362] : memref<2x!tpu.dma_semaphore, #tpu.memory_space<semaphore_mem>> -> memref<1x!tpu.dma_semaphore, #tpu.memory_space<semaphore_mem>>
      %dma_start3A_370 = tpu.memref_squeeze %dma_start3A_369 : memref<1x!tpu.dma_semaphore, #tpu.memory_space<semaphore_mem>> -> memref<!tpu.dma_semaphore, #tpu.memory_space<semaphore_mem>>
      %dma_start3A_371 = arith.constant 0 : i32
      %dma_start3A_372 = tpu.memref_slice %arg5[%add3A_361, %dma_start3A_371] : memref<32768x256xf32, #tpu.memory_space<hbm>> -> memref<128x256xf32, #tpu.memory_space<hbm>>
      %dma_start3A_373 = arith.constant 0 : i32
      %dma_start3A_374 = arith.constant 0 : i32
      %dma_start3A_375 = tpu.memref_slice %arg8[%dma_start3A, %dma_start3A_373, %dma_start3A_374] : memref<2x128x256xf32, #tpu.memory_space<vmem>> -> memref<1x128x256xf32, #tpu.memory_space<vmem>>
      %dma_start3A_376 = tpu.memref_squeeze %dma_start3A_375 : memref<1x128x256xf32, #tpu.memory_space<vmem>> -> memref<128x256xf32, #tpu.memory_space<vmem>>
      tpu.enqueue_dma source(%dma_start3A_376 : memref<128x256xf32, #tpu.memory_space<vmem>>) target(%dma_start3A_372 : memref<128x256xf32, #tpu.memory_space<hbm>>) target_semaphore(%dma_start3A_370 : memref<!tpu.dma_semaphore, #tpu.memory_space<semaphore_mem>>)
    } else {
    }
    %not3A_145 = arith.constant true
    %not3A_146 = arith.xori %gt3A_46, %not3A_145 : i1
    %convert_element_type3A_147 = arith.extui %not3A_146 : i1 to i32
    %cond3A_148 = arith.constant 0 : i32
    %cond3A_149 = arith.cmpi ne, %convert_element_type3A_147, %cond3A_148 : i32
    scf.if %cond3A_149 {
      %mul3A_340 = arith.constant 2048 : i32
      %mul3A_341 = arith.muli %select_n3A_9, %mul3A_340 : i32
      %add3A_342 = arith.constant 4 : i32
      %add3A_343 = arith.addi %select_n3A_30, %add3A_342 : i32
      %mul3A_344 = arith.constant 128 : i32
      %mul3A_345 = arith.muli %add3A_343, %mul3A_344 : i32
      %add3A_346 = arith.addi %mul3A_341, %mul3A_345 : i32
      %dma_start3A = arith.constant 0 : i32
      %dma_start3A_347 = arith.constant 0 : i32
      %dma_start3A_348 = tpu.memref_slice %arg5[%add3A_346, %dma_start3A_347] : memref<32768x256xf32, #tpu.memory_space<hbm>> -> memref<128x256xf32, #tpu.memory_space<hbm>>
      %dma_start3A_349 = tpu.memref_slice %arg11[%dma_start3A] : memref<2x!tpu.dma_semaphore, #tpu.memory_space<semaphore_mem>> -> memref<1x!tpu.dma_semaphore, #tpu.memory_space<semaphore_mem>>
      %dma_start3A_350 = tpu.memref_squeeze %dma_start3A_349 : memref<1x!tpu.dma_semaphore, #tpu.memory_space<semaphore_mem>> -> memref<!tpu.dma_semaphore, #tpu.memory_space<semaphore_mem>>
      %dma_start3A_351 = arith.constant 0 : i32
      %dma_start3A_352 = tpu.memref_slice %arg5[%add3A_346, %dma_start3A_351] : memref<32768x256xf32, #tpu.memory_space<hbm>> -> memref<128x256xf32, #tpu.memory_space<hbm>>
      tpu.enqueue_dma source(%arg9 : memref<128x256xf32, #tpu.memory_space<vmem>>) target(%dma_start3A_352 : memref<128x256xf32, #tpu.memory_space<hbm>>) target_semaphore(%dma_start3A_350 : memref<!tpu.dma_semaphore, #tpu.memory_space<semaphore_mem>>)
    } else {
    }
    %mul3A_150 = arith.constant 2048 : i32
    %mul3A_151 = arith.muli %select_n3A_9, %mul3A_150 : i32
    %add3A_152 = arith.constant 4 : i32
    %add3A_153 = arith.addi %select_n3A_30, %add3A_152 : i32
    %mul3A_154 = arith.constant 128 : i32
    %mul3A_155 = arith.muli %add3A_153, %mul3A_154 : i32
    %add3A_156 = arith.addi %mul3A_151, %mul3A_155 : i32
    %dma_wait3A_157 = arith.constant 0 : i32
    %dma_wait3A_158 = arith.constant 0 : i32
    %dma_wait3A_159 = arith.constant 0 : i32
    %dma_wait3A_160 = arith.constant 0 : i32
    %dma_wait3A_161 = tpu.memref_slice %arg8[%dma_wait3A_157, %dma_wait3A_159, %dma_wait3A_160] : memref<2x128x256xf32, #tpu.memory_space<vmem>> -> memref<1x128x256xf32, #tpu.memory_space<vmem>>
    %dma_wait3A_162 = tpu.memref_squeeze %dma_wait3A_161 : memref<1x128x256xf32, #tpu.memory_space<vmem>> -> memref<128x256xf32, #tpu.memory_space<vmem>>
    %dma_wait3A_163 = arith.constant 0 : i32
    %dma_wait3A_164 = tpu.memref_slice %arg5[%add3A_156, %dma_wait3A_163] : memref<32768x256xf32, #tpu.memory_space<hbm>> -> memref<128x256xf32, #tpu.memory_space<hbm>>
    %dma_wait3A_165 = tpu.memref_slice %arg11[%dma_wait3A_158] : memref<2x!tpu.dma_semaphore, #tpu.memory_space<semaphore_mem>> -> memref<1x!tpu.dma_semaphore, #tpu.memory_space<semaphore_mem>>
    %dma_wait3A_166 = tpu.memref_squeeze %dma_wait3A_165 : memref<1x!tpu.dma_semaphore, #tpu.memory_space<semaphore_mem>> -> memref<!tpu.dma_semaphore, #tpu.memory_space<semaphore_mem>>
    %dma_wait3A_167 = arith.constant 0 : i32
    %dma_wait3A_168 = tpu.memref_slice %arg5[%add3A_156, %dma_wait3A_167] : memref<32768x256xf32, #tpu.memory_space<hbm>> -> memref<128x256xf32, #tpu.memory_space<hbm>>
    %dma_wait3A_169 = arith.constant 0 : i32
    %dma_wait3A_170 = arith.constant 0 : i32
    %dma_wait3A_171 = tpu.memref_slice %arg8[%dma_wait3A_157, %dma_wait3A_169, %dma_wait3A_170] : memref<2x128x256xf32, #tpu.memory_space<vmem>> -> memref<1x128x256xf32, #tpu.memory_space<vmem>>
    %dma_wait3A_172 = tpu.memref_squeeze %dma_wait3A_171 : memref<1x128x256xf32, #tpu.memory_space<vmem>> -> memref<128x256xf32, #tpu.memory_space<vmem>>
    tpu.wait_dma2 semaphore(%dma_wait3A_166 : memref<!tpu.dma_semaphore, #tpu.memory_space<semaphore_mem>>) src(%dma_wait3A_172 : memref<128x256xf32, #tpu.memory_space<vmem>>) dst(%dma_wait3A_168 : memref<128x256xf32, #tpu.memory_space<hbm>>)
    %convert_element_type3A_173 = arith.extui %gt3A_56 : i1 to i32
    %cond3A_174 = arith.constant 0 : i32
    %cond3A_175 = arith.cmpi ne, %convert_element_type3A_173, %cond3A_174 : i32
    scf.if %cond3A_175 {
      %dma_start3A = arith.constant 4 : i32
      %dma_start3A_340 = arith.constant 0 : i32
      %dma_start3A_341 = arith.constant 0 : i32
      %dma_start3A_342 = arith.constant 0 : i32
      %dma_start3A_343 = arith.constant 0 : i32
      %dma_start3A_344 = tpu.memref_slice %arg8[%dma_start3A_340, %dma_start3A_342, %dma_start3A_343] : memref<2x128x256xf32, #tpu.memory_space<vmem>> -> memref<1x128x256xf32, #tpu.memory_space<vmem>>
      %dma_start3A_345 = tpu.memref_squeeze %dma_start3A_344 : memref<1x128x256xf32, #tpu.memory_space<vmem>> -> memref<128x256xf32, #tpu.memory_space<vmem>>
      %dma_start3A_346 = arith.constant 0 : i32
      %dma_start3A_347 = tpu.memref_slice %arg6[%dma_start3A, %dma_start3A_346] : memref<8x128xi32, #tpu.memory_space<vmem>> -> memref<1x128xi32, #tpu.memory_space<vmem>>
      %dma_start3A_348 = tpu.memref_squeeze %dma_start3A_347 : memref<1x128xi32, #tpu.memory_space<vmem>> -> memref<128xi32, #tpu.memory_space<vmem>>
      %dma_start3A_349 = arith.constant 0 : i32
      %dma_start3A_350 = arith.constant 0 : i32
      %dma_start3A_351 = tpu.memref_slice %arg2[%dma_start3A_349, %dma_start3A_350] : memref<9216x256xf32, #tpu.memory_space<hbm>> -> memref<9216x256xf32, #tpu.memory_space<hbm>>
      %dma_start3A_352 = tpu.memref_slice %arg10[%dma_start3A_341] : memref<2x!tpu.dma_semaphore, #tpu.memory_space<semaphore_mem>> -> memref<1x!tpu.dma_semaphore, #tpu.memory_space<semaphore_mem>>
      %dma_start3A_353 = tpu.memref_squeeze %dma_start3A_352 : memref<1x!tpu.dma_semaphore, #tpu.memory_space<semaphore_mem>> -> memref<!tpu.dma_semaphore, #tpu.memory_space<semaphore_mem>>
      tpu.enqueue_indirect_dma source(%dma_start3A_351 : memref<9216x256xf32, #tpu.memory_space<hbm>>) target(%dma_start3A_345 : memref<128x256xf32, #tpu.memory_space<vmem>>) offsets(%dma_start3A_348 : memref<128xi32, #tpu.memory_space<vmem>>) semaphore(%dma_start3A_353 : memref<!tpu.dma_semaphore, #tpu.memory_space<semaphore_mem>>)
    } else {
    }
    %convert_element_type3A_176 = arith.extui %gt3A_51 : i1 to i32
    %cond3A_177 = arith.constant 0 : i32
    %cond3A_178 = arith.cmpi ne, %convert_element_type3A_176, %cond3A_177 : i32
    scf.if %cond3A_178 {
      %dma_wait3A_340 = arith.constant 3 : i32
      %dma_wait3A_341 = arith.constant 1 : i32
      %dma_wait3A_342 = arith.constant 1 : i32
      %dma_wait3A_343 = arith.constant 0 : i32
      %dma_wait3A_344 = arith.constant 0 : i32
      %dma_wait3A_345 = tpu.memref_slice %arg8[%dma_wait3A_341, %dma_wait3A_343, %dma_wait3A_344] : memref<2x128x256xf32, #tpu.memory_space<vmem>> -> memref<1x128x256xf32, #tpu.memory_space<vmem>>
      %dma_wait3A_346 = tpu.memref_squeeze %dma_wait3A_345 : memref<1x128x256xf32, #tpu.memory_space<vmem>> -> memref<128x256xf32, #tpu.memory_space<vmem>>
      %dma_wait3A_347 = arith.constant 0 : i32
      %dma_wait3A_348 = tpu.memref_slice %arg6[%dma_wait3A_340, %dma_wait3A_347] : memref<8x128xi32, #tpu.memory_space<vmem>> -> memref<1x128xi32, #tpu.memory_space<vmem>>
      %dma_wait3A_349 = tpu.memref_squeeze %dma_wait3A_348 : memref<1x128xi32, #tpu.memory_space<vmem>> -> memref<128xi32, #tpu.memory_space<vmem>>
      %dma_wait3A_350 = arith.constant 0 : i32
      %dma_wait3A_351 = arith.constant 0 : i32
      %dma_wait3A_352 = tpu.memref_slice %arg2[%dma_wait3A_350, %dma_wait3A_351] : memref<9216x256xf32, #tpu.memory_space<hbm>> -> memref<9216x256xf32, #tpu.memory_space<hbm>>
      %dma_wait3A_353 = tpu.memref_slice %arg10[%dma_wait3A_342] : memref<2x!tpu.dma_semaphore, #tpu.memory_space<semaphore_mem>> -> memref<1x!tpu.dma_semaphore, #tpu.memory_space<semaphore_mem>>
      %dma_wait3A_354 = tpu.memref_squeeze %dma_wait3A_353 : memref<1x!tpu.dma_semaphore, #tpu.memory_space<semaphore_mem>> -> memref<!tpu.dma_semaphore, #tpu.memory_space<semaphore_mem>>
      tpu.wait_indirect_dma semaphore(%dma_wait3A_354 : memref<!tpu.dma_semaphore, #tpu.memory_space<semaphore_mem>>) src(%dma_wait3A_352 : memref<9216x256xf32, #tpu.memory_space<hbm>>) dst(%dma_wait3A_346 : memref<128x256xf32, #tpu.memory_space<vmem>>)
      %mul3A_355 = arith.constant 2048 : i32
      %mul3A_356 = arith.muli %select_n3A_9, %mul3A_355 : i32
      %add3A_357 = arith.constant 6 : i32
      %add3A_358 = arith.addi %select_n3A_30, %add3A_357 : i32
      %mul3A_359 = arith.constant 128 : i32
      %mul3A_360 = arith.muli %add3A_358, %mul3A_359 : i32
      %add3A_361 = arith.addi %mul3A_356, %mul3A_360 : i32
      %dma_start3A = arith.constant 1 : i32
      %dma_start3A_362 = arith.constant 1 : i32
      %dma_start3A_363 = arith.constant 0 : i32
      %dma_start3A_364 = arith.constant 0 : i32
      %dma_start3A_365 = tpu.memref_slice %arg8[%dma_start3A, %dma_start3A_363, %dma_start3A_364] : memref<2x128x256xf32, #tpu.memory_space<vmem>> -> memref<1x128x256xf32, #tpu.memory_space<vmem>>
      %dma_start3A_366 = tpu.memref_squeeze %dma_start3A_365 : memref<1x128x256xf32, #tpu.memory_space<vmem>> -> memref<128x256xf32, #tpu.memory_space<vmem>>
      %dma_start3A_367 = arith.constant 0 : i32
      %dma_start3A_368 = tpu.memref_slice %arg5[%add3A_361, %dma_start3A_367] : memref<32768x256xf32, #tpu.memory_space<hbm>> -> memref<128x256xf32, #tpu.memory_space<hbm>>
      %dma_start3A_369 = tpu.memref_slice %arg11[%dma_start3A_362] : memref<2x!tpu.dma_semaphore, #tpu.memory_space<semaphore_mem>> -> memref<1x!tpu.dma_semaphore, #tpu.memory_space<semaphore_mem>>
      %dma_start3A_370 = tpu.memref_squeeze %dma_start3A_369 : memref<1x!tpu.dma_semaphore, #tpu.memory_space<semaphore_mem>> -> memref<!tpu.dma_semaphore, #tpu.memory_space<semaphore_mem>>
      %dma_start3A_371 = arith.constant 0 : i32
      %dma_start3A_372 = tpu.memref_slice %arg5[%add3A_361, %dma_start3A_371] : memref<32768x256xf32, #tpu.memory_space<hbm>> -> memref<128x256xf32, #tpu.memory_space<hbm>>
      %dma_start3A_373 = arith.constant 0 : i32
      %dma_start3A_374 = arith.constant 0 : i32
      %dma_start3A_375 = tpu.memref_slice %arg8[%dma_start3A, %dma_start3A_373, %dma_start3A_374] : memref<2x128x256xf32, #tpu.memory_space<vmem>> -> memref<1x128x256xf32, #tpu.memory_space<vmem>>
      %dma_start3A_376 = tpu.memref_squeeze %dma_start3A_375 : memref<1x128x256xf32, #tpu.memory_space<vmem>> -> memref<128x256xf32, #tpu.memory_space<vmem>>
      tpu.enqueue_dma source(%dma_start3A_376 : memref<128x256xf32, #tpu.memory_space<vmem>>) target(%dma_start3A_372 : memref<128x256xf32, #tpu.memory_space<hbm>>) target_semaphore(%dma_start3A_370 : memref<!tpu.dma_semaphore, #tpu.memory_space<semaphore_mem>>)
    } else {
    }
    %not3A_179 = arith.constant true
    %not3A_180 = arith.xori %gt3A_51, %not3A_179 : i1
    %convert_element_type3A_181 = arith.extui %not3A_180 : i1 to i32
    %cond3A_182 = arith.constant 0 : i32
    %cond3A_183 = arith.cmpi ne, %convert_element_type3A_181, %cond3A_182 : i32
    scf.if %cond3A_183 {
      %mul3A_340 = arith.constant 2048 : i32
      %mul3A_341 = arith.muli %select_n3A_9, %mul3A_340 : i32
      %add3A_342 = arith.constant 6 : i32
      %add3A_343 = arith.addi %select_n3A_30, %add3A_342 : i32
      %mul3A_344 = arith.constant 128 : i32
      %mul3A_345 = arith.muli %add3A_343, %mul3A_344 : i32
      %add3A_346 = arith.addi %mul3A_341, %mul3A_345 : i32
      %dma_start3A = arith.constant 1 : i32
      %dma_start3A_347 = arith.constant 0 : i32
      %dma_start3A_348 = tpu.memref_slice %arg5[%add3A_346, %dma_start3A_347] : memref<32768x256xf32, #tpu.memory_space<hbm>> -> memref<128x256xf32, #tpu.memory_space<hbm>>
      %dma_start3A_349 = tpu.memref_slice %arg11[%dma_start3A] : memref<2x!tpu.dma_semaphore, #tpu.memory_space<semaphore_mem>> -> memref<1x!tpu.dma_semaphore, #tpu.memory_space<semaphore_mem>>
      %dma_start3A_350 = tpu.memref_squeeze %dma_start3A_349 : memref<1x!tpu.dma_semaphore, #tpu.memory_space<semaphore_mem>> -> memref<!tpu.dma_semaphore, #tpu.memory_space<semaphore_mem>>
      %dma_start3A_351 = arith.constant 0 : i32
      %dma_start3A_352 = tpu.memref_slice %arg5[%add3A_346, %dma_start3A_351] : memref<32768x256xf32, #tpu.memory_space<hbm>> -> memref<128x256xf32, #tpu.memory_space<hbm>>
      tpu.enqueue_dma source(%arg9 : memref<128x256xf32, #tpu.memory_space<vmem>>) target(%dma_start3A_352 : memref<128x256xf32, #tpu.memory_space<hbm>>) target_semaphore(%dma_start3A_350 : memref<!tpu.dma_semaphore, #tpu.memory_space<semaphore_mem>>)
    } else {
    }
    %mul3A_184 = arith.constant 2048 : i32
    %mul3A_185 = arith.muli %select_n3A_9, %mul3A_184 : i32
    %add3A_186 = arith.constant 6 : i32
    %add3A_187 = arith.addi %select_n3A_30, %add3A_186 : i32
    %mul3A_188 = arith.constant 128 : i32
    %mul3A_189 = arith.muli %add3A_187, %mul3A_188 : i32
    %add3A_190 = arith.addi %mul3A_185, %mul3A_189 : i32
    %dma_wait3A_191 = arith.constant 1 : i32
    %dma_wait3A_192 = arith.constant 1 : i32
    %dma_wait3A_193 = arith.constant 0 : i32
    %dma_wait3A_194 = arith.constant 0 : i32
    %dma_wait3A_195 = tpu.memref_slice %arg8[%dma_wait3A_191, %dma_wait3A_193, %dma_wait3A_194] : memref<2x128x256xf32, #tpu.memory_space<vmem>> -> memref<1x128x256xf32, #tpu.memory_space<vmem>>
    %dma_wait3A_196 = tpu.memref_squeeze %dma_wait3A_195 : memref<1x128x256xf32, #tpu.memory_space<vmem>> -> memref<128x256xf32, #tpu.memory_space<vmem>>
    %dma_wait3A_197 = arith.constant 0 : i32
    %dma_wait3A_198 = tpu.memref_slice %arg5[%add3A_190, %dma_wait3A_197] : memref<32768x256xf32, #tpu.memory_space<hbm>> -> memref<128x256xf32, #tpu.memory_space<hbm>>
    %dma_wait3A_199 = tpu.memref_slice %arg11[%dma_wait3A_192] : memref<2x!tpu.dma_semaphore, #tpu.memory_space<semaphore_mem>> -> memref<1x!tpu.dma_semaphore, #tpu.memory_space<semaphore_mem>>
    %dma_wait3A_200 = tpu.memref_squeeze %dma_wait3A_199 : memref<1x!tpu.dma_semaphore, #tpu.memory_space<semaphore_mem>> -> memref<!tpu.dma_semaphore, #tpu.memory_space<semaphore_mem>>
    %dma_wait3A_201 = arith.constant 0 : i32
    %dma_wait3A_202 = tpu.memref_slice %arg5[%add3A_190, %dma_wait3A_201] : memref<32768x256xf32, #tpu.memory_space<hbm>> -> memref<128x256xf32, #tpu.memory_space<hbm>>
    %dma_wait3A_203 = arith.constant 0 : i32
    %dma_wait3A_204 = arith.constant 0 : i32
    %dma_wait3A_205 = tpu.memref_slice %arg8[%dma_wait3A_191, %dma_wait3A_203, %dma_wait3A_204] : memref<2x128x256xf32, #tpu.memory_space<vmem>> -> memref<1x128x256xf32, #tpu.memory_space<vmem>>
    %dma_wait3A_206 = tpu.memref_squeeze %dma_wait3A_205 : memref<1x128x256xf32, #tpu.memory_space<vmem>> -> memref<128x256xf32, #tpu.memory_space<vmem>>
    tpu.wait_dma2 semaphore(%dma_wait3A_200 : memref<!tpu.dma_semaphore, #tpu.memory_space<semaphore_mem>>) src(%dma_wait3A_206 : memref<128x256xf32, #tpu.memory_space<vmem>>) dst(%dma_wait3A_202 : memref<128x256xf32, #tpu.memory_space<hbm>>)
    %convert_element_type3A_207 = arith.extui %gt3A_61 : i1 to i32
    %cond3A_208 = arith.constant 0 : i32
    %cond3A_209 = arith.cmpi ne, %convert_element_type3A_207, %cond3A_208 : i32
    scf.if %cond3A_209 {
      %dma_start3A = arith.constant 5 : i32
      %dma_start3A_340 = arith.constant 1 : i32
      %dma_start3A_341 = arith.constant 1 : i32
      %dma_start3A_342 = arith.constant 0 : i32
      %dma_start3A_343 = arith.constant 0 : i32
      %dma_start3A_344 = tpu.memref_slice %arg8[%dma_start3A_340, %dma_start3A_342, %dma_start3A_343] : memref<2x128x256xf32, #tpu.memory_space<vmem>> -> memref<1x128x256xf32, #tpu.memory_space<vmem>>
      %dma_start3A_345 = tpu.memref_squeeze %dma_start3A_344 : memref<1x128x256xf32, #tpu.memory_space<vmem>> -> memref<128x256xf32, #tpu.memory_space<vmem>>
      %dma_start3A_346 = arith.constant 0 : i32
      %dma_start3A_347 = tpu.memref_slice %arg6[%dma_start3A, %dma_start3A_346] : memref<8x128xi32, #tpu.memory_space<vmem>> -> memref<1x128xi32, #tpu.memory_space<vmem>>
      %dma_start3A_348 = tpu.memref_squeeze %dma_start3A_347 : memref<1x128xi32, #tpu.memory_space<vmem>> -> memref<128xi32, #tpu.memory_space<vmem>>
      %dma_start3A_349 = arith.constant 0 : i32
      %dma_start3A_350 = arith.constant 0 : i32
      %dma_start3A_351 = tpu.memref_slice %arg2[%dma_start3A_349, %dma_start3A_350] : memref<9216x256xf32, #tpu.memory_space<hbm>> -> memref<9216x256xf32, #tpu.memory_space<hbm>>
      %dma_start3A_352 = tpu.memref_slice %arg10[%dma_start3A_341] : memref<2x!tpu.dma_semaphore, #tpu.memory_space<semaphore_mem>> -> memref<1x!tpu.dma_semaphore, #tpu.memory_space<semaphore_mem>>
      %dma_start3A_353 = tpu.memref_squeeze %dma_start3A_352 : memref<1x!tpu.dma_semaphore, #tpu.memory_space<semaphore_mem>> -> memref<!tpu.dma_semaphore, #tpu.memory_space<semaphore_mem>>
      tpu.enqueue_indirect_dma source(%dma_start3A_351 : memref<9216x256xf32, #tpu.memory_space<hbm>>) target(%dma_start3A_345 : memref<128x256xf32, #tpu.memory_space<vmem>>) offsets(%dma_start3A_348 : memref<128xi32, #tpu.memory_space<vmem>>) semaphore(%dma_start3A_353 : memref<!tpu.dma_semaphore, #tpu.memory_space<semaphore_mem>>)
    } else {
    }
    %convert_element_type3A_210 = arith.extui %gt3A_56 : i1 to i32
    %cond3A_211 = arith.constant 0 : i32
    %cond3A_212 = arith.cmpi ne, %convert_element_type3A_210, %cond3A_211 : i32
    scf.if %cond3A_212 {
      %dma_wait3A_340 = arith.constant 4 : i32
      %dma_wait3A_341 = arith.constant 0 : i32
      %dma_wait3A_342 = arith.constant 0 : i32
      %dma_wait3A_343 = arith.constant 0 : i32
      %dma_wait3A_344 = arith.constant 0 : i32
      %dma_wait3A_345 = tpu.memref_slice %arg8[%dma_wait3A_341, %dma_wait3A_343, %dma_wait3A_344] : memref<2x128x256xf32, #tpu.memory_space<vmem>> -> memref<1x128x256xf32, #tpu.memory_space<vmem>>
      %dma_wait3A_346 = tpu.memref_squeeze %dma_wait3A_345 : memref<1x128x256xf32, #tpu.memory_space<vmem>> -> memref<128x256xf32, #tpu.memory_space<vmem>>
      %dma_wait3A_347 = arith.constant 0 : i32
      %dma_wait3A_348 = tpu.memref_slice %arg6[%dma_wait3A_340, %dma_wait3A_347] : memref<8x128xi32, #tpu.memory_space<vmem>> -> memref<1x128xi32, #tpu.memory_space<vmem>>
      %dma_wait3A_349 = tpu.memref_squeeze %dma_wait3A_348 : memref<1x128xi32, #tpu.memory_space<vmem>> -> memref<128xi32, #tpu.memory_space<vmem>>
      %dma_wait3A_350 = arith.constant 0 : i32
      %dma_wait3A_351 = arith.constant 0 : i32
      %dma_wait3A_352 = tpu.memref_slice %arg2[%dma_wait3A_350, %dma_wait3A_351] : memref<9216x256xf32, #tpu.memory_space<hbm>> -> memref<9216x256xf32, #tpu.memory_space<hbm>>
      %dma_wait3A_353 = tpu.memref_slice %arg10[%dma_wait3A_342] : memref<2x!tpu.dma_semaphore, #tpu.memory_space<semaphore_mem>> -> memref<1x!tpu.dma_semaphore, #tpu.memory_space<semaphore_mem>>
      %dma_wait3A_354 = tpu.memref_squeeze %dma_wait3A_353 : memref<1x!tpu.dma_semaphore, #tpu.memory_space<semaphore_mem>> -> memref<!tpu.dma_semaphore, #tpu.memory_space<semaphore_mem>>
      tpu.wait_indirect_dma semaphore(%dma_wait3A_354 : memref<!tpu.dma_semaphore, #tpu.memory_space<semaphore_mem>>) src(%dma_wait3A_352 : memref<9216x256xf32, #tpu.memory_space<hbm>>) dst(%dma_wait3A_346 : memref<128x256xf32, #tpu.memory_space<vmem>>)
      %mul3A_355 = arith.constant 2048 : i32
      %mul3A_356 = arith.muli %select_n3A_9, %mul3A_355 : i32
      %add3A_357 = arith.constant 8 : i32
      %add3A_358 = arith.addi %select_n3A_30, %add3A_357 : i32
      %mul3A_359 = arith.constant 128 : i32
      %mul3A_360 = arith.muli %add3A_358, %mul3A_359 : i32
      %add3A_361 = arith.addi %mul3A_356, %mul3A_360 : i32
      %dma_start3A = arith.constant 0 : i32
      %dma_start3A_362 = arith.constant 0 : i32
      %dma_start3A_363 = arith.constant 0 : i32
      %dma_start3A_364 = arith.constant 0 : i32
      %dma_start3A_365 = tpu.memref_slice %arg8[%dma_start3A, %dma_start3A_363, %dma_start3A_364] : memref<2x128x256xf32, #tpu.memory_space<vmem>> -> memref<1x128x256xf32, #tpu.memory_space<vmem>>
      %dma_start3A_366 = tpu.memref_squeeze %dma_start3A_365 : memref<1x128x256xf32, #tpu.memory_space<vmem>> -> memref<128x256xf32, #tpu.memory_space<vmem>>
      %dma_start3A_367 = arith.constant 0 : i32
      %dma_start3A_368 = tpu.memref_slice %arg5[%add3A_361, %dma_start3A_367] : memref<32768x256xf32, #tpu.memory_space<hbm>> -> memref<128x256xf32, #tpu.memory_space<hbm>>
      %dma_start3A_369 = tpu.memref_slice %arg11[%dma_start3A_362] : memref<2x!tpu.dma_semaphore, #tpu.memory_space<semaphore_mem>> -> memref<1x!tpu.dma_semaphore, #tpu.memory_space<semaphore_mem>>
      %dma_start3A_370 = tpu.memref_squeeze %dma_start3A_369 : memref<1x!tpu.dma_semaphore, #tpu.memory_space<semaphore_mem>> -> memref<!tpu.dma_semaphore, #tpu.memory_space<semaphore_mem>>
      %dma_start3A_371 = arith.constant 0 : i32
      %dma_start3A_372 = tpu.memref_slice %arg5[%add3A_361, %dma_start3A_371] : memref<32768x256xf32, #tpu.memory_space<hbm>> -> memref<128x256xf32, #tpu.memory_space<hbm>>
      %dma_start3A_373 = arith.constant 0 : i32
      %dma_start3A_374 = arith.constant 0 : i32
      %dma_start3A_375 = tpu.memref_slice %arg8[%dma_start3A, %dma_start3A_373, %dma_start3A_374] : memref<2x128x256xf32, #tpu.memory_space<vmem>> -> memref<1x128x256xf32, #tpu.memory_space<vmem>>
      %dma_start3A_376 = tpu.memref_squeeze %dma_start3A_375 : memref<1x128x256xf32, #tpu.memory_space<vmem>> -> memref<128x256xf32, #tpu.memory_space<vmem>>
      tpu.enqueue_dma source(%dma_start3A_376 : memref<128x256xf32, #tpu.memory_space<vmem>>) target(%dma_start3A_372 : memref<128x256xf32, #tpu.memory_space<hbm>>) target_semaphore(%dma_start3A_370 : memref<!tpu.dma_semaphore, #tpu.memory_space<semaphore_mem>>)
    } else {
    }
    %not3A_213 = arith.constant true
    %not3A_214 = arith.xori %gt3A_56, %not3A_213 : i1
    %convert_element_type3A_215 = arith.extui %not3A_214 : i1 to i32
    %cond3A_216 = arith.constant 0 : i32
    %cond3A_217 = arith.cmpi ne, %convert_element_type3A_215, %cond3A_216 : i32
    scf.if %cond3A_217 {
      %mul3A_340 = arith.constant 2048 : i32
      %mul3A_341 = arith.muli %select_n3A_9, %mul3A_340 : i32
      %add3A_342 = arith.constant 8 : i32
      %add3A_343 = arith.addi %select_n3A_30, %add3A_342 : i32
      %mul3A_344 = arith.constant 128 : i32
      %mul3A_345 = arith.muli %add3A_343, %mul3A_344 : i32
      %add3A_346 = arith.addi %mul3A_341, %mul3A_345 : i32
      %dma_start3A = arith.constant 0 : i32
      %dma_start3A_347 = arith.constant 0 : i32
      %dma_start3A_348 = tpu.memref_slice %arg5[%add3A_346, %dma_start3A_347] : memref<32768x256xf32, #tpu.memory_space<hbm>> -> memref<128x256xf32, #tpu.memory_space<hbm>>
      %dma_start3A_349 = tpu.memref_slice %arg11[%dma_start3A] : memref<2x!tpu.dma_semaphore, #tpu.memory_space<semaphore_mem>> -> memref<1x!tpu.dma_semaphore, #tpu.memory_space<semaphore_mem>>
      %dma_start3A_350 = tpu.memref_squeeze %dma_start3A_349 : memref<1x!tpu.dma_semaphore, #tpu.memory_space<semaphore_mem>> -> memref<!tpu.dma_semaphore, #tpu.memory_space<semaphore_mem>>
      %dma_start3A_351 = arith.constant 0 : i32
      %dma_start3A_352 = tpu.memref_slice %arg5[%add3A_346, %dma_start3A_351] : memref<32768x256xf32, #tpu.memory_space<hbm>> -> memref<128x256xf32, #tpu.memory_space<hbm>>
      tpu.enqueue_dma source(%arg9 : memref<128x256xf32, #tpu.memory_space<vmem>>) target(%dma_start3A_352 : memref<128x256xf32, #tpu.memory_space<hbm>>) target_semaphore(%dma_start3A_350 : memref<!tpu.dma_semaphore, #tpu.memory_space<semaphore_mem>>)
    } else {
    }
    %mul3A_218 = arith.constant 2048 : i32
    %mul3A_219 = arith.muli %select_n3A_9, %mul3A_218 : i32
    %add3A_220 = arith.constant 8 : i32
    %add3A_221 = arith.addi %select_n3A_30, %add3A_220 : i32
    %mul3A_222 = arith.constant 128 : i32
    %mul3A_223 = arith.muli %add3A_221, %mul3A_222 : i32
    %add3A_224 = arith.addi %mul3A_219, %mul3A_223 : i32
    %dma_wait3A_225 = arith.constant 0 : i32
    %dma_wait3A_226 = arith.constant 0 : i32
    %dma_wait3A_227 = arith.constant 0 : i32
    %dma_wait3A_228 = arith.constant 0 : i32
    %dma_wait3A_229 = tpu.memref_slice %arg8[%dma_wait3A_225, %dma_wait3A_227, %dma_wait3A_228] : memref<2x128x256xf32, #tpu.memory_space<vmem>> -> memref<1x128x256xf32, #tpu.memory_space<vmem>>
    %dma_wait3A_230 = tpu.memref_squeeze %dma_wait3A_229 : memref<1x128x256xf32, #tpu.memory_space<vmem>> -> memref<128x256xf32, #tpu.memory_space<vmem>>
    %dma_wait3A_231 = arith.constant 0 : i32
    %dma_wait3A_232 = tpu.memref_slice %arg5[%add3A_224, %dma_wait3A_231] : memref<32768x256xf32, #tpu.memory_space<hbm>> -> memref<128x256xf32, #tpu.memory_space<hbm>>
    %dma_wait3A_233 = tpu.memref_slice %arg11[%dma_wait3A_226] : memref<2x!tpu.dma_semaphore, #tpu.memory_space<semaphore_mem>> -> memref<1x!tpu.dma_semaphore, #tpu.memory_space<semaphore_mem>>
    %dma_wait3A_234 = tpu.memref_squeeze %dma_wait3A_233 : memref<1x!tpu.dma_semaphore, #tpu.memory_space<semaphore_mem>> -> memref<!tpu.dma_semaphore, #tpu.memory_space<semaphore_mem>>
    %dma_wait3A_235 = arith.constant 0 : i32
    %dma_wait3A_236 = tpu.memref_slice %arg5[%add3A_224, %dma_wait3A_235] : memref<32768x256xf32, #tpu.memory_space<hbm>> -> memref<128x256xf32, #tpu.memory_space<hbm>>
    %dma_wait3A_237 = arith.constant 0 : i32
    %dma_wait3A_238 = arith.constant 0 : i32
    %dma_wait3A_239 = tpu.memref_slice %arg8[%dma_wait3A_225, %dma_wait3A_237, %dma_wait3A_238] : memref<2x128x256xf32, #tpu.memory_space<vmem>> -> memref<1x128x256xf32, #tpu.memory_space<vmem>>
    %dma_wait3A_240 = tpu.memref_squeeze %dma_wait3A_239 : memref<1x128x256xf32, #tpu.memory_space<vmem>> -> memref<128x256xf32, #tpu.memory_space<vmem>>
    tpu.wait_dma2 semaphore(%dma_wait3A_234 : memref<!tpu.dma_semaphore, #tpu.memory_space<semaphore_mem>>) src(%dma_wait3A_240 : memref<128x256xf32, #tpu.memory_space<vmem>>) dst(%dma_wait3A_236 : memref<128x256xf32, #tpu.memory_space<hbm>>)
    %convert_element_type3A_241 = arith.extui %gt3A_66 : i1 to i32
    %cond3A_242 = arith.constant 0 : i32
    %cond3A_243 = arith.cmpi ne, %convert_element_type3A_241, %cond3A_242 : i32
    scf.if %cond3A_243 {
      %dma_start3A = arith.constant 6 : i32
      %dma_start3A_340 = arith.constant 0 : i32
      %dma_start3A_341 = arith.constant 0 : i32
      %dma_start3A_342 = arith.constant 0 : i32
      %dma_start3A_343 = arith.constant 0 : i32
      %dma_start3A_344 = tpu.memref_slice %arg8[%dma_start3A_340, %dma_start3A_342, %dma_start3A_343] : memref<2x128x256xf32, #tpu.memory_space<vmem>> -> memref<1x128x256xf32, #tpu.memory_space<vmem>>
      %dma_start3A_345 = tpu.memref_squeeze %dma_start3A_344 : memref<1x128x256xf32, #tpu.memory_space<vmem>> -> memref<128x256xf32, #tpu.memory_space<vmem>>
      %dma_start3A_346 = arith.constant 0 : i32
      %dma_start3A_347 = tpu.memref_slice %arg6[%dma_start3A, %dma_start3A_346] : memref<8x128xi32, #tpu.memory_space<vmem>> -> memref<1x128xi32, #tpu.memory_space<vmem>>
      %dma_start3A_348 = tpu.memref_squeeze %dma_start3A_347 : memref<1x128xi32, #tpu.memory_space<vmem>> -> memref<128xi32, #tpu.memory_space<vmem>>
      %dma_start3A_349 = arith.constant 0 : i32
      %dma_start3A_350 = arith.constant 0 : i32
      %dma_start3A_351 = tpu.memref_slice %arg2[%dma_start3A_349, %dma_start3A_350] : memref<9216x256xf32, #tpu.memory_space<hbm>> -> memref<9216x256xf32, #tpu.memory_space<hbm>>
      %dma_start3A_352 = tpu.memref_slice %arg10[%dma_start3A_341] : memref<2x!tpu.dma_semaphore, #tpu.memory_space<semaphore_mem>> -> memref<1x!tpu.dma_semaphore, #tpu.memory_space<semaphore_mem>>
      %dma_start3A_353 = tpu.memref_squeeze %dma_start3A_352 : memref<1x!tpu.dma_semaphore, #tpu.memory_space<semaphore_mem>> -> memref<!tpu.dma_semaphore, #tpu.memory_space<semaphore_mem>>
      tpu.enqueue_indirect_dma source(%dma_start3A_351 : memref<9216x256xf32, #tpu.memory_space<hbm>>) target(%dma_start3A_345 : memref<128x256xf32, #tpu.memory_space<vmem>>) offsets(%dma_start3A_348 : memref<128xi32, #tpu.memory_space<vmem>>) semaphore(%dma_start3A_353 : memref<!tpu.dma_semaphore, #tpu.memory_space<semaphore_mem>>)
    } else {
    }
    %convert_element_type3A_244 = arith.extui %gt3A_61 : i1 to i32
    %cond3A_245 = arith.constant 0 : i32
    %cond3A_246 = arith.cmpi ne, %convert_element_type3A_244, %cond3A_245 : i32
    scf.if %cond3A_246 {
      %dma_wait3A_340 = arith.constant 5 : i32
      %dma_wait3A_341 = arith.constant 1 : i32
      %dma_wait3A_342 = arith.constant 1 : i32
      %dma_wait3A_343 = arith.constant 0 : i32
      %dma_wait3A_344 = arith.constant 0 : i32
      %dma_wait3A_345 = tpu.memref_slice %arg8[%dma_wait3A_341, %dma_wait3A_343, %dma_wait3A_344] : memref<2x128x256xf32, #tpu.memory_space<vmem>> -> memref<1x128x256xf32, #tpu.memory_space<vmem>>
      %dma_wait3A_346 = tpu.memref_squeeze %dma_wait3A_345 : memref<1x128x256xf32, #tpu.memory_space<vmem>> -> memref<128x256xf32, #tpu.memory_space<vmem>>
      %dma_wait3A_347 = arith.constant 0 : i32
      %dma_wait3A_348 = tpu.memref_slice %arg6[%dma_wait3A_340, %dma_wait3A_347] : memref<8x128xi32, #tpu.memory_space<vmem>> -> memref<1x128xi32, #tpu.memory_space<vmem>>
      %dma_wait3A_349 = tpu.memref_squeeze %dma_wait3A_348 : memref<1x128xi32, #tpu.memory_space<vmem>> -> memref<128xi32, #tpu.memory_space<vmem>>
      %dma_wait3A_350 = arith.constant 0 : i32
      %dma_wait3A_351 = arith.constant 0 : i32
      %dma_wait3A_352 = tpu.memref_slice %arg2[%dma_wait3A_350, %dma_wait3A_351] : memref<9216x256xf32, #tpu.memory_space<hbm>> -> memref<9216x256xf32, #tpu.memory_space<hbm>>
      %dma_wait3A_353 = tpu.memref_slice %arg10[%dma_wait3A_342] : memref<2x!tpu.dma_semaphore, #tpu.memory_space<semaphore_mem>> -> memref<1x!tpu.dma_semaphore, #tpu.memory_space<semaphore_mem>>
      %dma_wait3A_354 = tpu.memref_squeeze %dma_wait3A_353 : memref<1x!tpu.dma_semaphore, #tpu.memory_space<semaphore_mem>> -> memref<!tpu.dma_semaphore, #tpu.memory_space<semaphore_mem>>
      tpu.wait_indirect_dma semaphore(%dma_wait3A_354 : memref<!tpu.dma_semaphore, #tpu.memory_space<semaphore_mem>>) src(%dma_wait3A_352 : memref<9216x256xf32, #tpu.memory_space<hbm>>) dst(%dma_wait3A_346 : memref<128x256xf32, #tpu.memory_space<vmem>>)
      %mul3A_355 = arith.constant 2048 : i32
      %mul3A_356 = arith.muli %select_n3A_9, %mul3A_355 : i32
      %add3A_357 = arith.constant 10 : i32
      %add3A_358 = arith.addi %select_n3A_30, %add3A_357 : i32
      %mul3A_359 = arith.constant 128 : i32
      %mul3A_360 = arith.muli %add3A_358, %mul3A_359 : i32
      %add3A_361 = arith.addi %mul3A_356, %mul3A_360 : i32
      %dma_start3A = arith.constant 1 : i32
      %dma_start3A_362 = arith.constant 1 : i32
      %dma_start3A_363 = arith.constant 0 : i32
      %dma_start3A_364 = arith.constant 0 : i32
      %dma_start3A_365 = tpu.memref_slice %arg8[%dma_start3A, %dma_start3A_363, %dma_start3A_364] : memref<2x128x256xf32, #tpu.memory_space<vmem>> -> memref<1x128x256xf32, #tpu.memory_space<vmem>>
      %dma_start3A_366 = tpu.memref_squeeze %dma_start3A_365 : memref<1x128x256xf32, #tpu.memory_space<vmem>> -> memref<128x256xf32, #tpu.memory_space<vmem>>
      %dma_start3A_367 = arith.constant 0 : i32
      %dma_start3A_368 = tpu.memref_slice %arg5[%add3A_361, %dma_start3A_367] : memref<32768x256xf32, #tpu.memory_space<hbm>> -> memref<128x256xf32, #tpu.memory_space<hbm>>
      %dma_start3A_369 = tpu.memref_slice %arg11[%dma_start3A_362] : memref<2x!tpu.dma_semaphore, #tpu.memory_space<semaphore_mem>> -> memref<1x!tpu.dma_semaphore, #tpu.memory_space<semaphore_mem>>
      %dma_start3A_370 = tpu.memref_squeeze %dma_start3A_369 : memref<1x!tpu.dma_semaphore, #tpu.memory_space<semaphore_mem>> -> memref<!tpu.dma_semaphore, #tpu.memory_space<semaphore_mem>>
      %dma_start3A_371 = arith.constant 0 : i32
      %dma_start3A_372 = tpu.memref_slice %arg5[%add3A_361, %dma_start3A_371] : memref<32768x256xf32, #tpu.memory_space<hbm>> -> memref<128x256xf32, #tpu.memory_space<hbm>>
      %dma_start3A_373 = arith.constant 0 : i32
      %dma_start3A_374 = arith.constant 0 : i32
      %dma_start3A_375 = tpu.memref_slice %arg8[%dma_start3A, %dma_start3A_373, %dma_start3A_374] : memref<2x128x256xf32, #tpu.memory_space<vmem>> -> memref<1x128x256xf32, #tpu.memory_space<vmem>>
      %dma_start3A_376 = tpu.memref_squeeze %dma_start3A_375 : memref<1x128x256xf32, #tpu.memory_space<vmem>> -> memref<128x256xf32, #tpu.memory_space<vmem>>
      tpu.enqueue_dma source(%dma_start3A_376 : memref<128x256xf32, #tpu.memory_space<vmem>>) target(%dma_start3A_372 : memref<128x256xf32, #tpu.memory_space<hbm>>) target_semaphore(%dma_start3A_370 : memref<!tpu.dma_semaphore, #tpu.memory_space<semaphore_mem>>)
    } else {
    }
    %not3A_247 = arith.constant true
    %not3A_248 = arith.xori %gt3A_61, %not3A_247 : i1
    %convert_element_type3A_249 = arith.extui %not3A_248 : i1 to i32
    %cond3A_250 = arith.constant 0 : i32
    %cond3A_251 = arith.cmpi ne, %convert_element_type3A_249, %cond3A_250 : i32
    scf.if %cond3A_251 {
      %mul3A_340 = arith.constant 2048 : i32
      %mul3A_341 = arith.muli %select_n3A_9, %mul3A_340 : i32
      %add3A_342 = arith.constant 10 : i32
      %add3A_343 = arith.addi %select_n3A_30, %add3A_342 : i32
      %mul3A_344 = arith.constant 128 : i32
      %mul3A_345 = arith.muli %add3A_343, %mul3A_344 : i32
      %add3A_346 = arith.addi %mul3A_341, %mul3A_345 : i32
      %dma_start3A = arith.constant 1 : i32
      %dma_start3A_347 = arith.constant 0 : i32
      %dma_start3A_348 = tpu.memref_slice %arg5[%add3A_346, %dma_start3A_347] : memref<32768x256xf32, #tpu.memory_space<hbm>> -> memref<128x256xf32, #tpu.memory_space<hbm>>
      %dma_start3A_349 = tpu.memref_slice %arg11[%dma_start3A] : memref<2x!tpu.dma_semaphore, #tpu.memory_space<semaphore_mem>> -> memref<1x!tpu.dma_semaphore, #tpu.memory_space<semaphore_mem>>
      %dma_start3A_350 = tpu.memref_squeeze %dma_start3A_349 : memref<1x!tpu.dma_semaphore, #tpu.memory_space<semaphore_mem>> -> memref<!tpu.dma_semaphore, #tpu.memory_space<semaphore_mem>>
      %dma_start3A_351 = arith.constant 0 : i32
      %dma_start3A_352 = tpu.memref_slice %arg5[%add3A_346, %dma_start3A_351] : memref<32768x256xf32, #tpu.memory_space<hbm>> -> memref<128x256xf32, #tpu.memory_space<hbm>>
      tpu.enqueue_dma source(%arg9 : memref<128x256xf32, #tpu.memory_space<vmem>>) target(%dma_start3A_352 : memref<128x256xf32, #tpu.memory_space<hbm>>) target_semaphore(%dma_start3A_350 : memref<!tpu.dma_semaphore, #tpu.memory_space<semaphore_mem>>)
    } else {
    }
    %mul3A_252 = arith.constant 2048 : i32
    %mul3A_253 = arith.muli %select_n3A_9, %mul3A_252 : i32
    %add3A_254 = arith.constant 10 : i32
    %add3A_255 = arith.addi %select_n3A_30, %add3A_254 : i32
    %mul3A_256 = arith.constant 128 : i32
    %mul3A_257 = arith.muli %add3A_255, %mul3A_256 : i32
    %add3A_258 = arith.addi %mul3A_253, %mul3A_257 : i32
    %dma_wait3A_259 = arith.constant 1 : i32
    %dma_wait3A_260 = arith.constant 1 : i32
    %dma_wait3A_261 = arith.constant 0 : i32
    %dma_wait3A_262 = arith.constant 0 : i32
    %dma_wait3A_263 = tpu.memref_slice %arg8[%dma_wait3A_259, %dma_wait3A_261, %dma_wait3A_262] : memref<2x128x256xf32, #tpu.memory_space<vmem>> -> memref<1x128x256xf32, #tpu.memory_space<vmem>>
    %dma_wait3A_264 = tpu.memref_squeeze %dma_wait3A_263 : memref<1x128x256xf32, #tpu.memory_space<vmem>> -> memref<128x256xf32, #tpu.memory_space<vmem>>
    %dma_wait3A_265 = arith.constant 0 : i32
    %dma_wait3A_266 = tpu.memref_slice %arg5[%add3A_258, %dma_wait3A_265] : memref<32768x256xf32, #tpu.memory_space<hbm>> -> memref<128x256xf32, #tpu.memory_space<hbm>>
    %dma_wait3A_267 = tpu.memref_slice %arg11[%dma_wait3A_260] : memref<2x!tpu.dma_semaphore, #tpu.memory_space<semaphore_mem>> -> memref<1x!tpu.dma_semaphore, #tpu.memory_space<semaphore_mem>>
    %dma_wait3A_268 = tpu.memref_squeeze %dma_wait3A_267 : memref<1x!tpu.dma_semaphore, #tpu.memory_space<semaphore_mem>> -> memref<!tpu.dma_semaphore, #tpu.memory_space<semaphore_mem>>
    %dma_wait3A_269 = arith.constant 0 : i32
    %dma_wait3A_270 = tpu.memref_slice %arg5[%add3A_258, %dma_wait3A_269] : memref<32768x256xf32, #tpu.memory_space<hbm>> -> memref<128x256xf32, #tpu.memory_space<hbm>>
    %dma_wait3A_271 = arith.constant 0 : i32
    %dma_wait3A_272 = arith.constant 0 : i32
    %dma_wait3A_273 = tpu.memref_slice %arg8[%dma_wait3A_259, %dma_wait3A_271, %dma_wait3A_272] : memref<2x128x256xf32, #tpu.memory_space<vmem>> -> memref<1x128x256xf32, #tpu.memory_space<vmem>>
    %dma_wait3A_274 = tpu.memref_squeeze %dma_wait3A_273 : memref<1x128x256xf32, #tpu.memory_space<vmem>> -> memref<128x256xf32, #tpu.memory_space<vmem>>
    tpu.wait_dma2 semaphore(%dma_wait3A_268 : memref<!tpu.dma_semaphore, #tpu.memory_space<semaphore_mem>>) src(%dma_wait3A_274 : memref<128x256xf32, #tpu.memory_space<vmem>>) dst(%dma_wait3A_270 : memref<128x256xf32, #tpu.memory_space<hbm>>)
    %convert_element_type3A_275 = arith.extui %gt3A_71 : i1 to i32
    %cond3A_276 = arith.constant 0 : i32
    %cond3A_277 = arith.cmpi ne, %convert_element_type3A_275, %cond3A_276 : i32
    scf.if %cond3A_277 {
      %dma_start3A = arith.constant 7 : i32
      %dma_start3A_340 = arith.constant 1 : i32
      %dma_start3A_341 = arith.constant 1 : i32
      %dma_start3A_342 = arith.constant 0 : i32
      %dma_start3A_343 = arith.constant 0 : i32
      %dma_start3A_344 = tpu.memref_slice %arg8[%dma_start3A_340, %dma_start3A_342, %dma_start3A_343] : memref<2x128x256xf32, #tpu.memory_space<vmem>> -> memref<1x128x256xf32, #tpu.memory_space<vmem>>
      %dma_start3A_345 = tpu.memref_squeeze %dma_start3A_344 : memref<1x128x256xf32, #tpu.memory_space<vmem>> -> memref<128x256xf32, #tpu.memory_space<vmem>>
      %dma_start3A_346 = arith.constant 0 : i32
      %dma_start3A_347 = tpu.memref_slice %arg6[%dma_start3A, %dma_start3A_346] : memref<8x128xi32, #tpu.memory_space<vmem>> -> memref<1x128xi32, #tpu.memory_space<vmem>>
      %dma_start3A_348 = tpu.memref_squeeze %dma_start3A_347 : memref<1x128xi32, #tpu.memory_space<vmem>> -> memref<128xi32, #tpu.memory_space<vmem>>
      %dma_start3A_349 = arith.constant 0 : i32
      %dma_start3A_350 = arith.constant 0 : i32
      %dma_start3A_351 = tpu.memref_slice %arg2[%dma_start3A_349, %dma_start3A_350] : memref<9216x256xf32, #tpu.memory_space<hbm>> -> memref<9216x256xf32, #tpu.memory_space<hbm>>
      %dma_start3A_352 = tpu.memref_slice %arg10[%dma_start3A_341] : memref<2x!tpu.dma_semaphore, #tpu.memory_space<semaphore_mem>> -> memref<1x!tpu.dma_semaphore, #tpu.memory_space<semaphore_mem>>
      %dma_start3A_353 = tpu.memref_squeeze %dma_start3A_352 : memref<1x!tpu.dma_semaphore, #tpu.memory_space<semaphore_mem>> -> memref<!tpu.dma_semaphore, #tpu.memory_space<semaphore_mem>>
      tpu.enqueue_indirect_dma source(%dma_start3A_351 : memref<9216x256xf32, #tpu.memory_space<hbm>>) target(%dma_start3A_345 : memref<128x256xf32, #tpu.memory_space<vmem>>) offsets(%dma_start3A_348 : memref<128xi32, #tpu.memory_space<vmem>>) semaphore(%dma_start3A_353 : memref<!tpu.dma_semaphore, #tpu.memory_space<semaphore_mem>>)
    } else {
    }
    %convert_element_type3A_278 = arith.extui %gt3A_66 : i1 to i32
    %cond3A_279 = arith.constant 0 : i32
    %cond3A_280 = arith.cmpi ne, %convert_element_type3A_278, %cond3A_279 : i32
    scf.if %cond3A_280 {
      %dma_wait3A_340 = arith.constant 6 : i32
      %dma_wait3A_341 = arith.constant 0 : i32
      %dma_wait3A_342 = arith.constant 0 : i32
      %dma_wait3A_343 = arith.constant 0 : i32
      %dma_wait3A_344 = arith.constant 0 : i32
      %dma_wait3A_345 = tpu.memref_slice %arg8[%dma_wait3A_341, %dma_wait3A_343, %dma_wait3A_344] : memref<2x128x256xf32, #tpu.memory_space<vmem>> -> memref<1x128x256xf32, #tpu.memory_space<vmem>>
      %dma_wait3A_346 = tpu.memref_squeeze %dma_wait3A_345 : memref<1x128x256xf32, #tpu.memory_space<vmem>> -> memref<128x256xf32, #tpu.memory_space<vmem>>
      %dma_wait3A_347 = arith.constant 0 : i32
      %dma_wait3A_348 = tpu.memref_slice %arg6[%dma_wait3A_340, %dma_wait3A_347] : memref<8x128xi32, #tpu.memory_space<vmem>> -> memref<1x128xi32, #tpu.memory_space<vmem>>
      %dma_wait3A_349 = tpu.memref_squeeze %dma_wait3A_348 : memref<1x128xi32, #tpu.memory_space<vmem>> -> memref<128xi32, #tpu.memory_space<vmem>>
      %dma_wait3A_350 = arith.constant 0 : i32
      %dma_wait3A_351 = arith.constant 0 : i32
      %dma_wait3A_352 = tpu.memref_slice %arg2[%dma_wait3A_350, %dma_wait3A_351] : memref<9216x256xf32, #tpu.memory_space<hbm>> -> memref<9216x256xf32, #tpu.memory_space<hbm>>
      %dma_wait3A_353 = tpu.memref_slice %arg10[%dma_wait3A_342] : memref<2x!tpu.dma_semaphore, #tpu.memory_space<semaphore_mem>> -> memref<1x!tpu.dma_semaphore, #tpu.memory_space<semaphore_mem>>
      %dma_wait3A_354 = tpu.memref_squeeze %dma_wait3A_353 : memref<1x!tpu.dma_semaphore, #tpu.memory_space<semaphore_mem>> -> memref<!tpu.dma_semaphore, #tpu.memory_space<semaphore_mem>>
      tpu.wait_indirect_dma semaphore(%dma_wait3A_354 : memref<!tpu.dma_semaphore, #tpu.memory_space<semaphore_mem>>) src(%dma_wait3A_352 : memref<9216x256xf32, #tpu.memory_space<hbm>>) dst(%dma_wait3A_346 : memref<128x256xf32, #tpu.memory_space<vmem>>)
      %mul3A_355 = arith.constant 2048 : i32
      %mul3A_356 = arith.muli %select_n3A_9, %mul3A_355 : i32
      %add3A_357 = arith.constant 12 : i32
      %add3A_358 = arith.addi %select_n3A_30, %add3A_357 : i32
      %mul3A_359 = arith.constant 128 : i32
      %mul3A_360 = arith.muli %add3A_358, %mul3A_359 : i32
      %add3A_361 = arith.addi %mul3A_356, %mul3A_360 : i32
      %dma_start3A = arith.constant 0 : i32
      %dma_start3A_362 = arith.constant 0 : i32
      %dma_start3A_363 = arith.constant 0 : i32
      %dma_start3A_364 = arith.constant 0 : i32
      %dma_start3A_365 = tpu.memref_slice %arg8[%dma_start3A, %dma_start3A_363, %dma_start3A_364] : memref<2x128x256xf32, #tpu.memory_space<vmem>> -> memref<1x128x256xf32, #tpu.memory_space<vmem>>
      %dma_start3A_366 = tpu.memref_squeeze %dma_start3A_365 : memref<1x128x256xf32, #tpu.memory_space<vmem>> -> memref<128x256xf32, #tpu.memory_space<vmem>>
      %dma_start3A_367 = arith.constant 0 : i32
      %dma_start3A_368 = tpu.memref_slice %arg5[%add3A_361, %dma_start3A_367] : memref<32768x256xf32, #tpu.memory_space<hbm>> -> memref<128x256xf32, #tpu.memory_space<hbm>>
      %dma_start3A_369 = tpu.memref_slice %arg11[%dma_start3A_362] : memref<2x!tpu.dma_semaphore, #tpu.memory_space<semaphore_mem>> -> memref<1x!tpu.dma_semaphore, #tpu.memory_space<semaphore_mem>>
      %dma_start3A_370 = tpu.memref_squeeze %dma_start3A_369 : memref<1x!tpu.dma_semaphore, #tpu.memory_space<semaphore_mem>> -> memref<!tpu.dma_semaphore, #tpu.memory_space<semaphore_mem>>
      %dma_start3A_371 = arith.constant 0 : i32
      %dma_start3A_372 = tpu.memref_slice %arg5[%add3A_361, %dma_start3A_371] : memref<32768x256xf32, #tpu.memory_space<hbm>> -> memref<128x256xf32, #tpu.memory_space<hbm>>
      %dma_start3A_373 = arith.constant 0 : i32
      %dma_start3A_374 = arith.constant 0 : i32
      %dma_start3A_375 = tpu.memref_slice %arg8[%dma_start3A, %dma_start3A_373, %dma_start3A_374] : memref<2x128x256xf32, #tpu.memory_space<vmem>> -> memref<1x128x256xf32, #tpu.memory_space<vmem>>
      %dma_start3A_376 = tpu.memref_squeeze %dma_start3A_375 : memref<1x128x256xf32, #tpu.memory_space<vmem>> -> memref<128x256xf32, #tpu.memory_space<vmem>>
      tpu.enqueue_dma source(%dma_start3A_376 : memref<128x256xf32, #tpu.memory_space<vmem>>) target(%dma_start3A_372 : memref<128x256xf32, #tpu.memory_space<hbm>>) target_semaphore(%dma_start3A_370 : memref<!tpu.dma_semaphore, #tpu.memory_space<semaphore_mem>>)
    } else {
    }
    %not3A_281 = arith.constant true
    %not3A_282 = arith.xori %gt3A_66, %not3A_281 : i1
    %convert_element_type3A_283 = arith.extui %not3A_282 : i1 to i32
    %cond3A_284 = arith.constant 0 : i32
    %cond3A_285 = arith.cmpi ne, %convert_element_type3A_283, %cond3A_284 : i32
    scf.if %cond3A_285 {
      %mul3A_340 = arith.constant 2048 : i32
      %mul3A_341 = arith.muli %select_n3A_9, %mul3A_340 : i32
      %add3A_342 = arith.constant 12 : i32
      %add3A_343 = arith.addi %select_n3A_30, %add3A_342 : i32
      %mul3A_344 = arith.constant 128 : i32
      %mul3A_345 = arith.muli %add3A_343, %mul3A_344 : i32
      %add3A_346 = arith.addi %mul3A_341, %mul3A_345 : i32
      %dma_start3A = arith.constant 0 : i32
      %dma_start3A_347 = arith.constant 0 : i32
      %dma_start3A_348 = tpu.memref_slice %arg5[%add3A_346, %dma_start3A_347] : memref<32768x256xf32, #tpu.memory_space<hbm>> -> memref<128x256xf32, #tpu.memory_space<hbm>>
      %dma_start3A_349 = tpu.memref_slice %arg11[%dma_start3A] : memref<2x!tpu.dma_semaphore, #tpu.memory_space<semaphore_mem>> -> memref<1x!tpu.dma_semaphore, #tpu.memory_space<semaphore_mem>>
      %dma_start3A_350 = tpu.memref_squeeze %dma_start3A_349 : memref<1x!tpu.dma_semaphore, #tpu.memory_space<semaphore_mem>> -> memref<!tpu.dma_semaphore, #tpu.memory_space<semaphore_mem>>
      %dma_start3A_351 = arith.constant 0 : i32
      %dma_start3A_352 = tpu.memref_slice %arg5[%add3A_346, %dma_start3A_351] : memref<32768x256xf32, #tpu.memory_space<hbm>> -> memref<128x256xf32, #tpu.memory_space<hbm>>
      tpu.enqueue_dma source(%arg9 : memref<128x256xf32, #tpu.memory_space<vmem>>) target(%dma_start3A_352 : memref<128x256xf32, #tpu.memory_space<hbm>>) target_semaphore(%dma_start3A_350 : memref<!tpu.dma_semaphore, #tpu.memory_space<semaphore_mem>>)
    } else {
    }
    %convert_element_type3A_286 = arith.extui %gt3A_71 : i1 to i32
    %cond3A_287 = arith.constant 0 : i32
    %cond3A_288 = arith.cmpi ne, %convert_element_type3A_286, %cond3A_287 : i32
    scf.if %cond3A_288 {
      %dma_wait3A_340 = arith.constant 7 : i32
      %dma_wait3A_341 = arith.constant 1 : i32
      %dma_wait3A_342 = arith.constant 1 : i32
      %dma_wait3A_343 = arith.constant 0 : i32
      %dma_wait3A_344 = arith.constant 0 : i32
      %dma_wait3A_345 = tpu.memref_slice %arg8[%dma_wait3A_341, %dma_wait3A_343, %dma_wait3A_344] : memref<2x128x256xf32, #tpu.memory_space<vmem>> -> memref<1x128x256xf32, #tpu.memory_space<vmem>>
      %dma_wait3A_346 = tpu.memref_squeeze %dma_wait3A_345 : memref<1x128x256xf32, #tpu.memory_space<vmem>> -> memref<128x256xf32, #tpu.memory_space<vmem>>
      %dma_wait3A_347 = arith.constant 0 : i32
      %dma_wait3A_348 = tpu.memref_slice %arg6[%dma_wait3A_340, %dma_wait3A_347] : memref<8x128xi32, #tpu.memory_space<vmem>> -> memref<1x128xi32, #tpu.memory_space<vmem>>
      %dma_wait3A_349 = tpu.memref_squeeze %dma_wait3A_348 : memref<1x128xi32, #tpu.memory_space<vmem>> -> memref<128xi32, #tpu.memory_space<vmem>>
      %dma_wait3A_350 = arith.constant 0 : i32
      %dma_wait3A_351 = arith.constant 0 : i32
      %dma_wait3A_352 = tpu.memref_slice %arg2[%dma_wait3A_350, %dma_wait3A_351] : memref<9216x256xf32, #tpu.memory_space<hbm>> -> memref<9216x256xf32, #tpu.memory_space<hbm>>
      %dma_wait3A_353 = tpu.memref_slice %arg10[%dma_wait3A_342] : memref<2x!tpu.dma_semaphore, #tpu.memory_space<semaphore_mem>> -> memref<1x!tpu.dma_semaphore, #tpu.memory_space<semaphore_mem>>
      %dma_wait3A_354 = tpu.memref_squeeze %dma_wait3A_353 : memref<1x!tpu.dma_semaphore, #tpu.memory_space<semaphore_mem>> -> memref<!tpu.dma_semaphore, #tpu.memory_space<semaphore_mem>>
      tpu.wait_indirect_dma semaphore(%dma_wait3A_354 : memref<!tpu.dma_semaphore, #tpu.memory_space<semaphore_mem>>) src(%dma_wait3A_352 : memref<9216x256xf32, #tpu.memory_space<hbm>>) dst(%dma_wait3A_346 : memref<128x256xf32, #tpu.memory_space<vmem>>)
      %mul3A_355 = arith.constant 2048 : i32
      %mul3A_356 = arith.muli %select_n3A_9, %mul3A_355 : i32
      %add3A_357 = arith.constant 14 : i32
      %add3A_358 = arith.addi %select_n3A_30, %add3A_357 : i32
      %mul3A_359 = arith.constant 128 : i32
      %mul3A_360 = arith.muli %add3A_358, %mul3A_359 : i32
      %add3A_361 = arith.addi %mul3A_356, %mul3A_360 : i32
      %dma_start3A = arith.constant 1 : i32
      %dma_start3A_362 = arith.constant 1 : i32
      %dma_start3A_363 = arith.constant 0 : i32
      %dma_start3A_364 = arith.constant 0 : i32
      %dma_start3A_365 = tpu.memref_slice %arg8[%dma_start3A, %dma_start3A_363, %dma_start3A_364] : memref<2x128x256xf32, #tpu.memory_space<vmem>> -> memref<1x128x256xf32, #tpu.memory_space<vmem>>
      %dma_start3A_366 = tpu.memref_squeeze %dma_start3A_365 : memref<1x128x256xf32, #tpu.memory_space<vmem>> -> memref<128x256xf32, #tpu.memory_space<vmem>>
      %dma_start3A_367 = arith.constant 0 : i32
      %dma_start3A_368 = tpu.memref_slice %arg5[%add3A_361, %dma_start3A_367] : memref<32768x256xf32, #tpu.memory_space<hbm>> -> memref<128x256xf32, #tpu.memory_space<hbm>>
      %dma_start3A_369 = tpu.memref_slice %arg11[%dma_start3A_362] : memref<2x!tpu.dma_semaphore, #tpu.memory_space<semaphore_mem>> -> memref<1x!tpu.dma_semaphore, #tpu.memory_space<semaphore_mem>>
      %dma_start3A_370 = tpu.memref_squeeze %dma_start3A_369 : memref<1x!tpu.dma_semaphore, #tpu.memory_space<semaphore_mem>> -> memref<!tpu.dma_semaphore, #tpu.memory_space<semaphore_mem>>
      %dma_start3A_371 = arith.constant 0 : i32
      %dma_start3A_372 = tpu.memref_slice %arg5[%add3A_361, %dma_start3A_371] : memref<32768x256xf32, #tpu.memory_space<hbm>> -> memref<128x256xf32, #tpu.memory_space<hbm>>
      %dma_start3A_373 = arith.constant 0 : i32
      %dma_start3A_374 = arith.constant 0 : i32
      %dma_start3A_375 = tpu.memref_slice %arg8[%dma_start3A, %dma_start3A_373, %dma_start3A_374] : memref<2x128x256xf32, #tpu.memory_space<vmem>> -> memref<1x128x256xf32, #tpu.memory_space<vmem>>
      %dma_start3A_376 = tpu.memref_squeeze %dma_start3A_375 : memref<1x128x256xf32, #tpu.memory_space<vmem>> -> memref<128x256xf32, #tpu.memory_space<vmem>>
      tpu.enqueue_dma source(%dma_start3A_376 : memref<128x256xf32, #tpu.memory_space<vmem>>) target(%dma_start3A_372 : memref<128x256xf32, #tpu.memory_space<hbm>>) target_semaphore(%dma_start3A_370 : memref<!tpu.dma_semaphore, #tpu.memory_space<semaphore_mem>>)
    } else {
    }
    %not3A_289 = arith.constant true
    %not3A_290 = arith.xori %gt3A_71, %not3A_289 : i1
    %convert_element_type3A_291 = arith.extui %not3A_290 : i1 to i32
    %cond3A_292 = arith.constant 0 : i32
    %cond3A_293 = arith.cmpi ne, %convert_element_type3A_291, %cond3A_292 : i32
    scf.if %cond3A_293 {
      %mul3A_340 = arith.constant 2048 : i32
      %mul3A_341 = arith.muli %select_n3A_9, %mul3A_340 : i32
      %add3A_342 = arith.constant 14 : i32
      %add3A_343 = arith.addi %select_n3A_30, %add3A_342 : i32
      %mul3A_344 = arith.constant 128 : i32
      %mul3A_345 = arith.muli %add3A_343, %mul3A_344 : i32
      %add3A_346 = arith.addi %mul3A_341, %mul3A_345 : i32
      %dma_start3A = arith.constant 1 : i32
      %dma_start3A_347 = arith.constant 0 : i32
      %dma_start3A_348 = tpu.memref_slice %arg5[%add3A_346, %dma_start3A_347] : memref<32768x256xf32, #tpu.memory_space<hbm>> -> memref<128x256xf32, #tpu.memory_space<hbm>>
      %dma_start3A_349 = tpu.memref_slice %arg11[%dma_start3A] : memref<2x!tpu.dma_semaphore, #tpu.memory_space<semaphore_mem>> -> memref<1x!tpu.dma_semaphore, #tpu.memory_space<semaphore_mem>>
      %dma_start3A_350 = tpu.memref_squeeze %dma_start3A_349 : memref<1x!tpu.dma_semaphore, #tpu.memory_space<semaphore_mem>> -> memref<!tpu.dma_semaphore, #tpu.memory_space<semaphore_mem>>
      %dma_start3A_351 = arith.constant 0 : i32
      %dma_start3A_352 = tpu.memref_slice %arg5[%add3A_346, %dma_start3A_351] : memref<32768x256xf32, #tpu.memory_space<hbm>> -> memref<128x256xf32, #tpu.memory_space<hbm>>
      tpu.enqueue_dma source(%arg9 : memref<128x256xf32, #tpu.memory_space<vmem>>) target(%dma_start3A_352 : memref<128x256xf32, #tpu.memory_space<hbm>>) target_semaphore(%dma_start3A_350 : memref<!tpu.dma_semaphore, #tpu.memory_space<semaphore_mem>>)
    } else {
    }
    %mul3A_294 = arith.constant 2048 : i32
    %mul3A_295 = arith.muli %select_n3A_9, %mul3A_294 : i32
    %add3A_296 = arith.constant 12 : i32
    %add3A_297 = arith.addi %select_n3A_30, %add3A_296 : i32
    %mul3A_298 = arith.constant 128 : i32
    %mul3A_299 = arith.muli %add3A_297, %mul3A_298 : i32
    %add3A_300 = arith.addi %mul3A_295, %mul3A_299 : i32
    %dma_wait3A_301 = arith.constant 0 : i32
    %dma_wait3A_302 = arith.constant 0 : i32
    %dma_wait3A_303 = arith.constant 0 : i32
    %dma_wait3A_304 = arith.constant 0 : i32
    %dma_wait3A_305 = tpu.memref_slice %arg8[%dma_wait3A_301, %dma_wait3A_303, %dma_wait3A_304] : memref<2x128x256xf32, #tpu.memory_space<vmem>> -> memref<1x128x256xf32, #tpu.memory_space<vmem>>
    %dma_wait3A_306 = tpu.memref_squeeze %dma_wait3A_305 : memref<1x128x256xf32, #tpu.memory_space<vmem>> -> memref<128x256xf32, #tpu.memory_space<vmem>>
    %dma_wait3A_307 = arith.constant 0 : i32
    %dma_wait3A_308 = tpu.memref_slice %arg5[%add3A_300, %dma_wait3A_307] : memref<32768x256xf32, #tpu.memory_space<hbm>> -> memref<128x256xf32, #tpu.memory_space<hbm>>
    %dma_wait3A_309 = tpu.memref_slice %arg11[%dma_wait3A_302] : memref<2x!tpu.dma_semaphore, #tpu.memory_space<semaphore_mem>> -> memref<1x!tpu.dma_semaphore, #tpu.memory_space<semaphore_mem>>
    %dma_wait3A_310 = tpu.memref_squeeze %dma_wait3A_309 : memref<1x!tpu.dma_semaphore, #tpu.memory_space<semaphore_mem>> -> memref<!tpu.dma_semaphore, #tpu.memory_space<semaphore_mem>>
    %dma_wait3A_311 = arith.constant 0 : i32
    %dma_wait3A_312 = tpu.memref_slice %arg5[%add3A_300, %dma_wait3A_311] : memref<32768x256xf32, #tpu.memory_space<hbm>> -> memref<128x256xf32, #tpu.memory_space<hbm>>
    %dma_wait3A_313 = arith.constant 0 : i32
    %dma_wait3A_314 = arith.constant 0 : i32
    %dma_wait3A_315 = tpu.memref_slice %arg8[%dma_wait3A_301, %dma_wait3A_313, %dma_wait3A_314] : memref<2x128x256xf32, #tpu.memory_space<vmem>> -> memref<1x128x256xf32, #tpu.memory_space<vmem>>
    %dma_wait3A_316 = tpu.memref_squeeze %dma_wait3A_315 : memref<1x128x256xf32, #tpu.memory_space<vmem>> -> memref<128x256xf32, #tpu.memory_space<vmem>>
    tpu.wait_dma2 semaphore(%dma_wait3A_310 : memref<!tpu.dma_semaphore, #tpu.memory_space<semaphore_mem>>) src(%dma_wait3A_316 : memref<128x256xf32, #tpu.memory_space<vmem>>) dst(%dma_wait3A_312 : memref<128x256xf32, #tpu.memory_space<hbm>>)
    %mul3A_317 = arith.constant 2048 : i32
    %mul3A_318 = arith.muli %select_n3A_9, %mul3A_317 : i32
    %add3A_319 = arith.constant 14 : i32
    %add3A_320 = arith.addi %select_n3A_30, %add3A_319 : i32
    %mul3A_321 = arith.constant 128 : i32
    %mul3A_322 = arith.muli %add3A_320, %mul3A_321 : i32
    %add3A_323 = arith.addi %mul3A_318, %mul3A_322 : i32
    %dma_wait3A_324 = arith.constant 1 : i32
    %dma_wait3A_325 = arith.constant 1 : i32
    %dma_wait3A_326 = arith.constant 0 : i32
    %dma_wait3A_327 = arith.constant 0 : i32
    %dma_wait3A_328 = tpu.memref_slice %arg8[%dma_wait3A_324, %dma_wait3A_326, %dma_wait3A_327] : memref<2x128x256xf32, #tpu.memory_space<vmem>> -> memref<1x128x256xf32, #tpu.memory_space<vmem>>
    %dma_wait3A_329 = tpu.memref_squeeze %dma_wait3A_328 : memref<1x128x256xf32, #tpu.memory_space<vmem>> -> memref<128x256xf32, #tpu.memory_space<vmem>>
    %dma_wait3A_330 = arith.constant 0 : i32
    %dma_wait3A_331 = tpu.memref_slice %arg5[%add3A_323, %dma_wait3A_330] : memref<32768x256xf32, #tpu.memory_space<hbm>> -> memref<128x256xf32, #tpu.memory_space<hbm>>
    %dma_wait3A_332 = tpu.memref_slice %arg11[%dma_wait3A_325] : memref<2x!tpu.dma_semaphore, #tpu.memory_space<semaphore_mem>> -> memref<1x!tpu.dma_semaphore, #tpu.memory_space<semaphore_mem>>
    %dma_wait3A_333 = tpu.memref_squeeze %dma_wait3A_332 : memref<1x!tpu.dma_semaphore, #tpu.memory_space<semaphore_mem>> -> memref<!tpu.dma_semaphore, #tpu.memory_space<semaphore_mem>>
    %dma_wait3A_334 = arith.constant 0 : i32
    %dma_wait3A_335 = tpu.memref_slice %arg5[%add3A_323, %dma_wait3A_334] : memref<32768x256xf32, #tpu.memory_space<hbm>> -> memref<128x256xf32, #tpu.memory_space<hbm>>
    %dma_wait3A_336 = arith.constant 0 : i32
    %dma_wait3A_337 = arith.constant 0 : i32
    %dma_wait3A_338 = tpu.memref_slice %arg8[%dma_wait3A_324, %dma_wait3A_336, %dma_wait3A_337] : memref<2x128x256xf32, #tpu.memory_space<vmem>> -> memref<1x128x256xf32, #tpu.memory_space<vmem>>
    %dma_wait3A_339 = tpu.memref_squeeze %dma_wait3A_338 : memref<1x128x256xf32, #tpu.memory_space<vmem>> -> memref<128x256xf32, #tpu.memory_space<vmem>>
    tpu.wait_dma2 semaphore(%dma_wait3A_333 : memref<!tpu.dma_semaphore, #tpu.memory_space<semaphore_mem>>) src(%dma_wait3A_339 : memref<128x256xf32, #tpu.memory_space<vmem>>) dst(%dma_wait3A_335 : memref<128x256xf32, #tpu.memory_space<hbm>>)
    return
  }
}

module attributes {stable_mosaic.version = 14 : i64} {
  func.func @_prep_body(%arg0: i32, %arg1: memref<512x512xf32, #tpu.memory_space<vmem>>, %arg2: memref<512x16xi32, #tpu.memory_space<vmem>>, %arg3: memref<1024x256xf32, #tpu.memory_space<vmem>>, %arg4: memref<16x1x2048xi32, #tpu.memory_space<vmem>>, %arg5: memref<16x1x16xi32, #tpu.memory_space<vmem>>, %arg6: memref<1024x256xf32, #tpu.memory_space<vmem>>) attributes {dimension_semantics = [#tpu.dimension_semantics<arbitrary>], iteration_bounds = array<i64: 9>, scalar_prefetch = 0 : i64, scratch_operands = 0 : i64, tpu.core_type = #tpu.core_type<tc>, window_params = [{pipeline_mode = #tpu.pipeline_mode<synchronous>, transform_indices = @transform_0, window_bounds = array<i64: 512, 512>}, {pipeline_mode = #tpu.pipeline_mode<synchronous>, transform_indices = @transform_1, window_bounds = array<i64: 512, 16>}, {transform_indices = @transform_2, window_bounds = array<i64: 1024, 256>}, {pipeline_mode = #tpu.pipeline_mode<synchronous>, transform_indices = @transform_3, window_bounds = array<i64: 16, 1, 2048>}, {pipeline_mode = #tpu.pipeline_mode<synchronous>, transform_indices = @transform_4, window_bounds = array<i64: 16, 1, 16>}, {transform_indices = @transform_5, window_bounds = array<i64: 1024, 256>}]} {
    %lt3A = arith.constant 8 : i32
    %lt3A_0 = arith.cmpi slt, %arg0, %lt3A : i32
    %get3A = arith.constant 0 : index
    %get3A_1 = arith.constant 0 : index
    %get3A_2 = vector.load %arg3[%get3A, %get3A_1] : memref<1024x256xf32, #tpu.memory_space<vmem>>, vector<1024x256xf32>
    %jit3A = arith.constant 0.000000e+00 : f32
    %broadcast_in_dim3A = vector.broadcast %jit3A : f32 to vector<1024x256xf32>
    %select_n3A = arith.select %lt3A_0, %get3A_2, %broadcast_in_dim3A : vector<1024x256xf32>
    %swap3A = arith.constant 0 : index
    %swap3A_3 = arith.constant 0 : index
    %swap3A_4 = vector.load %arg6[%swap3A, %swap3A_3] : memref<1024x256xf32, #tpu.memory_space<vmem>>, vector<1024x256xf32>
    tpu.vector_store %arg6[%swap3A, %swap3A_3], %select_n3A {strides = array<i32>} : memref<1024x256xf32, #tpu.memory_space<vmem>>, vector<1024x256xf32>,
    %eq3A = arith.constant 0 : i32
    %eq3A_5 = arith.cmpi eq, %arg0, %eq3A : i32
    %convert_element_type3A = arith.extui %eq3A_5 : i1 to i32
    %cond3A = arith.constant 0 : i32
    %cond3A_6 = arith.cmpi ne, %convert_element_type3A, %cond3A : i32
    scf.if %cond3A_6 {
      %get3A_7 = arith.constant 0 : index
      %get3A_8 = arith.constant 0 : index
      %get3A_9 = vector.load %arg2[%get3A_7, %get3A_8] : memref<512x16xi32, #tpu.memory_space<vmem>>, vector<512x16xi32>
      %convert_element_type3A_10 = arith.sitofp %get3A_9 : vector<512x16xi32> to vector<512x16xf32>
      %get3A_11 = arith.constant 0 : index
      %get3A_12 = arith.constant 0 : index
      %get3A_13 = vector.load %arg1[%get3A_11, %get3A_12] : memref<512x512xf32, #tpu.memory_space<vmem>>, vector<512x512xf32>
      %dot_general3A = arith.constant dense<0.000000e+00> : vector<512x16xf32>
      %dot_general3A_14 = tpu.matmul %get3A_13, %convert_element_type3A_10, %dot_general3A {dimension_numbers = #tpu.dot_dimension_numbers<[1], [0], [0], [1], [0, 0, 1, 1], [], []>, transpose_lhs_hint = false} : vector<512x512xf32>, vector<512x16xf32>, vector<512x16xf32> -> vector<512x16xf32>
      %iota3A = tpu.iota {dimensions = array<i32: 1>} : vector<1x2048xi32>
      %jit3A_15 = arith.constant 1024 : i32
      %div3A = vector.broadcast %jit3A_15 : i32 to vector<1x2048xi32>
      %div3A_16 = arith.divsi %iota3A, %div3A : vector<1x2048xi32>
      %sign3A = arith.constant 0 : i32
      %sign3A_17 = vector.broadcast %sign3A : i32 to vector<1x2048xi32>
      %sign3A_18 = arith.cmpi sgt, %iota3A, %sign3A_17 : vector<1x2048xi32>
      %sign3A_19 = arith.extui %sign3A_18 : vector<1x2048xi1> to vector<1x2048xi32>
      %sign3A_20 = arith.constant 0 : i32
      %sign3A_21 = vector.broadcast %sign3A_20 : i32 to vector<1x2048xi32>
      %sign3A_22 = arith.cmpi slt, %iota3A, %sign3A_21 : vector<1x2048xi32>
      %sign3A_23 = arith.extui %sign3A_22 : vector<1x2048xi1> to vector<1x2048xi32>
      %sign3A_24 = arith.subi %sign3A_19, %sign3A_23 : vector<1x2048xi32>
      %sign3A_25 = arith.constant 0 : i32
      %sign3A_26 = arith.cmpi sgt, %jit3A_15, %sign3A_25 : i32
      %sign3A_27 = arith.extui %sign3A_26 : i1 to i32
      %sign3A_28 = arith.constant 0 : i32
      %sign3A_29 = arith.cmpi slt, %jit3A_15, %sign3A_28 : i32
      %sign3A_30 = arith.extui %sign3A_29 : i1 to i32
      %sign3A_31 = arith.subi %sign3A_27, %sign3A_30 : i32
      %ne3A = vector.broadcast %sign3A_31 : i32 to vector<1x2048xi32>
      %ne3A_32 = arith.cmpi ne, %sign3A_24, %ne3A : vector<1x2048xi32>
      %rem3A = vector.broadcast %jit3A_15 : i32 to vector<1x2048xi32>
      %rem3A_33 = arith.remsi %iota3A, %rem3A : vector<1x2048xi32>
      %ne3A_34 = arith.constant 0 : i32
      %ne3A_35 = vector.broadcast %ne3A_34 : i32 to vector<1x2048xi32>
      %ne3A_36 = arith.cmpi ne, %rem3A_33, %ne3A_35 : vector<1x2048xi32>
      %and3A = arith.andi %ne3A_32, %ne3A_36 : vector<1x2048xi1>
      %sub3A = arith.constant 1 : i32
      %sub3A_37 = vector.broadcast %sub3A : i32 to vector<1x2048xi32>
      %sub3A_38 = arith.subi %div3A_16, %sub3A_37 : vector<1x2048xi32>
      %select_n3A_39 = arith.select %and3A, %sub3A_38, %div3A_16 : vector<1x2048xi1>, vector<1x2048xi32>
      %jit3A_40 = arith.constant 1024 : i32
      %eq3A_41 = arith.constant 0 : i32
      %eq3A_42 = arith.cmpi eq, %jit3A_40, %eq3A_41 : i32
      %jit3A_43 = arith.constant 1 : i32
      %select_n3A_44 = arith.select %eq3A_42, %jit3A_43, %jit3A_40 : i32
      %rem3A_45 = vector.broadcast %select_n3A_44 : i32 to vector<1x2048xi32>
      %rem3A_46 = arith.remsi %iota3A, %rem3A_45 : vector<1x2048xi32>
      %ne3A_47 = arith.constant 0 : i32
      %ne3A_48 = vector.broadcast %ne3A_47 : i32 to vector<1x2048xi32>
      %ne3A_49 = arith.cmpi ne, %rem3A_46, %ne3A_48 : vector<1x2048xi32>
      %lt3A_50 = arith.constant 0 : i32
      %lt3A_51 = vector.broadcast %lt3A_50 : i32 to vector<1x2048xi32>
      %lt3A_52 = arith.cmpi slt, %rem3A_46, %lt3A_51 : vector<1x2048xi32>
      %lt3A_53 = arith.constant 0 : i32
      %lt3A_54 = arith.cmpi slt, %select_n3A_44, %lt3A_53 : i32
      %ne3A_55 = vector.broadcast %lt3A_54 : i1 to vector<1x2048xi1>
      %ne3A_56 = vector.broadcast %ne3A_55 : vector<1x2048xi1> to vector<1x2048xi1>
      %ne3A_57 = arith.xori %lt3A_52, %ne3A_56 : vector<1x2048xi1>
      %and3A_58 = arith.andi %ne3A_57, %ne3A_49 : vector<1x2048xi1>
      %add3A = vector.broadcast %select_n3A_44 : i32 to vector<1x2048xi32>
      %add3A_59 = arith.addi %rem3A_46, %add3A : vector<1x2048xi32>
      %select_n3A_60 = arith.select %and3A_58, %add3A_59, %rem3A_46 : vector<1x2048xi1>, vector<1x2048xi32>
      %jit3A_61 = arith.constant 128 : i32
      %div3A_62 = vector.broadcast %jit3A_61 : i32 to vector<1x2048xi32>
      %div3A_63 = arith.divsi %select_n3A_60, %div3A_62 : vector<1x2048xi32>
      %sign3A_64 = arith.constant 0 : i32
      %sign3A_65 = vector.broadcast %sign3A_64 : i32 to vector<1x2048xi32>
      %sign3A_66 = arith.cmpi sgt, %select_n3A_60, %sign3A_65 : vector<1x2048xi32>
      %sign3A_67 = arith.extui %sign3A_66 : vector<1x2048xi1> to vector<1x2048xi32>
      %sign3A_68 = arith.constant 0 : i32
      %sign3A_69 = vector.broadcast %sign3A_68 : i32 to vector<1x2048xi32>
      %sign3A_70 = arith.cmpi slt, %select_n3A_60, %sign3A_69 : vector<1x2048xi32>
      %sign3A_71 = arith.extui %sign3A_70 : vector<1x2048xi1> to vector<1x2048xi32>
      %sign3A_72 = arith.subi %sign3A_67, %sign3A_71 : vector<1x2048xi32>
      %sign3A_73 = arith.constant 0 : i32
      %sign3A_74 = arith.cmpi sgt, %jit3A_61, %sign3A_73 : i32
      %sign3A_75 = arith.extui %sign3A_74 : i1 to i32
      %sign3A_76 = arith.constant 0 : i32
      %sign3A_77 = arith.cmpi slt, %jit3A_61, %sign3A_76 : i32
      %sign3A_78 = arith.extui %sign3A_77 : i1 to i32
      %sign3A_79 = arith.subi %sign3A_75, %sign3A_78 : i32
      %ne3A_80 = vector.broadcast %sign3A_79 : i32 to vector<1x2048xi32>
      %ne3A_81 = arith.cmpi ne, %sign3A_72, %ne3A_80 : vector<1x2048xi32>
      %rem3A_82 = vector.broadcast %jit3A_61 : i32 to vector<1x2048xi32>
      %rem3A_83 = arith.remsi %select_n3A_60, %rem3A_82 : vector<1x2048xi32>
      %ne3A_84 = arith.constant 0 : i32
      %ne3A_85 = vector.broadcast %ne3A_84 : i32 to vector<1x2048xi32>
      %ne3A_86 = arith.cmpi ne, %rem3A_83, %ne3A_85 : vector<1x2048xi32>
      %and3A_87 = arith.andi %ne3A_81, %ne3A_86 : vector<1x2048xi1>
      %sub3A_88 = arith.constant 1 : i32
      %sub3A_89 = vector.broadcast %sub3A_88 : i32 to vector<1x2048xi32>
      %sub3A_90 = arith.subi %div3A_63, %sub3A_89 : vector<1x2048xi32>
      %select_n3A_91 = arith.select %and3A_87, %sub3A_90, %div3A_63 : vector<1x2048xi1>, vector<1x2048xi32>
      %mul3A = arith.constant 2 : i32
      %mul3A_92 = vector.broadcast %mul3A : i32 to vector<1x2048xi32>
      %mul3A_93 = arith.muli %mul3A_92, %select_n3A_91 : vector<1x2048xi32>
      %add3A_94 = arith.addi %select_n3A_39, %mul3A_93 : vector<1x2048xi32>
      %mul3A_95 = arith.constant 128 : i32
      %mul3A_96 = vector.broadcast %mul3A_95 : i32 to vector<1x2048xi32>
      %mul3A_97 = arith.muli %add3A_94, %mul3A_96 : vector<1x2048xi32>
      %jit3A_98 = arith.constant 128 : i32
      %eq3A_99 = arith.constant 0 : i32
      %eq3A_100 = arith.cmpi eq, %jit3A_98, %eq3A_99 : i32
      %jit3A_101 = arith.constant 1 : i32
      %select_n3A_102 = arith.select %eq3A_100, %jit3A_101, %jit3A_98 : i32
      %rem3A_103 = vector.broadcast %select_n3A_102 : i32 to vector<1x2048xi32>
      %rem3A_104 = arith.remsi %iota3A, %rem3A_103 : vector<1x2048xi32>
      %ne3A_105 = arith.constant 0 : i32
      %ne3A_106 = vector.broadcast %ne3A_105 : i32 to vector<1x2048xi32>
      %ne3A_107 = arith.cmpi ne, %rem3A_104, %ne3A_106 : vector<1x2048xi32>
      %lt3A_108 = arith.constant 0 : i32
      %lt3A_109 = vector.broadcast %lt3A_108 : i32 to vector<1x2048xi32>
      %lt3A_110 = arith.cmpi slt, %rem3A_104, %lt3A_109 : vector<1x2048xi32>
      %lt3A_111 = arith.constant 0 : i32
      %lt3A_112 = arith.cmpi slt, %select_n3A_102, %lt3A_111 : i32
      %ne3A_113 = vector.broadcast %lt3A_112 : i1 to vector<1x2048xi1>
      %ne3A_114 = vector.broadcast %ne3A_113 : vector<1x2048xi1> to vector<1x2048xi1>
      %ne3A_115 = arith.xori %lt3A_110, %ne3A_114 : vector<1x2048xi1>
      %and3A_116 = arith.andi %ne3A_115, %ne3A_107 : vector<1x2048xi1>
      %add3A_117 = vector.broadcast %select_n3A_102 : i32 to vector<1x2048xi32>
      %add3A_118 = arith.addi %rem3A_104, %add3A_117 : vector<1x2048xi32>
      %select_n3A_119 = arith.select %and3A_116, %add3A_118, %rem3A_104 : vector<1x2048xi1>, vector<1x2048xi32>
      %add3A_120 = arith.addi %mul3A_97, %select_n3A_119 : vector<1x2048xi32>
      %convert_element_type3A_121 = arith.sitofp %add3A_120 : vector<1x2048xi32> to vector<1x2048xf32>
      %jit3A_122 = arith.constant 1024 : i32
      %eq3A_123 = arith.constant 0 : i32
      %eq3A_124 = arith.cmpi eq, %jit3A_122, %eq3A_123 : i32
      %jit3A_125 = arith.constant 1 : i32
      %select_n3A_126 = arith.select %eq3A_124, %jit3A_125, %jit3A_122 : i32
      %rem3A_127 = vector.broadcast %select_n3A_126 : i32 to vector<1x2048xi32>
      %rem3A_128 = arith.remsi %add3A_120, %rem3A_127 : vector<1x2048xi32>
      %ne3A_129 = arith.constant 0 : i32
      %ne3A_130 = vector.broadcast %ne3A_129 : i32 to vector<1x2048xi32>
      %ne3A_131 = arith.cmpi ne, %rem3A_128, %ne3A_130 : vector<1x2048xi32>
      %lt3A_132 = arith.constant 0 : i32
      %lt3A_133 = vector.broadcast %lt3A_132 : i32 to vector<1x2048xi32>
      %lt3A_134 = arith.cmpi slt, %rem3A_128, %lt3A_133 : vector<1x2048xi32>
      %lt3A_135 = arith.constant 0 : i32
      %lt3A_136 = arith.cmpi slt, %select_n3A_126, %lt3A_135 : i32
      %ne3A_137 = vector.broadcast %lt3A_136 : i1 to vector<1x2048xi1>
      %ne3A_138 = vector.broadcast %ne3A_137 : vector<1x2048xi1> to vector<1x2048xi1>
      %ne3A_139 = arith.xori %lt3A_134, %ne3A_138 : vector<1x2048xi1>
      %and3A_140 = arith.andi %ne3A_139, %ne3A_131 : vector<1x2048xi1>
      %add3A_141 = vector.broadcast %select_n3A_126 : i32 to vector<1x2048xi32>
      %add3A_142 = arith.addi %rem3A_128, %add3A_141 : vector<1x2048xi32>
      %select_n3A_143 = arith.select %and3A_140, %add3A_142, %rem3A_128 : vector<1x2048xi1>, vector<1x2048xi32>
      %add3A_144 = arith.constant 8192 : i32
      %add3A_145 = vector.broadcast %add3A_144 : i32 to vector<1x2048xi32>
      %add3A_146 = arith.addi %add3A_145, %select_n3A_143 : vector<1x2048xi32>
      %broadcast_in_dim3A_147 = arith.constant 1.000000e+00 : f32
      %broadcast_in_dim3A_148 = vector.broadcast %broadcast_in_dim3A_147 : f32 to vector<1x512xf32>
      %slice3A = vector.extract_strided_slice %dot_general3A_14 {offsets = [0, 0], sizes = [512, 1], strides = [1, 1]} : vector<512x16xf32> to vector<512x1xf32>
      %le3A = vector.broadcast %slice3A : vector<512x1xf32> to vector<512x2048xf32>
      %le3A_149 = vector.broadcast %convert_element_type3A_121 : vector<1x2048xf32> to vector<512x2048xf32>
      %le3A_150 = arith.cmpf ole, %le3A, %le3A_149 : vector<512x2048xf32>
      %convert_element_type3A_151 = arith.extui %le3A_150 : vector<512x2048xi1> to vector<512x2048xi32>
      %convert_element_type3A_152 = arith.sitofp %convert_element_type3A_151 : vector<512x2048xi32> to vector<512x2048xf32>
      %dot_general3A_153 = arith.constant dense<0.000000e+00> : vector<1x2048xf32>
      %dot_general3A_154 = tpu.matmul %broadcast_in_dim3A_148, %convert_element_type3A_152, %dot_general3A_153 {dimension_numbers = #tpu.dot_dimension_numbers<[1], [0], [0], [1], [0, 0, 1, 1], [], []>, transpose_lhs_hint = false} : vector<1x512xf32>, vector<512x2048xf32>, vector<1x2048xf32> -> vector<1x2048xf32>
      %convert_element_type3A_155 = arith.fptosi %dot_general3A_154 : vector<1x2048xf32> to vector<1x2048xi32>
      %slice3A_156 = vector.extract_strided_slice %slice3A {offsets = [511, 0], sizes = [1, 1], strides = [1, 1]} : vector<512x1xf32> to vector<1x1xf32>
      %lt3A_157 = vector.broadcast %slice3A_156 : vector<1x1xf32> to vector<1x2048xf32>
      %lt3A_158 = arith.cmpf olt, %convert_element_type3A_121, %lt3A_157 : vector<1x2048xf32>
      %min3A = arith.constant 511 : i32
      %min3A_159 = vector.broadcast %min3A : i32 to vector<1x2048xi32>
      %min3A_160 = arith.minsi %convert_element_type3A_155, %min3A_159 : vector<1x2048xi32>
      %add3A_161 = arith.constant 0 : i32
      %add3A_162 = vector.broadcast %add3A_161 : i32 to vector<1x2048xi32>
      %add3A_163 = arith.addi %add3A_162, %min3A_160 : vector<1x2048xi32>
      %select_n3A_164 = arith.select %lt3A_158, %add3A_163, %add3A_146 : vector<1x2048xi1>, vector<1x2048xi32>
      %swap3A_165 = arith.constant 0 : index
      %swap3A_166 = arith.constant 0 : index
      %swap3A_167 = arith.constant 0 : index
      %swap3A_168 = vector.load %arg4[%swap3A_165, %swap3A_166, %swap3A_167] : memref<16x1x2048xi32, #tpu.memory_space<vmem>>, vector<1x1x2048xi32>
      %swap3A_169 = vector.shape_cast %swap3A_168 : vector<1x1x2048xi32> to vector<1x2048xi32>
      %swap3A_170 = vector.shape_cast %select_n3A_164 : vector<1x2048xi32> to vector<1x1x2048xi32>
      tpu.vector_store %arg4[%swap3A_165, %swap3A_166, %swap3A_167], %swap3A_170 {strides = array<i32>} : memref<16x1x2048xi32, #tpu.memory_space<vmem>>, vector<1x1x2048xi32>,
      %convert_element_type3A_171 = arith.fptosi %slice3A_156 : vector<1x1xf32> to vector<1x1xi32>
      %broadcast_in_dim3A_172 = vector.shape_cast %convert_element_type3A_171 : vector<1x1xi32> to vector<1x1xi32>
      %broadcast_in_dim3A_173 = vector.broadcast %broadcast_in_dim3A_172 : vector<1x1xi32> to vector<1x16xi32>
      %swap3A_174 = arith.constant 0 : index
      %swap3A_175 = arith.constant 0 : index
      %swap3A_176 = arith.constant 0 : index
      %swap3A_177 = vector.load %arg5[%swap3A_174, %swap3A_175, %swap3A_176] : memref<16x1x16xi32, #tpu.memory_space<vmem>>, vector<1x1x16xi32>
      %swap3A_178 = vector.shape_cast %swap3A_177 : vector<1x1x16xi32> to vector<1x16xi32>
      %swap3A_179 = vector.shape_cast %broadcast_in_dim3A_173 : vector<1x16xi32> to vector<1x1x16xi32>
      tpu.vector_store %arg5[%swap3A_174, %swap3A_175, %swap3A_176], %swap3A_179 {strides = array<i32>} : memref<16x1x16xi32, #tpu.memory_space<vmem>>, vector<1x1x16xi32>,
      %slice3A_180 = vector.extract_strided_slice %dot_general3A_14 {offsets = [0, 1], sizes = [512, 1], strides = [1, 1]} : vector<512x16xf32> to vector<512x1xf32>
      %le3A_181 = vector.broadcast %slice3A_180 : vector<512x1xf32> to vector<512x2048xf32>
      %le3A_182 = vector.broadcast %convert_element_type3A_121 : vector<1x2048xf32> to vector<512x2048xf32>
      %le3A_183 = arith.cmpf ole, %le3A_181, %le3A_182 : vector<512x2048xf32>
      %convert_element_type3A_184 = arith.extui %le3A_183 : vector<512x2048xi1> to vector<512x2048xi32>
      %convert_element_type3A_185 = arith.sitofp %convert_element_type3A_184 : vector<512x2048xi32> to vector<512x2048xf32>
      %dot_general3A_186 = arith.constant dense<0.000000e+00> : vector<1x2048xf32>
      %dot_general3A_187 = tpu.matmul %broadcast_in_dim3A_148, %convert_element_type3A_185, %dot_general3A_186 {dimension_numbers = #tpu.dot_dimension_numbers<[1], [0], [0], [1], [0, 0, 1, 1], [], []>, transpose_lhs_hint = false} : vector<1x512xf32>, vector<512x2048xf32>, vector<1x2048xf32> -> vector<1x2048xf32>
      %convert_element_type3A_188 = arith.fptosi %dot_general3A_187 : vector<1x2048xf32> to vector<1x2048xi32>
      %slice3A_189 = vector.extract_strided_slice %slice3A_180 {offsets = [511, 0], sizes = [1, 1], strides = [1, 1]} : vector<512x1xf32> to vector<1x1xf32>
      %lt3A_190 = vector.broadcast %slice3A_189 : vector<1x1xf32> to vector<1x2048xf32>
      %lt3A_191 = arith.cmpf olt, %convert_element_type3A_121, %lt3A_190 : vector<1x2048xf32>
      %min3A_192 = arith.constant 511 : i32
      %min3A_193 = vector.broadcast %min3A_192 : i32 to vector<1x2048xi32>
      %min3A_194 = arith.minsi %convert_element_type3A_188, %min3A_193 : vector<1x2048xi32>
      %add3A_195 = arith.constant 512 : i32
      %add3A_196 = vector.broadcast %add3A_195 : i32 to vector<1x2048xi32>
      %add3A_197 = arith.addi %add3A_196, %min3A_194 : vector<1x2048xi32>
      %select_n3A_198 = arith.select %lt3A_191, %add3A_197, %add3A_146 : vector<1x2048xi1>, vector<1x2048xi32>
      %swap3A_199 = arith.constant 1 : index
      %swap3A_200 = arith.constant 0 : index
      %swap3A_201 = arith.constant 0 : index
      %swap3A_202 = vector.load %arg4[%swap3A_199, %swap3A_200, %swap3A_201] : memref<16x1x2048xi32, #tpu.memory_space<vmem>>, vector<1x1x2048xi32>
      %swap3A_203 = vector.shape_cast %swap3A_202 : vector<1x1x2048xi32> to vector<1x2048xi32>
      %swap3A_204 = vector.shape_cast %select_n3A_198 : vector<1x2048xi32> to vector<1x1x2048xi32>
      tpu.vector_store %arg4[%swap3A_199, %swap3A_200, %swap3A_201], %swap3A_204 {strides = array<i32>} : memref<16x1x2048xi32, #tpu.memory_space<vmem>>, vector<1x1x2048xi32>,
      %convert_element_type3A_205 = arith.fptosi %slice3A_189 : vector<1x1xf32> to vector<1x1xi32>
      %broadcast_in_dim3A_206 = vector.shape_cast %convert_element_type3A_205 : vector<1x1xi32> to vector<1x1xi32>
      %broadcast_in_dim3A_207 = vector.broadcast %broadcast_in_dim3A_206 : vector<1x1xi32> to vector<1x16xi32>
      %swap3A_208 = arith.constant 1 : index
      %swap3A_209 = arith.constant 0 : index
      %swap3A_210 = arith.constant 0 : index
      %swap3A_211 = vector.load %arg5[%swap3A_208, %swap3A_209, %swap3A_210] : memref<16x1x16xi32, #tpu.memory_space<vmem>>, vector<1x1x16xi32>
      %swap3A_212 = vector.shape_cast %swap3A_211 : vector<1x1x16xi32> to vector<1x16xi32>
      %swap3A_213 = vector.shape_cast %broadcast_in_dim3A_207 : vector<1x16xi32> to vector<1x1x16xi32>
      tpu.vector_store %arg5[%swap3A_208, %swap3A_209, %swap3A_210], %swap3A_213 {strides = array<i32>} : memref<16x1x16xi32, #tpu.memory_space<vmem>>, vector<1x1x16xi32>,
      %slice3A_214 = vector.extract_strided_slice %dot_general3A_14 {offsets = [0, 2], sizes = [512, 1], strides = [1, 1]} : vector<512x16xf32> to vector<512x1xf32>
      %le3A_215 = vector.broadcast %slice3A_214 : vector<512x1xf32> to vector<512x2048xf32>
      %le3A_216 = vector.broadcast %convert_element_type3A_121 : vector<1x2048xf32> to vector<512x2048xf32>
      %le3A_217 = arith.cmpf ole, %le3A_215, %le3A_216 : vector<512x2048xf32>
      %convert_element_type3A_218 = arith.extui %le3A_217 : vector<512x2048xi1> to vector<512x2048xi32>
      %convert_element_type3A_219 = arith.sitofp %convert_element_type3A_218 : vector<512x2048xi32> to vector<512x2048xf32>
      %dot_general3A_220 = arith.constant dense<0.000000e+00> : vector<1x2048xf32>
      %dot_general3A_221 = tpu.matmul %broadcast_in_dim3A_148, %convert_element_type3A_219, %dot_general3A_220 {dimension_numbers = #tpu.dot_dimension_numbers<[1], [0], [0], [1], [0, 0, 1, 1], [], []>, transpose_lhs_hint = false} : vector<1x512xf32>, vector<512x2048xf32>, vector<1x2048xf32> -> vector<1x2048xf32>
      %convert_element_type3A_222 = arith.fptosi %dot_general3A_221 : vector<1x2048xf32> to vector<1x2048xi32>
      %slice3A_223 = vector.extract_strided_slice %slice3A_214 {offsets = [511, 0], sizes = [1, 1], strides = [1, 1]} : vector<512x1xf32> to vector<1x1xf32>
      %lt3A_224 = vector.broadcast %slice3A_223 : vector<1x1xf32> to vector<1x2048xf32>
      %lt3A_225 = arith.cmpf olt, %convert_element_type3A_121, %lt3A_224 : vector<1x2048xf32>
      %min3A_226 = arith.constant 511 : i32
      %min3A_227 = vector.broadcast %min3A_226 : i32 to vector<1x2048xi32>
      %min3A_228 = arith.minsi %convert_element_type3A_222, %min3A_227 : vector<1x2048xi32>
      %add3A_229 = arith.constant 1024 : i32
      %add3A_230 = vector.broadcast %add3A_229 : i32 to vector<1x2048xi32>
      %add3A_231 = arith.addi %add3A_230, %min3A_228 : vector<1x2048xi32>
      %select_n3A_232 = arith.select %lt3A_225, %add3A_231, %add3A_146 : vector<1x2048xi1>, vector<1x2048xi32>
      %swap3A_233 = arith.constant 2 : index
      %swap3A_234 = arith.constant 0 : index
      %swap3A_235 = arith.constant 0 : index
      %swap3A_236 = vector.load %arg4[%swap3A_233, %swap3A_234, %swap3A_235] : memref<16x1x2048xi32, #tpu.memory_space<vmem>>, vector<1x1x2048xi32>
      %swap3A_237 = vector.shape_cast %swap3A_236 : vector<1x1x2048xi32> to vector<1x2048xi32>
      %swap3A_238 = vector.shape_cast %select_n3A_232 : vector<1x2048xi32> to vector<1x1x2048xi32>
      tpu.vector_store %arg4[%swap3A_233, %swap3A_234, %swap3A_235], %swap3A_238 {strides = array<i32>} : memref<16x1x2048xi32, #tpu.memory_space<vmem>>, vector<1x1x2048xi32>,
      %convert_element_type3A_239 = arith.fptosi %slice3A_223 : vector<1x1xf32> to vector<1x1xi32>
      %broadcast_in_dim3A_240 = vector.shape_cast %convert_element_type3A_239 : vector<1x1xi32> to vector<1x1xi32>
      %broadcast_in_dim3A_241 = vector.broadcast %broadcast_in_dim3A_240 : vector<1x1xi32> to vector<1x16xi32>
      %swap3A_242 = arith.constant 2 : index
      %swap3A_243 = arith.constant 0 : index
      %swap3A_244 = arith.constant 0 : index
      %swap3A_245 = vector.load %arg5[%swap3A_242, %swap3A_243, %swap3A_244] : memref<16x1x16xi32, #tpu.memory_space<vmem>>, vector<1x1x16xi32>
      %swap3A_246 = vector.shape_cast %swap3A_245 : vector<1x1x16xi32> to vector<1x16xi32>
      %swap3A_247 = vector.shape_cast %broadcast_in_dim3A_241 : vector<1x16xi32> to vector<1x1x16xi32>
      tpu.vector_store %arg5[%swap3A_242, %swap3A_243, %swap3A_244], %swap3A_247 {strides = array<i32>} : memref<16x1x16xi32, #tpu.memory_space<vmem>>, vector<1x1x16xi32>,
      %slice3A_248 = vector.extract_strided_slice %dot_general3A_14 {offsets = [0, 3], sizes = [512, 1], strides = [1, 1]} : vector<512x16xf32> to vector<512x1xf32>
      %le3A_249 = vector.broadcast %slice3A_248 : vector<512x1xf32> to vector<512x2048xf32>
      %le3A_250 = vector.broadcast %convert_element_type3A_121 : vector<1x2048xf32> to vector<512x2048xf32>
      %le3A_251 = arith.cmpf ole, %le3A_249, %le3A_250 : vector<512x2048xf32>
      %convert_element_type3A_252 = arith.extui %le3A_251 : vector<512x2048xi1> to vector<512x2048xi32>
      %convert_element_type3A_253 = arith.sitofp %convert_element_type3A_252 : vector<512x2048xi32> to vector<512x2048xf32>
      %dot_general3A_254 = arith.constant dense<0.000000e+00> : vector<1x2048xf32>
      %dot_general3A_255 = tpu.matmul %broadcast_in_dim3A_148, %convert_element_type3A_253, %dot_general3A_254 {dimension_numbers = #tpu.dot_dimension_numbers<[1], [0], [0], [1], [0, 0, 1, 1], [], []>, transpose_lhs_hint = false} : vector<1x512xf32>, vector<512x2048xf32>, vector<1x2048xf32> -> vector<1x2048xf32>
      %convert_element_type3A_256 = arith.fptosi %dot_general3A_255 : vector<1x2048xf32> to vector<1x2048xi32>
      %slice3A_257 = vector.extract_strided_slice %slice3A_248 {offsets = [511, 0], sizes = [1, 1], strides = [1, 1]} : vector<512x1xf32> to vector<1x1xf32>
      %lt3A_258 = vector.broadcast %slice3A_257 : vector<1x1xf32> to vector<1x2048xf32>
      %lt3A_259 = arith.cmpf olt, %convert_element_type3A_121, %lt3A_258 : vector<1x2048xf32>
      %min3A_260 = arith.constant 511 : i32
      %min3A_261 = vector.broadcast %min3A_260 : i32 to vector<1x2048xi32>
      %min3A_262 = arith.minsi %convert_element_type3A_256, %min3A_261 : vector<1x2048xi32>
      %add3A_263 = arith.constant 1536 : i32
      %add3A_264 = vector.broadcast %add3A_263 : i32 to vector<1x2048xi32>
      %add3A_265 = arith.addi %add3A_264, %min3A_262 : vector<1x2048xi32>
      %select_n3A_266 = arith.select %lt3A_259, %add3A_265, %add3A_146 : vector<1x2048xi1>, vector<1x2048xi32>
      %swap3A_267 = arith.constant 3 : index
      %swap3A_268 = arith.constant 0 : index
      %swap3A_269 = arith.constant 0 : index
      %swap3A_270 = vector.load %arg4[%swap3A_267, %swap3A_268, %swap3A_269] : memref<16x1x2048xi32, #tpu.memory_space<vmem>>, vector<1x1x2048xi32>
      %swap3A_271 = vector.shape_cast %swap3A_270 : vector<1x1x2048xi32> to vector<1x2048xi32>
      %swap3A_272 = vector.shape_cast %select_n3A_266 : vector<1x2048xi32> to vector<1x1x2048xi32>
      tpu.vector_store %arg4[%swap3A_267, %swap3A_268, %swap3A_269], %swap3A_272 {strides = array<i32>} : memref<16x1x2048xi32, #tpu.memory_space<vmem>>, vector<1x1x2048xi32>,
      %convert_element_type3A_273 = arith.fptosi %slice3A_257 : vector<1x1xf32> to vector<1x1xi32>
      %broadcast_in_dim3A_274 = vector.shape_cast %convert_element_type3A_273 : vector<1x1xi32> to vector<1x1xi32>
      %broadcast_in_dim3A_275 = vector.broadcast %broadcast_in_dim3A_274 : vector<1x1xi32> to vector<1x16xi32>
      %swap3A_276 = arith.constant 3 : index
      %swap3A_277 = arith.constant 0 : index
      %swap3A_278 = arith.constant 0 : index
      %swap3A_279 = vector.load %arg5[%swap3A_276, %swap3A_277, %swap3A_278] : memref<16x1x16xi32, #tpu.memory_space<vmem>>, vector<1x1x16xi32>
      %swap3A_280 = vector.shape_cast %swap3A_279 : vector<1x1x16xi32> to vector<1x16xi32>
      %swap3A_281 = vector.shape_cast %broadcast_in_dim3A_275 : vector<1x16xi32> to vector<1x1x16xi32>
      tpu.vector_store %arg5[%swap3A_276, %swap3A_277, %swap3A_278], %swap3A_281 {strides = array<i32>} : memref<16x1x16xi32, #tpu.memory_space<vmem>>, vector<1x1x16xi32>,
      %slice3A_282 = vector.extract_strided_slice %dot_general3A_14 {offsets = [0, 4], sizes = [512, 1], strides = [1, 1]} : vector<512x16xf32> to vector<512x1xf32>
      %le3A_283 = vector.broadcast %slice3A_282 : vector<512x1xf32> to vector<512x2048xf32>
      %le3A_284 = vector.broadcast %convert_element_type3A_121 : vector<1x2048xf32> to vector<512x2048xf32>
      %le3A_285 = arith.cmpf ole, %le3A_283, %le3A_284 : vector<512x2048xf32>
      %convert_element_type3A_286 = arith.extui %le3A_285 : vector<512x2048xi1> to vector<512x2048xi32>
      %convert_element_type3A_287 = arith.sitofp %convert_element_type3A_286 : vector<512x2048xi32> to vector<512x2048xf32>
      %dot_general3A_288 = arith.constant dense<0.000000e+00> : vector<1x2048xf32>
      %dot_general3A_289 = tpu.matmul %broadcast_in_dim3A_148, %convert_element_type3A_287, %dot_general3A_288 {dimension_numbers = #tpu.dot_dimension_numbers<[1], [0], [0], [1], [0, 0, 1, 1], [], []>, transpose_lhs_hint = false} : vector<1x512xf32>, vector<512x2048xf32>, vector<1x2048xf32> -> vector<1x2048xf32>
      %convert_element_type3A_290 = arith.fptosi %dot_general3A_289 : vector<1x2048xf32> to vector<1x2048xi32>
      %slice3A_291 = vector.extract_strided_slice %slice3A_282 {offsets = [511, 0], sizes = [1, 1], strides = [1, 1]} : vector<512x1xf32> to vector<1x1xf32>
      %lt3A_292 = vector.broadcast %slice3A_291 : vector<1x1xf32> to vector<1x2048xf32>
      %lt3A_293 = arith.cmpf olt, %convert_element_type3A_121, %lt3A_292 : vector<1x2048xf32>
      %min3A_294 = arith.constant 511 : i32
      %min3A_295 = vector.broadcast %min3A_294 : i32 to vector<1x2048xi32>
      %min3A_296 = arith.minsi %convert_element_type3A_290, %min3A_295 : vector<1x2048xi32>
      %add3A_297 = arith.constant 2048 : i32
      %add3A_298 = vector.broadcast %add3A_297 : i32 to vector<1x2048xi32>
      %add3A_299 = arith.addi %add3A_298, %min3A_296 : vector<1x2048xi32>
      %select_n3A_300 = arith.select %lt3A_293, %add3A_299, %add3A_146 : vector<1x2048xi1>, vector<1x2048xi32>
      %swap3A_301 = arith.constant 4 : index
      %swap3A_302 = arith.constant 0 : index
      %swap3A_303 = arith.constant 0 : index
      %swap3A_304 = vector.load %arg4[%swap3A_301, %swap3A_302, %swap3A_303] : memref<16x1x2048xi32, #tpu.memory_space<vmem>>, vector<1x1x2048xi32>
      %swap3A_305 = vector.shape_cast %swap3A_304 : vector<1x1x2048xi32> to vector<1x2048xi32>
      %swap3A_306 = vector.shape_cast %select_n3A_300 : vector<1x2048xi32> to vector<1x1x2048xi32>
      tpu.vector_store %arg4[%swap3A_301, %swap3A_302, %swap3A_303], %swap3A_306 {strides = array<i32>} : memref<16x1x2048xi32, #tpu.memory_space<vmem>>, vector<1x1x2048xi32>,
      %convert_element_type3A_307 = arith.fptosi %slice3A_291 : vector<1x1xf32> to vector<1x1xi32>
      %broadcast_in_dim3A_308 = vector.shape_cast %convert_element_type3A_307 : vector<1x1xi32> to vector<1x1xi32>
      %broadcast_in_dim3A_309 = vector.broadcast %broadcast_in_dim3A_308 : vector<1x1xi32> to vector<1x16xi32>
      %swap3A_310 = arith.constant 4 : index
      %swap3A_311 = arith.constant 0 : index
      %swap3A_312 = arith.constant 0 : index
      %swap3A_313 = vector.load %arg5[%swap3A_310, %swap3A_311, %swap3A_312] : memref<16x1x16xi32, #tpu.memory_space<vmem>>, vector<1x1x16xi32>
      %swap3A_314 = vector.shape_cast %swap3A_313 : vector<1x1x16xi32> to vector<1x16xi32>
      %swap3A_315 = vector.shape_cast %broadcast_in_dim3A_309 : vector<1x16xi32> to vector<1x1x16xi32>
      tpu.vector_store %arg5[%swap3A_310, %swap3A_311, %swap3A_312], %swap3A_315 {strides = array<i32>} : memref<16x1x16xi32, #tpu.memory_space<vmem>>, vector<1x1x16xi32>,
      %slice3A_316 = vector.extract_strided_slice %dot_general3A_14 {offsets = [0, 5], sizes = [512, 1], strides = [1, 1]} : vector<512x16xf32> to vector<512x1xf32>
      %le3A_317 = vector.broadcast %slice3A_316 : vector<512x1xf32> to vector<512x2048xf32>
      %le3A_318 = vector.broadcast %convert_element_type3A_121 : vector<1x2048xf32> to vector<512x2048xf32>
      %le3A_319 = arith.cmpf ole, %le3A_317, %le3A_318 : vector<512x2048xf32>
      %convert_element_type3A_320 = arith.extui %le3A_319 : vector<512x2048xi1> to vector<512x2048xi32>
      %convert_element_type3A_321 = arith.sitofp %convert_element_type3A_320 : vector<512x2048xi32> to vector<512x2048xf32>
      %dot_general3A_322 = arith.constant dense<0.000000e+00> : vector<1x2048xf32>
      %dot_general3A_323 = tpu.matmul %broadcast_in_dim3A_148, %convert_element_type3A_321, %dot_general3A_322 {dimension_numbers = #tpu.dot_dimension_numbers<[1], [0], [0], [1], [0, 0, 1, 1], [], []>, transpose_lhs_hint = false} : vector<1x512xf32>, vector<512x2048xf32>, vector<1x2048xf32> -> vector<1x2048xf32>
      %convert_element_type3A_324 = arith.fptosi %dot_general3A_323 : vector<1x2048xf32> to vector<1x2048xi32>
      %slice3A_325 = vector.extract_strided_slice %slice3A_316 {offsets = [511, 0], sizes = [1, 1], strides = [1, 1]} : vector<512x1xf32> to vector<1x1xf32>
      %lt3A_326 = vector.broadcast %slice3A_325 : vector<1x1xf32> to vector<1x2048xf32>
      %lt3A_327 = arith.cmpf olt, %convert_element_type3A_121, %lt3A_326 : vector<1x2048xf32>
      %min3A_328 = arith.constant 511 : i32
      %min3A_329 = vector.broadcast %min3A_328 : i32 to vector<1x2048xi32>
      %min3A_330 = arith.minsi %convert_element_type3A_324, %min3A_329 : vector<1x2048xi32>
      %add3A_331 = arith.constant 2560 : i32
      %add3A_332 = vector.broadcast %add3A_331 : i32 to vector<1x2048xi32>
      %add3A_333 = arith.addi %add3A_332, %min3A_330 : vector<1x2048xi32>
      %select_n3A_334 = arith.select %lt3A_327, %add3A_333, %add3A_146 : vector<1x2048xi1>, vector<1x2048xi32>
      %swap3A_335 = arith.constant 5 : index
      %swap3A_336 = arith.constant 0 : index
      %swap3A_337 = arith.constant 0 : index
      %swap3A_338 = vector.load %arg4[%swap3A_335, %swap3A_336, %swap3A_337] : memref<16x1x2048xi32, #tpu.memory_space<vmem>>, vector<1x1x2048xi32>
      %swap3A_339 = vector.shape_cast %swap3A_338 : vector<1x1x2048xi32> to vector<1x2048xi32>
      %swap3A_340 = vector.shape_cast %select_n3A_334 : vector<1x2048xi32> to vector<1x1x2048xi32>
      tpu.vector_store %arg4[%swap3A_335, %swap3A_336, %swap3A_337], %swap3A_340 {strides = array<i32>} : memref<16x1x2048xi32, #tpu.memory_space<vmem>>, vector<1x1x2048xi32>,
      %convert_element_type3A_341 = arith.fptosi %slice3A_325 : vector<1x1xf32> to vector<1x1xi32>
      %broadcast_in_dim3A_342 = vector.shape_cast %convert_element_type3A_341 : vector<1x1xi32> to vector<1x1xi32>
      %broadcast_in_dim3A_343 = vector.broadcast %broadcast_in_dim3A_342 : vector<1x1xi32> to vector<1x16xi32>
      %swap3A_344 = arith.constant 5 : index
      %swap3A_345 = arith.constant 0 : index
      %swap3A_346 = arith.constant 0 : index
      %swap3A_347 = vector.load %arg5[%swap3A_344, %swap3A_345, %swap3A_346] : memref<16x1x16xi32, #tpu.memory_space<vmem>>, vector<1x1x16xi32>
      %swap3A_348 = vector.shape_cast %swap3A_347 : vector<1x1x16xi32> to vector<1x16xi32>
      %swap3A_349 = vector.shape_cast %broadcast_in_dim3A_343 : vector<1x16xi32> to vector<1x1x16xi32>
      tpu.vector_store %arg5[%swap3A_344, %swap3A_345, %swap3A_346], %swap3A_349 {strides = array<i32>} : memref<16x1x16xi32, #tpu.memory_space<vmem>>, vector<1x1x16xi32>,
      %slice3A_350 = vector.extract_strided_slice %dot_general3A_14 {offsets = [0, 6], sizes = [512, 1], strides = [1, 1]} : vector<512x16xf32> to vector<512x1xf32>
      %le3A_351 = vector.broadcast %slice3A_350 : vector<512x1xf32> to vector<512x2048xf32>
      %le3A_352 = vector.broadcast %convert_element_type3A_121 : vector<1x2048xf32> to vector<512x2048xf32>
      %le3A_353 = arith.cmpf ole, %le3A_351, %le3A_352 : vector<512x2048xf32>
      %convert_element_type3A_354 = arith.extui %le3A_353 : vector<512x2048xi1> to vector<512x2048xi32>
      %convert_element_type3A_355 = arith.sitofp %convert_element_type3A_354 : vector<512x2048xi32> to vector<512x2048xf32>
      %dot_general3A_356 = arith.constant dense<0.000000e+00> : vector<1x2048xf32>
      %dot_general3A_357 = tpu.matmul %broadcast_in_dim3A_148, %convert_element_type3A_355, %dot_general3A_356 {dimension_numbers = #tpu.dot_dimension_numbers<[1], [0], [0], [1], [0, 0, 1, 1], [], []>, transpose_lhs_hint = false} : vector<1x512xf32>, vector<512x2048xf32>, vector<1x2048xf32> -> vector<1x2048xf32>
      %convert_element_type3A_358 = arith.fptosi %dot_general3A_357 : vector<1x2048xf32> to vector<1x2048xi32>
      %slice3A_359 = vector.extract_strided_slice %slice3A_350 {offsets = [511, 0], sizes = [1, 1], strides = [1, 1]} : vector<512x1xf32> to vector<1x1xf32>
      %lt3A_360 = vector.broadcast %slice3A_359 : vector<1x1xf32> to vector<1x2048xf32>
      %lt3A_361 = arith.cmpf olt, %convert_element_type3A_121, %lt3A_360 : vector<1x2048xf32>
      %min3A_362 = arith.constant 511 : i32
      %min3A_363 = vector.broadcast %min3A_362 : i32 to vector<1x2048xi32>
      %min3A_364 = arith.minsi %convert_element_type3A_358, %min3A_363 : vector<1x2048xi32>
      %add3A_365 = arith.constant 3072 : i32
      %add3A_366 = vector.broadcast %add3A_365 : i32 to vector<1x2048xi32>
      %add3A_367 = arith.addi %add3A_366, %min3A_364 : vector<1x2048xi32>
      %select_n3A_368 = arith.select %lt3A_361, %add3A_367, %add3A_146 : vector<1x2048xi1>, vector<1x2048xi32>
      %swap3A_369 = arith.constant 6 : index
      %swap3A_370 = arith.constant 0 : index
      %swap3A_371 = arith.constant 0 : index
      %swap3A_372 = vector.load %arg4[%swap3A_369, %swap3A_370, %swap3A_371] : memref<16x1x2048xi32, #tpu.memory_space<vmem>>, vector<1x1x2048xi32>
      %swap3A_373 = vector.shape_cast %swap3A_372 : vector<1x1x2048xi32> to vector<1x2048xi32>
      %swap3A_374 = vector.shape_cast %select_n3A_368 : vector<1x2048xi32> to vector<1x1x2048xi32>
      tpu.vector_store %arg4[%swap3A_369, %swap3A_370, %swap3A_371], %swap3A_374 {strides = array<i32>} : memref<16x1x2048xi32, #tpu.memory_space<vmem>>, vector<1x1x2048xi32>,
      %convert_element_type3A_375 = arith.fptosi %slice3A_359 : vector<1x1xf32> to vector<1x1xi32>
      %broadcast_in_dim3A_376 = vector.shape_cast %convert_element_type3A_375 : vector<1x1xi32> to vector<1x1xi32>
      %broadcast_in_dim3A_377 = vector.broadcast %broadcast_in_dim3A_376 : vector<1x1xi32> to vector<1x16xi32>
      %swap3A_378 = arith.constant 6 : index
      %swap3A_379 = arith.constant 0 : index
      %swap3A_380 = arith.constant 0 : index
      %swap3A_381 = vector.load %arg5[%swap3A_378, %swap3A_379, %swap3A_380] : memref<16x1x16xi32, #tpu.memory_space<vmem>>, vector<1x1x16xi32>
      %swap3A_382 = vector.shape_cast %swap3A_381 : vector<1x1x16xi32> to vector<1x16xi32>
      %swap3A_383 = vector.shape_cast %broadcast_in_dim3A_377 : vector<1x16xi32> to vector<1x1x16xi32>
      tpu.vector_store %arg5[%swap3A_378, %swap3A_379, %swap3A_380], %swap3A_383 {strides = array<i32>} : memref<16x1x16xi32, #tpu.memory_space<vmem>>, vector<1x1x16xi32>,
      %slice3A_384 = vector.extract_strided_slice %dot_general3A_14 {offsets = [0, 7], sizes = [512, 1], strides = [1, 1]} : vector<512x16xf32> to vector<512x1xf32>
      %le3A_385 = vector.broadcast %slice3A_384 : vector<512x1xf32> to vector<512x2048xf32>
      %le3A_386 = vector.broadcast %convert_element_type3A_121 : vector<1x2048xf32> to vector<512x2048xf32>
      %le3A_387 = arith.cmpf ole, %le3A_385, %le3A_386 : vector<512x2048xf32>
      %convert_element_type3A_388 = arith.extui %le3A_387 : vector<512x2048xi1> to vector<512x2048xi32>
      %convert_element_type3A_389 = arith.sitofp %convert_element_type3A_388 : vector<512x2048xi32> to vector<512x2048xf32>
      %dot_general3A_390 = arith.constant dense<0.000000e+00> : vector<1x2048xf32>
      %dot_general3A_391 = tpu.matmul %broadcast_in_dim3A_148, %convert_element_type3A_389, %dot_general3A_390 {dimension_numbers = #tpu.dot_dimension_numbers<[1], [0], [0], [1], [0, 0, 1, 1], [], []>, transpose_lhs_hint = false} : vector<1x512xf32>, vector<512x2048xf32>, vector<1x2048xf32> -> vector<1x2048xf32>
      %convert_element_type3A_392 = arith.fptosi %dot_general3A_391 : vector<1x2048xf32> to vector<1x2048xi32>
      %slice3A_393 = vector.extract_strided_slice %slice3A_384 {offsets = [511, 0], sizes = [1, 1], strides = [1, 1]} : vector<512x1xf32> to vector<1x1xf32>
      %lt3A_394 = vector.broadcast %slice3A_393 : vector<1x1xf32> to vector<1x2048xf32>
      %lt3A_395 = arith.cmpf olt, %convert_element_type3A_121, %lt3A_394 : vector<1x2048xf32>
      %min3A_396 = arith.constant 511 : i32
      %min3A_397 = vector.broadcast %min3A_396 : i32 to vector<1x2048xi32>
      %min3A_398 = arith.minsi %convert_element_type3A_392, %min3A_397 : vector<1x2048xi32>
      %add3A_399 = arith.constant 3584 : i32
      %add3A_400 = vector.broadcast %add3A_399 : i32 to vector<1x2048xi32>
      %add3A_401 = arith.addi %add3A_400, %min3A_398 : vector<1x2048xi32>
      %select_n3A_402 = arith.select %lt3A_395, %add3A_401, %add3A_146 : vector<1x2048xi1>, vector<1x2048xi32>
      %swap3A_403 = arith.constant 7 : index
      %swap3A_404 = arith.constant 0 : index
      %swap3A_405 = arith.constant 0 : index
      %swap3A_406 = vector.load %arg4[%swap3A_403, %swap3A_404, %swap3A_405] : memref<16x1x2048xi32, #tpu.memory_space<vmem>>, vector<1x1x2048xi32>
      %swap3A_407 = vector.shape_cast %swap3A_406 : vector<1x1x2048xi32> to vector<1x2048xi32>
      %swap3A_408 = vector.shape_cast %select_n3A_402 : vector<1x2048xi32> to vector<1x1x2048xi32>
      tpu.vector_store %arg4[%swap3A_403, %swap3A_404, %swap3A_405], %swap3A_408 {strides = array<i32>} : memref<16x1x2048xi32, #tpu.memory_space<vmem>>, vector<1x1x2048xi32>,
      %convert_element_type3A_409 = arith.fptosi %slice3A_393 : vector<1x1xf32> to vector<1x1xi32>
      %broadcast_in_dim3A_410 = vector.shape_cast %convert_element_type3A_409 : vector<1x1xi32> to vector<1x1xi32>
      %broadcast_in_dim3A_411 = vector.broadcast %broadcast_in_dim3A_410 : vector<1x1xi32> to vector<1x16xi32>
      %swap3A_412 = arith.constant 7 : index
      %swap3A_413 = arith.constant 0 : index
      %swap3A_414 = arith.constant 0 : index
      %swap3A_415 = vector.load %arg5[%swap3A_412, %swap3A_413, %swap3A_414] : memref<16x1x16xi32, #tpu.memory_space<vmem>>, vector<1x1x16xi32>
      %swap3A_416 = vector.shape_cast %swap3A_415 : vector<1x1x16xi32> to vector<1x16xi32>
      %swap3A_417 = vector.shape_cast %broadcast_in_dim3A_411 : vector<1x16xi32> to vector<1x1x16xi32>
      tpu.vector_store %arg5[%swap3A_412, %swap3A_413, %swap3A_414], %swap3A_417 {strides = array<i32>} : memref<16x1x16xi32, #tpu.memory_space<vmem>>, vector<1x1x16xi32>,
      %slice3A_418 = vector.extract_strided_slice %dot_general3A_14 {offsets = [0, 8], sizes = [512, 1], strides = [1, 1]} : vector<512x16xf32> to vector<512x1xf32>
      %le3A_419 = vector.broadcast %slice3A_418 : vector<512x1xf32> to vector<512x2048xf32>
      %le3A_420 = vector.broadcast %convert_element_type3A_121 : vector<1x2048xf32> to vector<512x2048xf32>
      %le3A_421 = arith.cmpf ole, %le3A_419, %le3A_420 : vector<512x2048xf32>
      %convert_element_type3A_422 = arith.extui %le3A_421 : vector<512x2048xi1> to vector<512x2048xi32>
      %convert_element_type3A_423 = arith.sitofp %convert_element_type3A_422 : vector<512x2048xi32> to vector<512x2048xf32>
      %dot_general3A_424 = arith.constant dense<0.000000e+00> : vector<1x2048xf32>
      %dot_general3A_425 = tpu.matmul %broadcast_in_dim3A_148, %convert_element_type3A_423, %dot_general3A_424 {dimension_numbers = #tpu.dot_dimension_numbers<[1], [0], [0], [1], [0, 0, 1, 1], [], []>, transpose_lhs_hint = false} : vector<1x512xf32>, vector<512x2048xf32>, vector<1x2048xf32> -> vector<1x2048xf32>
      %convert_element_type3A_426 = arith.fptosi %dot_general3A_425 : vector<1x2048xf32> to vector<1x2048xi32>
      %slice3A_427 = vector.extract_strided_slice %slice3A_418 {offsets = [511, 0], sizes = [1, 1], strides = [1, 1]} : vector<512x1xf32> to vector<1x1xf32>
      %lt3A_428 = vector.broadcast %slice3A_427 : vector<1x1xf32> to vector<1x2048xf32>
      %lt3A_429 = arith.cmpf olt, %convert_element_type3A_121, %lt3A_428 : vector<1x2048xf32>
      %min3A_430 = arith.constant 511 : i32
      %min3A_431 = vector.broadcast %min3A_430 : i32 to vector<1x2048xi32>
      %min3A_432 = arith.minsi %convert_element_type3A_426, %min3A_431 : vector<1x2048xi32>
      %add3A_433 = arith.constant 4096 : i32
      %add3A_434 = vector.broadcast %add3A_433 : i32 to vector<1x2048xi32>
      %add3A_435 = arith.addi %add3A_434, %min3A_432 : vector<1x2048xi32>
      %select_n3A_436 = arith.select %lt3A_429, %add3A_435, %add3A_146 : vector<1x2048xi1>, vector<1x2048xi32>
      %swap3A_437 = arith.constant 8 : index
      %swap3A_438 = arith.constant 0 : index
      %swap3A_439 = arith.constant 0 : index
      %swap3A_440 = vector.load %arg4[%swap3A_437, %swap3A_438, %swap3A_439] : memref<16x1x2048xi32, #tpu.memory_space<vmem>>, vector<1x1x2048xi32>
      %swap3A_441 = vector.shape_cast %swap3A_440 : vector<1x1x2048xi32> to vector<1x2048xi32>
      %swap3A_442 = vector.shape_cast %select_n3A_436 : vector<1x2048xi32> to vector<1x1x2048xi32>
      tpu.vector_store %arg4[%swap3A_437, %swap3A_438, %swap3A_439], %swap3A_442 {strides = array<i32>} : memref<16x1x2048xi32, #tpu.memory_space<vmem>>, vector<1x1x2048xi32>,
      %convert_element_type3A_443 = arith.fptosi %slice3A_427 : vector<1x1xf32> to vector<1x1xi32>
      %broadcast_in_dim3A_444 = vector.shape_cast %convert_element_type3A_443 : vector<1x1xi32> to vector<1x1xi32>
      %broadcast_in_dim3A_445 = vector.broadcast %broadcast_in_dim3A_444 : vector<1x1xi32> to vector<1x16xi32>
      %swap3A_446 = arith.constant 8 : index
      %swap3A_447 = arith.constant 0 : index
      %swap3A_448 = arith.constant 0 : index
      %swap3A_449 = vector.load %arg5[%swap3A_446, %swap3A_447, %swap3A_448] : memref<16x1x16xi32, #tpu.memory_space<vmem>>, vector<1x1x16xi32>
      %swap3A_450 = vector.shape_cast %swap3A_449 : vector<1x1x16xi32> to vector<1x16xi32>
      %swap3A_451 = vector.shape_cast %broadcast_in_dim3A_445 : vector<1x16xi32> to vector<1x1x16xi32>
      tpu.vector_store %arg5[%swap3A_446, %swap3A_447, %swap3A_448], %swap3A_451 {strides = array<i32>} : memref<16x1x16xi32, #tpu.memory_space<vmem>>, vector<1x1x16xi32>,
      %slice3A_452 = vector.extract_strided_slice %dot_general3A_14 {offsets = [0, 9], sizes = [512, 1], strides = [1, 1]} : vector<512x16xf32> to vector<512x1xf32>
      %le3A_453 = vector.broadcast %slice3A_452 : vector<512x1xf32> to vector<512x2048xf32>
      %le3A_454 = vector.broadcast %convert_element_type3A_121 : vector<1x2048xf32> to vector<512x2048xf32>
      %le3A_455 = arith.cmpf ole, %le3A_453, %le3A_454 : vector<512x2048xf32>
      %convert_element_type3A_456 = arith.extui %le3A_455 : vector<512x2048xi1> to vector<512x2048xi32>
      %convert_element_type3A_457 = arith.sitofp %convert_element_type3A_456 : vector<512x2048xi32> to vector<512x2048xf32>
      %dot_general3A_458 = arith.constant dense<0.000000e+00> : vector<1x2048xf32>
      %dot_general3A_459 = tpu.matmul %broadcast_in_dim3A_148, %convert_element_type3A_457, %dot_general3A_458 {dimension_numbers = #tpu.dot_dimension_numbers<[1], [0], [0], [1], [0, 0, 1, 1], [], []>, transpose_lhs_hint = false} : vector<1x512xf32>, vector<512x2048xf32>, vector<1x2048xf32> -> vector<1x2048xf32>
      %convert_element_type3A_460 = arith.fptosi %dot_general3A_459 : vector<1x2048xf32> to vector<1x2048xi32>
      %slice3A_461 = vector.extract_strided_slice %slice3A_452 {offsets = [511, 0], sizes = [1, 1], strides = [1, 1]} : vector<512x1xf32> to vector<1x1xf32>
      %lt3A_462 = vector.broadcast %slice3A_461 : vector<1x1xf32> to vector<1x2048xf32>
      %lt3A_463 = arith.cmpf olt, %convert_element_type3A_121, %lt3A_462 : vector<1x2048xf32>
      %min3A_464 = arith.constant 511 : i32
      %min3A_465 = vector.broadcast %min3A_464 : i32 to vector<1x2048xi32>
      %min3A_466 = arith.minsi %convert_element_type3A_460, %min3A_465 : vector<1x2048xi32>
      %add3A_467 = arith.constant 4608 : i32
      %add3A_468 = vector.broadcast %add3A_467 : i32 to vector<1x2048xi32>
      %add3A_469 = arith.addi %add3A_468, %min3A_466 : vector<1x2048xi32>
      %select_n3A_470 = arith.select %lt3A_463, %add3A_469, %add3A_146 : vector<1x2048xi1>, vector<1x2048xi32>
      %swap3A_471 = arith.constant 9 : index
      %swap3A_472 = arith.constant 0 : index
      %swap3A_473 = arith.constant 0 : index
      %swap3A_474 = vector.load %arg4[%swap3A_471, %swap3A_472, %swap3A_473] : memref<16x1x2048xi32, #tpu.memory_space<vmem>>, vector<1x1x2048xi32>
      %swap3A_475 = vector.shape_cast %swap3A_474 : vector<1x1x2048xi32> to vector<1x2048xi32>
      %swap3A_476 = vector.shape_cast %select_n3A_470 : vector<1x2048xi32> to vector<1x1x2048xi32>
      tpu.vector_store %arg4[%swap3A_471, %swap3A_472, %swap3A_473], %swap3A_476 {strides = array<i32>} : memref<16x1x2048xi32, #tpu.memory_space<vmem>>, vector<1x1x2048xi32>,
      %convert_element_type3A_477 = arith.fptosi %slice3A_461 : vector<1x1xf32> to vector<1x1xi32>
      %broadcast_in_dim3A_478 = vector.shape_cast %convert_element_type3A_477 : vector<1x1xi32> to vector<1x1xi32>
      %broadcast_in_dim3A_479 = vector.broadcast %broadcast_in_dim3A_478 : vector<1x1xi32> to vector<1x16xi32>
      %swap3A_480 = arith.constant 9 : index
      %swap3A_481 = arith.constant 0 : index
      %swap3A_482 = arith.constant 0 : index
      %swap3A_483 = vector.load %arg5[%swap3A_480, %swap3A_481, %swap3A_482] : memref<16x1x16xi32, #tpu.memory_space<vmem>>, vector<1x1x16xi32>
      %swap3A_484 = vector.shape_cast %swap3A_483 : vector<1x1x16xi32> to vector<1x16xi32>
      %swap3A_485 = vector.shape_cast %broadcast_in_dim3A_479 : vector<1x16xi32> to vector<1x1x16xi32>
      tpu.vector_store %arg5[%swap3A_480, %swap3A_481, %swap3A_482], %swap3A_485 {strides = array<i32>} : memref<16x1x16xi32, #tpu.memory_space<vmem>>, vector<1x1x16xi32>,
      %slice3A_486 = vector.extract_strided_slice %dot_general3A_14 {offsets = [0, 10], sizes = [512, 1], strides = [1, 1]} : vector<512x16xf32> to vector<512x1xf32>
      %le3A_487 = vector.broadcast %slice3A_486 : vector<512x1xf32> to vector<512x2048xf32>
      %le3A_488 = vector.broadcast %convert_element_type3A_121 : vector<1x2048xf32> to vector<512x2048xf32>
      %le3A_489 = arith.cmpf ole, %le3A_487, %le3A_488 : vector<512x2048xf32>
      %convert_element_type3A_490 = arith.extui %le3A_489 : vector<512x2048xi1> to vector<512x2048xi32>
      %convert_element_type3A_491 = arith.sitofp %convert_element_type3A_490 : vector<512x2048xi32> to vector<512x2048xf32>
      %dot_general3A_492 = arith.constant dense<0.000000e+00> : vector<1x2048xf32>
      %dot_general3A_493 = tpu.matmul %broadcast_in_dim3A_148, %convert_element_type3A_491, %dot_general3A_492 {dimension_numbers = #tpu.dot_dimension_numbers<[1], [0], [0], [1], [0, 0, 1, 1], [], []>, transpose_lhs_hint = false} : vector<1x512xf32>, vector<512x2048xf32>, vector<1x2048xf32> -> vector<1x2048xf32>
      %convert_element_type3A_494 = arith.fptosi %dot_general3A_493 : vector<1x2048xf32> to vector<1x2048xi32>
      %slice3A_495 = vector.extract_strided_slice %slice3A_486 {offsets = [511, 0], sizes = [1, 1], strides = [1, 1]} : vector<512x1xf32> to vector<1x1xf32>
      %lt3A_496 = vector.broadcast %slice3A_495 : vector<1x1xf32> to vector<1x2048xf32>
      %lt3A_497 = arith.cmpf olt, %convert_element_type3A_121, %lt3A_496 : vector<1x2048xf32>
      %min3A_498 = arith.constant 511 : i32
      %min3A_499 = vector.broadcast %min3A_498 : i32 to vector<1x2048xi32>
      %min3A_500 = arith.minsi %convert_element_type3A_494, %min3A_499 : vector<1x2048xi32>
      %add3A_501 = arith.constant 5120 : i32
      %add3A_502 = vector.broadcast %add3A_501 : i32 to vector<1x2048xi32>
      %add3A_503 = arith.addi %add3A_502, %min3A_500 : vector<1x2048xi32>
      %select_n3A_504 = arith.select %lt3A_497, %add3A_503, %add3A_146 : vector<1x2048xi1>, vector<1x2048xi32>
      %swap3A_505 = arith.constant 10 : index
      %swap3A_506 = arith.constant 0 : index
      %swap3A_507 = arith.constant 0 : index
      %swap3A_508 = vector.load %arg4[%swap3A_505, %swap3A_506, %swap3A_507] : memref<16x1x2048xi32, #tpu.memory_space<vmem>>, vector<1x1x2048xi32>
      %swap3A_509 = vector.shape_cast %swap3A_508 : vector<1x1x2048xi32> to vector<1x2048xi32>
      %swap3A_510 = vector.shape_cast %select_n3A_504 : vector<1x2048xi32> to vector<1x1x2048xi32>
      tpu.vector_store %arg4[%swap3A_505, %swap3A_506, %swap3A_507], %swap3A_510 {strides = array<i32>} : memref<16x1x2048xi32, #tpu.memory_space<vmem>>, vector<1x1x2048xi32>,
      %convert_element_type3A_511 = arith.fptosi %slice3A_495 : vector<1x1xf32> to vector<1x1xi32>
      %broadcast_in_dim3A_512 = vector.shape_cast %convert_element_type3A_511 : vector<1x1xi32> to vector<1x1xi32>
      %broadcast_in_dim3A_513 = vector.broadcast %broadcast_in_dim3A_512 : vector<1x1xi32> to vector<1x16xi32>
      %swap3A_514 = arith.constant 10 : index
      %swap3A_515 = arith.constant 0 : index
      %swap3A_516 = arith.constant 0 : index
      %swap3A_517 = vector.load %arg5[%swap3A_514, %swap3A_515, %swap3A_516] : memref<16x1x16xi32, #tpu.memory_space<vmem>>, vector<1x1x16xi32>
      %swap3A_518 = vector.shape_cast %swap3A_517 : vector<1x1x16xi32> to vector<1x16xi32>
      %swap3A_519 = vector.shape_cast %broadcast_in_dim3A_513 : vector<1x16xi32> to vector<1x1x16xi32>
      tpu.vector_store %arg5[%swap3A_514, %swap3A_515, %swap3A_516], %swap3A_519 {strides = array<i32>} : memref<16x1x16xi32, #tpu.memory_space<vmem>>, vector<1x1x16xi32>,
      %slice3A_520 = vector.extract_strided_slice %dot_general3A_14 {offsets = [0, 11], sizes = [512, 1], strides = [1, 1]} : vector<512x16xf32> to vector<512x1xf32>
      %le3A_521 = vector.broadcast %slice3A_520 : vector<512x1xf32> to vector<512x2048xf32>
      %le3A_522 = vector.broadcast %convert_element_type3A_121 : vector<1x2048xf32> to vector<512x2048xf32>
      %le3A_523 = arith.cmpf ole, %le3A_521, %le3A_522 : vector<512x2048xf32>
      %convert_element_type3A_524 = arith.extui %le3A_523 : vector<512x2048xi1> to vector<512x2048xi32>
      %convert_element_type3A_525 = arith.sitofp %convert_element_type3A_524 : vector<512x2048xi32> to vector<512x2048xf32>
      %dot_general3A_526 = arith.constant dense<0.000000e+00> : vector<1x2048xf32>
      %dot_general3A_527 = tpu.matmul %broadcast_in_dim3A_148, %convert_element_type3A_525, %dot_general3A_526 {dimension_numbers = #tpu.dot_dimension_numbers<[1], [0], [0], [1], [0, 0, 1, 1], [], []>, transpose_lhs_hint = false} : vector<1x512xf32>, vector<512x2048xf32>, vector<1x2048xf32> -> vector<1x2048xf32>
      %convert_element_type3A_528 = arith.fptosi %dot_general3A_527 : vector<1x2048xf32> to vector<1x2048xi32>
      %slice3A_529 = vector.extract_strided_slice %slice3A_520 {offsets = [511, 0], sizes = [1, 1], strides = [1, 1]} : vector<512x1xf32> to vector<1x1xf32>
      %lt3A_530 = vector.broadcast %slice3A_529 : vector<1x1xf32> to vector<1x2048xf32>
      %lt3A_531 = arith.cmpf olt, %convert_element_type3A_121, %lt3A_530 : vector<1x2048xf32>
      %min3A_532 = arith.constant 511 : i32
      %min3A_533 = vector.broadcast %min3A_532 : i32 to vector<1x2048xi32>
      %min3A_534 = arith.minsi %convert_element_type3A_528, %min3A_533 : vector<1x2048xi32>
      %add3A_535 = arith.constant 5632 : i32
      %add3A_536 = vector.broadcast %add3A_535 : i32 to vector<1x2048xi32>
      %add3A_537 = arith.addi %add3A_536, %min3A_534 : vector<1x2048xi32>
      %select_n3A_538 = arith.select %lt3A_531, %add3A_537, %add3A_146 : vector<1x2048xi1>, vector<1x2048xi32>
      %swap3A_539 = arith.constant 11 : index
      %swap3A_540 = arith.constant 0 : index
      %swap3A_541 = arith.constant 0 : index
      %swap3A_542 = vector.load %arg4[%swap3A_539, %swap3A_540, %swap3A_541] : memref<16x1x2048xi32, #tpu.memory_space<vmem>>, vector<1x1x2048xi32>
      %swap3A_543 = vector.shape_cast %swap3A_542 : vector<1x1x2048xi32> to vector<1x2048xi32>
      %swap3A_544 = vector.shape_cast %select_n3A_538 : vector<1x2048xi32> to vector<1x1x2048xi32>
      tpu.vector_store %arg4[%swap3A_539, %swap3A_540, %swap3A_541], %swap3A_544 {strides = array<i32>} : memref<16x1x2048xi32, #tpu.memory_space<vmem>>, vector<1x1x2048xi32>,
      %convert_element_type3A_545 = arith.fptosi %slice3A_529 : vector<1x1xf32> to vector<1x1xi32>
      %broadcast_in_dim3A_546 = vector.shape_cast %convert_element_type3A_545 : vector<1x1xi32> to vector<1x1xi32>
      %broadcast_in_dim3A_547 = vector.broadcast %broadcast_in_dim3A_546 : vector<1x1xi32> to vector<1x16xi32>
      %swap3A_548 = arith.constant 11 : index
      %swap3A_549 = arith.constant 0 : index
      %swap3A_550 = arith.constant 0 : index
      %swap3A_551 = vector.load %arg5[%swap3A_548, %swap3A_549, %swap3A_550] : memref<16x1x16xi32, #tpu.memory_space<vmem>>, vector<1x1x16xi32>
      %swap3A_552 = vector.shape_cast %swap3A_551 : vector<1x1x16xi32> to vector<1x16xi32>
      %swap3A_553 = vector.shape_cast %broadcast_in_dim3A_547 : vector<1x16xi32> to vector<1x1x16xi32>
      tpu.vector_store %arg5[%swap3A_548, %swap3A_549, %swap3A_550], %swap3A_553 {strides = array<i32>} : memref<16x1x16xi32, #tpu.memory_space<vmem>>, vector<1x1x16xi32>,
      %slice3A_554 = vector.extract_strided_slice %dot_general3A_14 {offsets = [0, 12], sizes = [512, 1], strides = [1, 1]} : vector<512x16xf32> to vector<512x1xf32>
      %le3A_555 = vector.broadcast %slice3A_554 : vector<512x1xf32> to vector<512x2048xf32>
      %le3A_556 = vector.broadcast %convert_element_type3A_121 : vector<1x2048xf32> to vector<512x2048xf32>
      %le3A_557 = arith.cmpf ole, %le3A_555, %le3A_556 : vector<512x2048xf32>
      %convert_element_type3A_558 = arith.extui %le3A_557 : vector<512x2048xi1> to vector<512x2048xi32>
      %convert_element_type3A_559 = arith.sitofp %convert_element_type3A_558 : vector<512x2048xi32> to vector<512x2048xf32>
      %dot_general3A_560 = arith.constant dense<0.000000e+00> : vector<1x2048xf32>
      %dot_general3A_561 = tpu.matmul %broadcast_in_dim3A_148, %convert_element_type3A_559, %dot_general3A_560 {dimension_numbers = #tpu.dot_dimension_numbers<[1], [0], [0], [1], [0, 0, 1, 1], [], []>, transpose_lhs_hint = false} : vector<1x512xf32>, vector<512x2048xf32>, vector<1x2048xf32> -> vector<1x2048xf32>
      %convert_element_type3A_562 = arith.fptosi %dot_general3A_561 : vector<1x2048xf32> to vector<1x2048xi32>
      %slice3A_563 = vector.extract_strided_slice %slice3A_554 {offsets = [511, 0], sizes = [1, 1], strides = [1, 1]} : vector<512x1xf32> to vector<1x1xf32>
      %lt3A_564 = vector.broadcast %slice3A_563 : vector<1x1xf32> to vector<1x2048xf32>
      %lt3A_565 = arith.cmpf olt, %convert_element_type3A_121, %lt3A_564 : vector<1x2048xf32>
      %min3A_566 = arith.constant 511 : i32
      %min3A_567 = vector.broadcast %min3A_566 : i32 to vector<1x2048xi32>
      %min3A_568 = arith.minsi %convert_element_type3A_562, %min3A_567 : vector<1x2048xi32>
      %add3A_569 = arith.constant 6144 : i32
      %add3A_570 = vector.broadcast %add3A_569 : i32 to vector<1x2048xi32>
      %add3A_571 = arith.addi %add3A_570, %min3A_568 : vector<1x2048xi32>
      %select_n3A_572 = arith.select %lt3A_565, %add3A_571, %add3A_146 : vector<1x2048xi1>, vector<1x2048xi32>
      %swap3A_573 = arith.constant 12 : index
      %swap3A_574 = arith.constant 0 : index
      %swap3A_575 = arith.constant 0 : index
      %swap3A_576 = vector.load %arg4[%swap3A_573, %swap3A_574, %swap3A_575] : memref<16x1x2048xi32, #tpu.memory_space<vmem>>, vector<1x1x2048xi32>
      %swap3A_577 = vector.shape_cast %swap3A_576 : vector<1x1x2048xi32> to vector<1x2048xi32>
      %swap3A_578 = vector.shape_cast %select_n3A_572 : vector<1x2048xi32> to vector<1x1x2048xi32>
      tpu.vector_store %arg4[%swap3A_573, %swap3A_574, %swap3A_575], %swap3A_578 {strides = array<i32>} : memref<16x1x2048xi32, #tpu.memory_space<vmem>>, vector<1x1x2048xi32>,
      %convert_element_type3A_579 = arith.fptosi %slice3A_563 : vector<1x1xf32> to vector<1x1xi32>
      %broadcast_in_dim3A_580 = vector.shape_cast %convert_element_type3A_579 : vector<1x1xi32> to vector<1x1xi32>
      %broadcast_in_dim3A_581 = vector.broadcast %broadcast_in_dim3A_580 : vector<1x1xi32> to vector<1x16xi32>
      %swap3A_582 = arith.constant 12 : index
      %swap3A_583 = arith.constant 0 : index
      %swap3A_584 = arith.constant 0 : index
      %swap3A_585 = vector.load %arg5[%swap3A_582, %swap3A_583, %swap3A_584] : memref<16x1x16xi32, #tpu.memory_space<vmem>>, vector<1x1x16xi32>
      %swap3A_586 = vector.shape_cast %swap3A_585 : vector<1x1x16xi32> to vector<1x16xi32>
      %swap3A_587 = vector.shape_cast %broadcast_in_dim3A_581 : vector<1x16xi32> to vector<1x1x16xi32>
      tpu.vector_store %arg5[%swap3A_582, %swap3A_583, %swap3A_584], %swap3A_587 {strides = array<i32>} : memref<16x1x16xi32, #tpu.memory_space<vmem>>, vector<1x1x16xi32>,
      %slice3A_588 = vector.extract_strided_slice %dot_general3A_14 {offsets = [0, 13], sizes = [512, 1], strides = [1, 1]} : vector<512x16xf32> to vector<512x1xf32>
      %le3A_589 = vector.broadcast %slice3A_588 : vector<512x1xf32> to vector<512x2048xf32>
      %le3A_590 = vector.broadcast %convert_element_type3A_121 : vector<1x2048xf32> to vector<512x2048xf32>
      %le3A_591 = arith.cmpf ole, %le3A_589, %le3A_590 : vector<512x2048xf32>
      %convert_element_type3A_592 = arith.extui %le3A_591 : vector<512x2048xi1> to vector<512x2048xi32>
      %convert_element_type3A_593 = arith.sitofp %convert_element_type3A_592 : vector<512x2048xi32> to vector<512x2048xf32>
      %dot_general3A_594 = arith.constant dense<0.000000e+00> : vector<1x2048xf32>
      %dot_general3A_595 = tpu.matmul %broadcast_in_dim3A_148, %convert_element_type3A_593, %dot_general3A_594 {dimension_numbers = #tpu.dot_dimension_numbers<[1], [0], [0], [1], [0, 0, 1, 1], [], []>, transpose_lhs_hint = false} : vector<1x512xf32>, vector<512x2048xf32>, vector<1x2048xf32> -> vector<1x2048xf32>
      %convert_element_type3A_596 = arith.fptosi %dot_general3A_595 : vector<1x2048xf32> to vector<1x2048xi32>
      %slice3A_597 = vector.extract_strided_slice %slice3A_588 {offsets = [511, 0], sizes = [1, 1], strides = [1, 1]} : vector<512x1xf32> to vector<1x1xf32>
      %lt3A_598 = vector.broadcast %slice3A_597 : vector<1x1xf32> to vector<1x2048xf32>
      %lt3A_599 = arith.cmpf olt, %convert_element_type3A_121, %lt3A_598 : vector<1x2048xf32>
      %min3A_600 = arith.constant 511 : i32
      %min3A_601 = vector.broadcast %min3A_600 : i32 to vector<1x2048xi32>
      %min3A_602 = arith.minsi %convert_element_type3A_596, %min3A_601 : vector<1x2048xi32>
      %add3A_603 = arith.constant 6656 : i32
      %add3A_604 = vector.broadcast %add3A_603 : i32 to vector<1x2048xi32>
      %add3A_605 = arith.addi %add3A_604, %min3A_602 : vector<1x2048xi32>
      %select_n3A_606 = arith.select %lt3A_599, %add3A_605, %add3A_146 : vector<1x2048xi1>, vector<1x2048xi32>
      %swap3A_607 = arith.constant 13 : index
      %swap3A_608 = arith.constant 0 : index
      %swap3A_609 = arith.constant 0 : index
      %swap3A_610 = vector.load %arg4[%swap3A_607, %swap3A_608, %swap3A_609] : memref<16x1x2048xi32, #tpu.memory_space<vmem>>, vector<1x1x2048xi32>
      %swap3A_611 = vector.shape_cast %swap3A_610 : vector<1x1x2048xi32> to vector<1x2048xi32>
      %swap3A_612 = vector.shape_cast %select_n3A_606 : vector<1x2048xi32> to vector<1x1x2048xi32>
      tpu.vector_store %arg4[%swap3A_607, %swap3A_608, %swap3A_609], %swap3A_612 {strides = array<i32>} : memref<16x1x2048xi32, #tpu.memory_space<vmem>>, vector<1x1x2048xi32>,
      %convert_element_type3A_613 = arith.fptosi %slice3A_597 : vector<1x1xf32> to vector<1x1xi32>
      %broadcast_in_dim3A_614 = vector.shape_cast %convert_element_type3A_613 : vector<1x1xi32> to vector<1x1xi32>
      %broadcast_in_dim3A_615 = vector.broadcast %broadcast_in_dim3A_614 : vector<1x1xi32> to vector<1x16xi32>
      %swap3A_616 = arith.constant 13 : index
      %swap3A_617 = arith.constant 0 : index
      %swap3A_618 = arith.constant 0 : index
      %swap3A_619 = vector.load %arg5[%swap3A_616, %swap3A_617, %swap3A_618] : memref<16x1x16xi32, #tpu.memory_space<vmem>>, vector<1x1x16xi32>
      %swap3A_620 = vector.shape_cast %swap3A_619 : vector<1x1x16xi32> to vector<1x16xi32>
      %swap3A_621 = vector.shape_cast %broadcast_in_dim3A_615 : vector<1x16xi32> to vector<1x1x16xi32>
      tpu.vector_store %arg5[%swap3A_616, %swap3A_617, %swap3A_618], %swap3A_621 {strides = array<i32>} : memref<16x1x16xi32, #tpu.memory_space<vmem>>, vector<1x1x16xi32>,
      %slice3A_622 = vector.extract_strided_slice %dot_general3A_14 {offsets = [0, 14], sizes = [512, 1], strides = [1, 1]} : vector<512x16xf32> to vector<512x1xf32>
      %le3A_623 = vector.broadcast %slice3A_622 : vector<512x1xf32> to vector<512x2048xf32>
      %le3A_624 = vector.broadcast %convert_element_type3A_121 : vector<1x2048xf32> to vector<512x2048xf32>
      %le3A_625 = arith.cmpf ole, %le3A_623, %le3A_624 : vector<512x2048xf32>
      %convert_element_type3A_626 = arith.extui %le3A_625 : vector<512x2048xi1> to vector<512x2048xi32>
      %convert_element_type3A_627 = arith.sitofp %convert_element_type3A_626 : vector<512x2048xi32> to vector<512x2048xf32>
      %dot_general3A_628 = arith.constant dense<0.000000e+00> : vector<1x2048xf32>
      %dot_general3A_629 = tpu.matmul %broadcast_in_dim3A_148, %convert_element_type3A_627, %dot_general3A_628 {dimension_numbers = #tpu.dot_dimension_numbers<[1], [0], [0], [1], [0, 0, 1, 1], [], []>, transpose_lhs_hint = false} : vector<1x512xf32>, vector<512x2048xf32>, vector<1x2048xf32> -> vector<1x2048xf32>
      %convert_element_type3A_630 = arith.fptosi %dot_general3A_629 : vector<1x2048xf32> to vector<1x2048xi32>
      %slice3A_631 = vector.extract_strided_slice %slice3A_622 {offsets = [511, 0], sizes = [1, 1], strides = [1, 1]} : vector<512x1xf32> to vector<1x1xf32>
      %lt3A_632 = vector.broadcast %slice3A_631 : vector<1x1xf32> to vector<1x2048xf32>
      %lt3A_633 = arith.cmpf olt, %convert_element_type3A_121, %lt3A_632 : vector<1x2048xf32>
      %min3A_634 = arith.constant 511 : i32
      %min3A_635 = vector.broadcast %min3A_634 : i32 to vector<1x2048xi32>
      %min3A_636 = arith.minsi %convert_element_type3A_630, %min3A_635 : vector<1x2048xi32>
      %add3A_637 = arith.constant 7168 : i32
      %add3A_638 = vector.broadcast %add3A_637 : i32 to vector<1x2048xi32>
      %add3A_639 = arith.addi %add3A_638, %min3A_636 : vector<1x2048xi32>
      %select_n3A_640 = arith.select %lt3A_633, %add3A_639, %add3A_146 : vector<1x2048xi1>, vector<1x2048xi32>
      %swap3A_641 = arith.constant 14 : index
      %swap3A_642 = arith.constant 0 : index
      %swap3A_643 = arith.constant 0 : index
      %swap3A_644 = vector.load %arg4[%swap3A_641, %swap3A_642, %swap3A_643] : memref<16x1x2048xi32, #tpu.memory_space<vmem>>, vector<1x1x2048xi32>
      %swap3A_645 = vector.shape_cast %swap3A_644 : vector<1x1x2048xi32> to vector<1x2048xi32>
      %swap3A_646 = vector.shape_cast %select_n3A_640 : vector<1x2048xi32> to vector<1x1x2048xi32>
      tpu.vector_store %arg4[%swap3A_641, %swap3A_642, %swap3A_643], %swap3A_646 {strides = array<i32>} : memref<16x1x2048xi32, #tpu.memory_space<vmem>>, vector<1x1x2048xi32>,
      %convert_element_type3A_647 = arith.fptosi %slice3A_631 : vector<1x1xf32> to vector<1x1xi32>
      %broadcast_in_dim3A_648 = vector.shape_cast %convert_element_type3A_647 : vector<1x1xi32> to vector<1x1xi32>
      %broadcast_in_dim3A_649 = vector.broadcast %broadcast_in_dim3A_648 : vector<1x1xi32> to vector<1x16xi32>
      %swap3A_650 = arith.constant 14 : index
      %swap3A_651 = arith.constant 0 : index
      %swap3A_652 = arith.constant 0 : index
      %swap3A_653 = vector.load %arg5[%swap3A_650, %swap3A_651, %swap3A_652] : memref<16x1x16xi32, #tpu.memory_space<vmem>>, vector<1x1x16xi32>
      %swap3A_654 = vector.shape_cast %swap3A_653 : vector<1x1x16xi32> to vector<1x16xi32>
      %swap3A_655 = vector.shape_cast %broadcast_in_dim3A_649 : vector<1x16xi32> to vector<1x1x16xi32>
      tpu.vector_store %arg5[%swap3A_650, %swap3A_651, %swap3A_652], %swap3A_655 {strides = array<i32>} : memref<16x1x16xi32, #tpu.memory_space<vmem>>, vector<1x1x16xi32>,
      %slice3A_656 = vector.extract_strided_slice %dot_general3A_14 {offsets = [0, 15], sizes = [512, 1], strides = [1, 1]} : vector<512x16xf32> to vector<512x1xf32>
      %le3A_657 = vector.broadcast %slice3A_656 : vector<512x1xf32> to vector<512x2048xf32>
      %le3A_658 = vector.broadcast %convert_element_type3A_121 : vector<1x2048xf32> to vector<512x2048xf32>
      %le3A_659 = arith.cmpf ole, %le3A_657, %le3A_658 : vector<512x2048xf32>
      %convert_element_type3A_660 = arith.extui %le3A_659 : vector<512x2048xi1> to vector<512x2048xi32>
      %convert_element_type3A_661 = arith.sitofp %convert_element_type3A_660 : vector<512x2048xi32> to vector<512x2048xf32>
      %dot_general3A_662 = arith.constant dense<0.000000e+00> : vector<1x2048xf32>
      %dot_general3A_663 = tpu.matmul %broadcast_in_dim3A_148, %convert_element_type3A_661, %dot_general3A_662 {dimension_numbers = #tpu.dot_dimension_numbers<[1], [0], [0], [1], [0, 0, 1, 1], [], []>, transpose_lhs_hint = false} : vector<1x512xf32>, vector<512x2048xf32>, vector<1x2048xf32> -> vector<1x2048xf32>
      %convert_element_type3A_664 = arith.fptosi %dot_general3A_663 : vector<1x2048xf32> to vector<1x2048xi32>
      %slice3A_665 = vector.extract_strided_slice %slice3A_656 {offsets = [511, 0], sizes = [1, 1], strides = [1, 1]} : vector<512x1xf32> to vector<1x1xf32>
      %lt3A_666 = vector.broadcast %slice3A_665 : vector<1x1xf32> to vector<1x2048xf32>
      %lt3A_667 = arith.cmpf olt, %convert_element_type3A_121, %lt3A_666 : vector<1x2048xf32>
      %min3A_668 = arith.constant 511 : i32
      %min3A_669 = vector.broadcast %min3A_668 : i32 to vector<1x2048xi32>
      %min3A_670 = arith.minsi %convert_element_type3A_664, %min3A_669 : vector<1x2048xi32>
      %add3A_671 = arith.constant 7680 : i32
      %add3A_672 = vector.broadcast %add3A_671 : i32 to vector<1x2048xi32>
      %add3A_673 = arith.addi %add3A_672, %min3A_670 : vector<1x2048xi32>
      %select_n3A_674 = arith.select %lt3A_667, %add3A_673, %add3A_146 : vector<1x2048xi1>, vector<1x2048xi32>
      %swap3A_675 = arith.constant 15 : index
      %swap3A_676 = arith.constant 0 : index
      %swap3A_677 = arith.constant 0 : index
      %swap3A_678 = vector.load %arg4[%swap3A_675, %swap3A_676, %swap3A_677] : memref<16x1x2048xi32, #tpu.memory_space<vmem>>, vector<1x1x2048xi32>
      %swap3A_679 = vector.shape_cast %swap3A_678 : vector<1x1x2048xi32> to vector<1x2048xi32>
      %swap3A_680 = vector.shape_cast %select_n3A_674 : vector<1x2048xi32> to vector<1x1x2048xi32>
      tpu.vector_store %arg4[%swap3A_675, %swap3A_676, %swap3A_677], %swap3A_680 {strides = array<i32>} : memref<16x1x2048xi32, #tpu.memory_space<vmem>>, vector<1x1x2048xi32>,
      %convert_element_type3A_681 = arith.fptosi %slice3A_665 : vector<1x1xf32> to vector<1x1xi32>
      %broadcast_in_dim3A_682 = vector.shape_cast %convert_element_type3A_681 : vector<1x1xi32> to vector<1x1xi32>
      %broadcast_in_dim3A_683 = vector.broadcast %broadcast_in_dim3A_682 : vector<1x1xi32> to vector<1x16xi32>
      %swap3A_684 = arith.constant 15 : index
      %swap3A_685 = arith.constant 0 : index
      %swap3A_686 = arith.constant 0 : index
      %swap3A_687 = vector.load %arg5[%swap3A_684, %swap3A_685, %swap3A_686] : memref<16x1x16xi32, #tpu.memory_space<vmem>>, vector<1x1x16xi32>
      %swap3A_688 = vector.shape_cast %swap3A_687 : vector<1x1x16xi32> to vector<1x16xi32>
      %swap3A_689 = vector.shape_cast %broadcast_in_dim3A_683 : vector<1x16xi32> to vector<1x1x16xi32>
      tpu.vector_store %arg5[%swap3A_684, %swap3A_685, %swap3A_686], %swap3A_689 {strides = array<i32>} : memref<16x1x16xi32, #tpu.memory_space<vmem>>, vector<1x1x16xi32>,
    } else {
    }
    return
  }
  func.func @transform_0(%arg0: i32) -> (i32, i32) {
    %c0_i32 = arith.constant 0 : i32
    %c0_i32_0 = arith.constant 0 : i32
    %c0_i32_1 = arith.constant 0 : i32
    return %c0_i32, %c0_i32_0 : i32, i32
  }
  func.func @transform_1(%arg0: i32) -> (i32, i32) {
    %c0_i32 = arith.constant 0 : i32
    %c0_i32_0 = arith.constant 0 : i32
    %c0_i32_1 = arith.constant 0 : i32
    return %c0_i32, %c0_i32_0 : i32, i32
  }
  func.func @transform_2(%arg0: i32) -> (i32, i32) {
    %min3A = arith.constant 7 : i32
    %min3A_0 = arith.minsi %arg0, %min3A : i32
    %c0_i32 = arith.constant 0 : i32
    %c0_i32_1 = arith.constant 0 : i32
    return %min3A_0, %c0_i32 : i32, i32
  }
  func.func @transform_3(%arg0: i32) -> (i32, i32, i32) {
    %c0_i32 = arith.constant 0 : i32
    %c0_i32_0 = arith.constant 0 : i32
    %c0_i32_1 = arith.constant 0 : i32
    %c0_i32_2 = arith.constant 0 : i32
    return %c0_i32, %c0_i32_0, %c0_i32_1 : i32, i32, i32
  }
  func.func @transform_4(%arg0: i32) -> (i32, i32, i32) {
    %c0_i32 = arith.constant 0 : i32
    %c0_i32_0 = arith.constant 0 : i32
    %c0_i32_1 = arith.constant 0 : i32
    %c0_i32_2 = arith.constant 0 : i32
    return %c0_i32, %c0_i32_0, %c0_i32_1 : i32, i32, i32
  }
  func.func @transform_5(%arg0: i32) -> (i32, i32) {
    %c0_i32 = arith.constant 0 : i32
    %c0_i32_0 = arith.constant 0 : i32
    return %arg0, %c0_i32 : i32, i32
  }
}

</mosaic_0001>

<sc_bundles>
// kernel: kernel.4.cloned.1.call-start
scs
__scs_entry_jumppad:
0x0: {  	(pc) =	sbr.rel $0x88, $3  }
0x1: {  	(tag) =	ssettag $0x0;
	lr =	simm.s32 $0x1  }
0x2: {  	[smem:$0x3F9F] =	sst lr;
	_ =	strace $0xD0000000  }
0x3: {  	_ = 	snop  }
0x4: {  	_ = 	snop  }
0x5: {  	_ = 	snop  }
0x6: {  	_ = 	snop  }
0x7: {  	_ = 	snop  }
__scs_overlays_trampoline_lowered:
0x8: {  	[smem:$0x3FAE] =	sst s0  }
0x9: {  	[smem:$0x3FAF] =	sst s1  }
0xa: {  	[smem:$0x3FB0] =	sst s2  }
0xb: {  	[smem:$0x3FB1] =	sst s3  }
0xc: {  	[smem:$0x3FB2] =	sst s4  }
0xd: {  	[smem:$0x3FB3] =	sst s5  }
0xe: {  	[smem:$0x3FB4] =	sst s6  }
0xf: {  	[smem:$0x3FB5] =	sst s7  }
0x10: {  	[smem:$0x3FB6] =	sst s8  }
0x11: {  	[smem:$0x3FB7] =	sst s9;
	s0 =	simm.s32 @!p0 $0x0  }
0x12: {  	s1 =	sld [smem:$0x3F9D];
	s0 =	simm.s32 @p0 $0x1  }
0x13: {  	[smem:$0x3FB8] =	sst s0;
	s0 =	simm.s32 @!p1 $0x0  }
0x14: {  	s2 =	sld [smem:$0x3F9C];
	s0 =	simm.s32 @p1 $0x1  }
0x15: {  	[smem:$0x3FB9] =	sst s0;
	s0 =	simm.s32 @!p2 $0x0  }
0x16: {  	s3 =	sld [smem:$0x3FDB];
	s0 =	simm.s32 @p2 $0x1  }
0x17: {  	s4 =	simm.s32 $0x1BF5;
	[smem:$0x3FBB] =	sst s0  }
0x18: {  	s0 =	sld [smem:$0x3F9E];
	_ =	swait.ge [sflag:s4], $0x0  }
0x19: {  	s7 =	sld [smem:$0x3F9F]  }
0x1a: {  	s8 =	sadd.s32 $0xFFFFE003, lr  }
0x1b: {  	s9 =	sadd.s32 $0xFFFFFEF7, lr;
	s5 =	simm.s32 $0xFFFFFFFF;
	p2 =	slt.u32 s8, $0xFFFFF086  }
0x1c: {  	p1 =	slt.u32 s9, $0xF7A;
	s5 =	simm.s32 @!p2 $0x0  }
0x1d: {  	s5 =	simm.s32 @p1 $0x1;
	p0 =	seq.s32 s7, s2  }
0x1e: {  	s7 =	smul.u32 @!p0 $0xF7A, s2;
	p2 =	seq.s32 @!p0 s5, $0x0  }
0x1f: {  	s9 =	smul.u32 $0xF7A, s1;
	s8 =	simm.s32 @!p0 $0x1BF5;
	p2 =	por !p2, p0  }
0x20: {  	[sflag:s8] =	ssyncset.s32 @!p0 $0xFFFFF086;
	s6 =	sadd.s32 @!p0 s3, s7;
	s7 =	simm.s32 @!p0 $0x108  }
0x21: {  	s3 =	sadd.s32 s3, s9;
	s6 =	sadd.s32 @!p0 $0x88, s6;
	s7 =	simm.s32 @p2 $0x1082  }
0x22: {  	[simem:s7], [sflag:s8] =	dma.local @!p0 [hbm:s6], $0xF7A  }
0x23: {  	s9 =	sor.u32 $0xD0000000, s2;
	s6 =	simm.s32 $0x108;
	_ =	swait.ge @!p0 [sflag:s8], $0x0  }
0x24: {  	s3 =	sadd.s32 $0x88, s3;
	s6 =	simm.s32 @!p1 $0x1082;
	[sflag:s4] =	ssyncset.s32 $0xFFFFF086  }
0x25: {  	[simem:s6], [sflag:s4] =	dma.local [hbm:s3], $0xF7A  }
0x26: {  	[smem:$0x3F9F] =	sst s1;
	(tag) =	ssettag s2;
	_ =	strace s9  }
0x27: {  	s1 =	sld [smem:$0x3FAF]  }
0x28: {  	s2 =	sld [smem:$0x3FB0]  }
0x29: {  	s4 =	sld [smem:$0x3FB2]  }
0x2a: {  	p0 =	seq.s32 s5, $0x0;
	s5 =	sld [smem:$0x3FB3]  }
0x2b: {  	s6 =	sld [smem:$0x3FB4]  }
0x2c: {  	s7 =	sld [smem:$0x3FB5]  }
0x2d: {  	s3 =	simm.s32 $0x108;
	s8 =	sld [smem:$0x3FB6]  }
0x2e: {  	s3 =	simm.s32 @!p0 $0x1082;
	s9 =	sld [smem:$0x3FB7]  }
0x2f: {  	lr =	sadd.s32 s0, s3;
	s0 =	sld [smem:$0x3FAE]  }
0x30: {  	s3 =	sld [smem:$0x3FB1]  }
0x31: {  	[smem:$0x3FBA] =	sst s10  }
0x32: {  	s10 =	sld [smem:$0x3FB8];
	_ =	sdelay $0x3  }
0x33: {  	p0 =	seq.s32 s10, $0x1;
	s10 =	sld [smem:$0x3FBA];
	_ =	sdelay $0x3  }
0x34: {  	[smem:$0x3FBA] =	sst s10  }
0x35: {  	s10 =	sld [smem:$0x3FB9];
	_ =	sdelay $0x3  }
0x36: {  	p1 =	seq.s32 s10, $0x1;
	s10 =	sld [smem:$0x3FBA];
	_ =	sdelay $0x3  }
0x37: {  	[smem:$0x3FBA] =	sst s10  }
0x38: {  	s10 =	sld [smem:$0x3FBB]  }
0x39: {  	_ = 	snop;
	(pc) =	sbr.ind lr, $3  }
0x3a: {  	_ = 	snop  }
0x3b: {  	_ = 	snop  }
0x3c: {  	p2 =	seq.s32 s10, $0x1;
	s10 =	sld [smem:$0x3FBA]  }
0x3d: {  	_ =	shalt  }
0x3e: {  	_ =	shalt  }
0x3f: {  	_ =	shalt  }
0x40: {  	_ =	shalt  }
0x41: {  	_ =	shalt  }
0x42: {  	_ =	shalt  }
0x43: {  	_ =	shalt  }
0x44: {  	_ =	shalt  }
0x45: {  	_ =	shalt  }
0x46: {  	_ =	shalt  }
0x47: {  	_ =	shalt  }
0x48: {  	_ =	shalt  }
0x49: {  	_ =	shalt  }
0x4a: {  	_ =	shalt  }
0x4b: {  	_ =	shalt  }
0x4c: {  	_ =	shalt  }
0x4d: {  	_ =	shalt  }
0x4e: {  	_ =	shalt  }
0x4f: {  	_ =	shalt  }
0x50: {  	_ =	shalt  }
0x51: {  	_ =	shalt  }
0x52: {  	_ =	shalt  }
0x53: {  	_ =	shalt  }
0x54: {  	_ =	shalt  }
0x55: {  	_ =	shalt  }
0x56: {  	_ =	shalt  }
0x57: {  	_ =	shalt  }
0x58: {  	_ =	shalt  }
0x59: {  	_ =	shalt  }
0x5a: {  	_ =	shalt  }
0x5b: {  	_ =	shalt  }
0x5c: {  	_ =	shalt  }
0x5d: {  	_ =	shalt  }
0x5e: {  	_ =	shalt  }
0x5f: {  	_ =	shalt  }
0x60: {  	_ =	shalt  }
0x61: {  	_ =	shalt  }
0x62: {  	_ =	shalt  }
0x63: {  	_ =	shalt  }
0x64: {  	_ =	shalt  }
0x65: {  	_ =	shalt  }
0x66: {  	_ =	shalt  }
0x67: {  	_ =	shalt  }
0x68: {  	_ =	shalt  }
0x69: {  	_ =	shalt  }
0x6a: {  	_ =	shalt  }
0x6b: {  	_ =	shalt  }
0x6c: {  	_ =	shalt  }
0x6d: {  	_ =	shalt  }
0x6e: {  	_ =	shalt  }
0x6f: {  	_ =	shalt  }
0x70: {  	_ =	shalt  }
0x71: {  	_ =	shalt  }
0x72: {  	_ =	shalt  }
0x73: {  	_ =	shalt  }
0x74: {  	_ =	shalt  }
0x75: {  	_ =	shalt  }
0x76: {  	_ =	shalt  }
0x77: {  	_ =	shalt  }
0x78: {  	_ =	shalt  }
0x79: {  	_ =	shalt  }
0x7a: {  	_ =	shalt  }
0x7b: {  	_ =	shalt  }
0x7c: {  	_ =	shalt  }
0x7d: {  	_ =	shalt  }
0x7e: {  	_ =	shalt  }
0x7f: {  	_ =	shalt  }
0x80: {  	_ =	shalt  }
0x81: {  	_ =	shalt  }
0x82: {  	_ =	shalt  }
0x83: {  	_ =	shalt  }
0x84: {  	_ =	shalt  }
0x85: {  	_ =	shalt  }
0x86: {  	_ =	shalt  }
0x87: {  	_ =	shalt  }
.Lfunc_end0:
.L_simem_size_0:
called_computation_lowered:
.L_overlay_start_0:
0x88: {  	s2 =	sld [smem:$0x3FD9]  }
0x89: {  	s3 =	sld [smem:$0x3FFE];
	_ =	sdelay $0x1  }
0x8a: {  	s1 =	srdreg.scid  }
0x8b: {  	s0 =	sand.u32 $0x1, s1  }
0x8c: {  	s17 =	sshll.u32 s0, $0xA;
	s2 =	sadd.s32 s3, s2  }
0x8d: {  	s2 =	sadd.s32 s2, s17  }
0x8e: {  	[smem:$0x3FC6] =	sst s2  }
0x8f: {  	_ = 	snop  }
0x90: {  	s2 =	sld [smem:$0x3FD0];
	(tm) =	ssettm $0x1  }
0x91: {  	s18 =	sld [smem:$0x3FFB];
	_ =	sdelay $0x3  }
0x92: {  	_ =	strace s18  }
0x93: {  	s3 =	sld [smem:$0x3FFC];
	_ =	sdelay $0x3  }
0x94: {  	_ =	strace s3  }
0x95: {  	s3 =	sld [smem:$0x3FFD];
	_ =	sdelay $0x3  }
0x96: {  	_ =	strace s3  }
0x97: {  	_ =	strace $0x8FFFFFFF  }
0x98: {  	s19 =	sld [smem:$0x3FDB];
	_ =	sdelay $0x1  }
0x99: {  	s4 =	simm.s32 $_scs_section_size  }
0x9a: {  	s5 =	simm.s32 $_size__tile_overlayer_lowered;
	s6 =	simm.s32 $_tile_overlayer_lowered  }
0x9b: {  	s22 =	simm.s32 $0x1BFF;
	s21 =	sshll.u32 s6, $0x1;
	s3 =	sadd.s32 s4, s19  }
0x9c: {  	s7 =	simm.s32 $0x0;
	s20 =	sshll.u32 s5, $0x1;
	s5 =	sadd.s32 s21, s3  }
0x9d: {  	[timem:s7], [sflag:s22] =	dma.local [hbm:s5], s20  }
0x9e: {  	_ =	swait.ge [sflag:s22], s20  }
0x9f: {  	s4 =	ssub.s32 $0x0, s20;
	[sflag:s22] =	ssyncset.done $0x0  }
0xa0: {  	[sflag:s22] =	ssyncadd.s32 s4;
	_ =	sdelay $0x1  }
0xa1: {  	s23 =	simm.s32 $0x1B8B  }
0xa2: {  	_ =	swait.ge [sflag:s23], $0x1  }
0xa3: {  	[sflag:s23] =	ssyncset.done $0x0  }
0xa4: {  	s25 =	simm.s32 $0x1B8E;
	s24 =	sld [smem:$0x3FFE];
	[sflag:s23] =	ssyncadd.s32 $0xFFFFFFFF  }
0xa5: {  	s26 =	simm.s32 $execute0_lowered;
	[smem:$0x3FD2] =	sst s25  }
0xa6: {  	s5 =	sshll.u32 s26, $0x1;
	_ =	strace $0x80000046;
	[dreg:$0x1] =	wrdreg $0xFFFFFFFF  }
0xa7: {  	s28 =	simm.s32 $_size_execute0_lowered;
	s3 =	sadd.s32 s3, s5;
	[dreg:$0x0] =	wrdreg $0x0  }
0xa8: {  	s5 =	sshll.u32 s28, $0x1;
	[dreg:$0x2] =	wrdreg s3  }
0xa9: {  	[dreg:$0x3] =	wrdreg s5  }
0xaa: {  	[dreg:$0x4] =	wrdreg $0xC0  }
0xab: {  	_ =	task [dreg:s7], $0x5FFFF  }
0xac: {  	[dreg:$0x1] =	wrdreg $0xFFFFFFFF  }
0xad: {  	[dreg:$0x0] =	wrdreg $0x60  }
0xae: {  	[dreg:$0x2] =	wrdreg s24  }
0xaf: {  	[dreg:$0x3] =	wrdreg s2  }
0xb0: {  	[dreg:$0x4] =	wrdreg $0x9  }
0xb1: {  	_ =	task.clear_ibuf [dreg:s7], $0x5FFFF;
	_ =	strace $0x90000046  }
0xb2: {  	s29 =	simm.s32 $0x9;
	_ =	strace $0x80000048  }
0xb3: {  	_ =	swait.ge [sflag:s29], $0x1  }
0xb4: {  	[sflag:s29] =	ssyncadd.s32 $0xFFFFFFFF  }
0xb5: {  	_ =	strace $0x90000048  }
0xb6: {  	_ =	sfence  }
0xb7: {  	s30 =	sld [smem:$0x0];
	_ =	sdelay $0x2  }
0xb8: {  	s31 =	sshll.u32 s1, $0xD;
	s1 =	sshrl.u32 s1, $0x2  }
0xb9: {  	s3 =	sand.u32 $0x4000, s31;
	s1 =	sadd.s32 s1, s30  }
0xba: {  	s0 =	sor.u32 s3, s0;
	s1 =	sshll.u32 s1, $0x11  }
0xbb: {  	s0 =	sor.u32 s1, s0  }
0xbc: {  	s0 =	sadd.s32 $0x8F2B, s0  }
0xbd: {  	[sflag:s0] =	ssyncadd.remote.s32 $0x1  }
0xbe: {  	_ =	sfence.sel $0xFFFF  }
0xbf: {  	[dreg:$0x0] =	wrdreg $0xFFFFFFFF;
	(pc) =	sbr.abs _section_cstart, $3  }
0xc0: {  	[dreg:$0x1] =	wrdreg $0xFFFFFFFF  }
0xc1: {  	_ =	task.clear_ibuf [dreg:s7], $0x2FFFF;
	_ =	strace $0x9FFFFFFF  }
0xc2: {  	(tm) =	ssettm $0x7FFFFFFF  }
0xc3: {  	_ =	shalt  }
tec
execute0_lowered:
.L_overlay_start_1:
0x0: {  	(tag) =	ssettag $0x1  }
0x1: {  	s0 =	rddreg [dreg:$0x0];
	s6 =	stileid.u32  }
0x2: {  	s1 =	rddreg [dreg:$0x1];
	s2 =	srdreg.scid;
	s28 =	simm.s32 $0x8480  }
0x3: {  	s29 =	simm.s32 $0x8C80;
	s30 =	simm.s32 $0x9480;
	s3 =	sshll.u32 s6, $0x1  }
0x4: {  	s31 =	simm.s32 $0x9C80;
	s4 =	sand.u32 $0x1, s2;
	s3 =	sand.u32 $0xE, s3  }
0x5: {  	s2 =	simm.s32 $0x0;
	s6 =	sshrl.u32 s6, $0x3;
	s5 =	sor.u32 s4, s3  }
0x6: {  	[smem:$0x7FF] =	sst s2;
	s7 =	sshll.u32 s6, $0xA;
	s8 =	sshll.u32 s5, $0xB  }
0x7: {  	_ =	strace $0x80000047;
	s5 =	sshll.u32 s5, $0x4;
	s7 =	sor.u32 s7, s8  }
0x8: {  	s3 =	sadd.s32 $0xE00, s0;
	s5 =	sadd.s32 s5, s0;
	s7 =	sshrl.u32 s7, $0x3  }
0x9: {  	s4 =	ssub.s32 $0x2, s4;
	s5 =	sadd.s32 $0x49E00, s5;
	s7 =	sadd.s32 s7, s0  }
0xa: {  	s9 =	sshrl.u32 s4, $0x1;
	[dreg:$0x4] =	wrdreg s5;
	s7 =	sadd.s32 $0x48E00, s7  }
0xb: {  	s0 =	sadd.s32 $0x40E00, s0;
	[dreg:$0x3] =	wrdreg s7;
	s7 =	sshll.u32 s6, $0x7  }
0xc: {  	s4 =	ssub.s32 s4, s9;
	[dreg:$0x5] =	wrdreg s0;
	s9 =	sor.u32 $0x100, s7  }
0xd: {  	s6 =	sor.u32 $0x200, s7;
	s12 =	sor.u32 $0x300, s7;
	s10 =	sor.u32 $0x400, s7  }
0xe: {  	s11 =	sor.u32 $0x500, s7;
	s15 =	sor.u32 s7, s8;
	[dreg:$0x6] =	wrdreg s9  }
0xf: {  	s13 =	sor.u32 $0x600, s7;
	s14 =	sor.u32 $0x700, s7;
	[dreg:$0x7] =	wrdreg s6  }
0x10: {  	s0 =	sshll.u32 s15, $0x5;
	s5 =	sor.u32 s9, s8;
	[dreg:$0x8] =	wrdreg s12  }
0x11: {  	s17 =	sor.u32 s6, s8;
	s18 =	sor.u32 s12, s8;
	[dreg:$0x9] =	wrdreg s10  }
0x12: {  	s19 =	sor.u32 s10, s8;
	[dreg:$0xa] =	wrdreg s11;
	s22 =	sor.u32 s11, s8  }
0x13: {  	s23 =	sor.u32 s13, s8;
	s24 =	sor.u32 s14, s8;
	s8 =	simm.s32 $0xC480  }
0x14: {  	s9 =	simm.s32 $0xDC80;
	s10 =	simm.s32 $0xEC80;
	s11 =	simm.s32 $0x3  }
0x15: {  	s6 =	simm.s32 $0x4;
	s0 =	sadd.s32 s1, s0;
	s16 =	sshll.u32 s5, $0x5  }
0x16: {  	s5 =	sshll.u32 s18, $0x5;
	s21 =	sshll.u32 s19, $0x5;
	s26 =	sshll.u32 s24, $0x5  }
0x17: {  	s24 =	simm.s32 $0x5;
	s18 =	simm.s32 $0x7480;
	s19 =	simm.s32 $0x7C80  }
0x18: {  	[dreg:$0xb] =	wrdreg s0;
	s0 =	sadd.s32 s1, s16;
	s20 =	sadd.s32 s1, s5  }
0x19: {  	s5 =	sshll.u32 s23, $0x5;
	s23 =	smax.u32 s4, $0x1;
	[dreg:$0xc] =	wrdreg s0  }
0x1a: {  	s4 =	simm.s32 $0xE480;
	s0 =	sshll.u32 s17, $0x5;
	[dreg:$0xe] =	wrdreg s20  }
0x1b: {  	s25 =	sadd.s32 s1, s5;
	s17 =	simm.s32 $0x6C80;
	s20 =	simm.s32 $0xB480  }
0x1c: {  	s5 =	simm.s32 $0xFC80;
	s0 =	sadd.s32 s1, s0;
	[dreg:$0x11] =	wrdreg s25  }
.Ltmp0:
0x1d: {  	[dreg:$0xd] =	wrdreg s0;
	s0 =	sadd.s32 s1, s21;
	(pc) =	sbr.rel .LBB2_1-.Ltmp0, $4  }
0x1e: {  	s25 =	simm.s32 $0xBC80;
	[dreg:$0xf] =	wrdreg s0;
	s0 =	sshll.u32 s22, $0x5  }
0x1f: {  	v2 =	vlaneseq.u32;
	s21 =	simm.s32 $0xCC80;
	s22 =	simm.s32 $0xF480;
	s0 =	sadd.s32 s1, s0  }
0x20: {  	vm0 =	vmmov $0xffff;
	v1 =	vshrl.u32 v2, $0x3;
	[dreg:$0x10] =	wrdreg s0;
	s0 =	sadd.s32 s1, s26;
	s1 =	simm.s32 $0xA480  }
0x21: {  	v0 =	vand.u32 $0x7, v2;
	v2 =	vor.u32 $0x8, v2;
	v1 =	vmul.u32 $0x8, v1;
	s26 =	simm.s32 $0xD480;
	[dreg:$0x12] =	wrdreg s0;
	s0 =	simm.s32 $0xAC80  }
.LBB2_17:
0x22: {  	s12 =	simm.s32 @!p0 $0x1  }
0x23: {  	s15 =	simm.s32 @!p0 $0x480;
	_ =	swait.ge @!p0 [sflag:s12], $0x8000  }
0x24: {  	s15 =	simm.s32 @p0 $0x10480;
	[sflag:s12] =	ssyncset.done @!p0 $0x0  }
0x25: {  	s16 =	rddreg [dreg:$0x11];
	[sflag:s12] =	ssyncadd.s32 @!p0 $0xFFFF8000;
	s12 =	simm.s32 @!p1 $0x2  }
0x26: {  	[hbm4b:s16+s2] =	stream.linear.scatter [tilespmem:s15], [sflag:$0x3], $0x8000, $0x38;
	[tilespmem:$0x18480] =	vst v63  }
0x27: {  	_ =	swait.ge @!p1 [sflag:s12], $0x8000  }
0x28: {  	s23 =	sadd.s32 $0xFFFFFFFF, s23;
	s15 =	simm.s32 @!p1 $0x8480;
	[sflag:s12] =	ssyncset.done @!p1 $0x0  }
0x29: {  	s15 =	simm.s32 @p1 $0x10480;
	s16 =	rddreg [dreg:$0x12];
	[sflag:s12] =	ssyncadd.s32 @!p1 $0xFFFF8000  }
0x2a: {  	[hbm4b:s16+s2] =	stream.linear.scatter [tilespmem:s15], [sflag:$0x4], $0x8000, $0x38;
	[tilespmem:$0x18480] =	vst v63  }
0x2b: {  	p0 =	sne.s32 s23, $0x0;
	_ =	swait.ge [sflag:s11], $0x8000  }
.Ltmp1:
0x2c: {  	[sflag:s11] =	ssyncset.done $0x0;
	(pc) =	sbr.rel @!p0 .LBB2_18-.Ltmp1, $4  }
0x2d: {  	[sflag:s11] =	ssyncadd.s32 $0xFFFF8000  }
0x2e: {  	_ =	swait.ge [sflag:s6], $0x8000  }
0x2f: {  	[sflag:s6] =	ssyncset.done $0x0  }
0x30: {  	[sflag:s6] =	ssyncadd.s32 $0xFFFF8000  }
.LBB2_1:
0x31: {  	s12 =	rddreg [dreg:$0x3]  }
0x32: {  	[tilespmem:s2], [sflag:$0x5] =	stream.linear.gather [hbm4b:s12+s2], $0x400, $0x38;
	[tilespmem:$0x18480] =	vst v63  }
0x33: {  	_ =	swait.ge [sflag:s24], $0x400  }
0x34: {  	[sflag:s24] =	ssyncset.done $0x0  }
0x35: {  	s15 =	simm.s32 $0x400;
	s16 =	rddreg [dreg:$0x4];
	[sflag:s24] =	ssyncadd.s32 $0xFFFFFC00  }
0x36: {  	[tilespmem:s15], [sflag:$0x5] =	stream.linear.gather [hbm4b:s16+s2], $0x80, $0x38;
	[tilespmem:$0x18480] =	vst v63  }
0x37: {  	_ =	swait.ge [sflag:s24], $0x80  }
0x38: {  	[sflag:s24] =	ssyncset.done $0x0  }
0x39: {  	s16 =	simm.s32 $0x10480;
	s15 =	rddreg [dreg:$0x5];
	[sflag:s24] =	ssyncadd.s32 $0xFFFFFF80  }
0x3a: {  	[tilespmem:s16], [sflag:$0x5] =	stream.linear.gather [hbm4b:s15+s2], $0x8000, $0x38;
	[tilespmem:$0x18480] =	vst v63  }
0x3b: {  	_ =	swait.ge [sflag:s24], $0x8000  }
0x3c: {  	[sflag:s24] =	ssyncset.done $0x0  }
0x3d: {  	[sflag:s24] =	ssyncadd.s32 $0xFFFF8000  }
0x3e: {  	v3 =	vld [tilespmem:$0x400];
	_ =	sdelay $0x4  }
0x3f: {  	(v2sf) =	vpush v3, $0x0;
	_ =	sdelay $0xe  }
0x40: {  	s12 =	spop (v2sf)  }
0x41: {  	p0 =	sle.s32 s12, s7  }
.Ltmp2:
0x42: {  	_ = 	snop;
	(pc) =	sbr.rel @p0 .LBB2_3-.Ltmp2, $1  }
0x43: {  	_ =	sdelay $0x3  }
0x44: {  	v3 =	vld [tilespmem:$0x0];
	_ =	sdelay $0x4  }
0x45: {  	v4 =	vshll.u32 v3, $0x1  }
0x46: {  	v3 =	vand.u32 $0x7, v3;
	v4 =	vand.u32 $0xFFFFFFF0, v4  }
0x47: {  	v3 =	vor.u32 v3, v4  }
0x48: {  	v4 =	vperm.xlane v3, v0;
	_ =	sdelay $0x1  }
0x49: {  	v3 =	vperm.xlane v3, v2;
	v4 =	vadd.s32 v1, v4;
	_ =	sdelay $0x1  }
0x4a: {  	v3 =	vadd.s32 v1, v3;
	_ =	sdelay $0x1  }
0x4b: {  	s15 =	simm.s32 $0x480  }
0x4c: {  	[tilespmem:s15], [sflag:$0x1] =	stream.indirect_vreg.gather [hbm4b:s3+s2], $0x80, v4, vm0, $0xb8;
	[tilespmem:$0x18480] =	vst v63  }
0x4d: {  	s16 =	simm.s32 $0xC80  }
0x4e: {  	[tilespmem:s16], [sflag:$0x1] =	stream.indirect_vreg.gather [hbm4b:s3+s2], $0x80, v3, vm0, $0xb8;
	[tilespmem:$0x18480] =	vst v63  }
0x4f: {  	v3 =	vld [tilespmem:$0x10];
	_ =	sdelay $0x4  }
0x50: {  	v57 =	vshll.u32 v3, $0x1  }
0x51: {  	v3 =	vand.u32 $0x7, v3;
	v4 =	vand.u32 $0xFFFFFFF0, v57  }
0x52: {  	v3 =	vor.u32 v3, v4  }
0x53: {  	v4 =	vperm.xlane v3, v0;
	_ =	sdelay $0x1  }
0x54: {  	v3 =	vperm.xlane v3, v2;
	v4 =	vadd.s32 v1, v4;
	_ =	sdelay $0x1  }
0x55: {  	v3 =	vadd.s32 v1, v3;
	_ =	sdelay $0x1  }
0x56: {  	s16 =	simm.s32 $0x1480  }
0x57: {  	[tilespmem:s16], [sflag:$0x1] =	stream.indirect_vreg.gather [hbm4b:s3+s2], $0x80, v4, vm0, $0xb8;
	[tilespmem:$0x18480] =	vst v63  }
0x58: {  	s16 =	simm.s32 $0x1C80  }
0x59: {  	[tilespmem:s16], [sflag:$0x1] =	stream.indirect_vreg.gather [hbm4b:s3+s2], $0x80, v3, vm0, $0xb8;
	[tilespmem:$0x18480] =	vst v63  }
0x5a: {  	v3 =	vld [tilespmem:$0x20];
	_ =	sdelay $0x4  }
0x5b: {  	v58 =	vshll.u32 v3, $0x1  }
0x5c: {  	v3 =	vand.u32 $0x7, v3;
	v4 =	vand.u32 $0xFFFFFFF0, v58  }
0x5d: {  	v3 =	vor.u32 v3, v4  }
0x5e: {  	v4 =	vperm.xlane v3, v0;
	_ =	sdelay $0x1  }
0x5f: {  	v3 =	vperm.xlane v3, v2;
	v4 =	vadd.s32 v1, v4;
	_ =	sdelay $0x1  }
0x60: {  	v3 =	vadd.s32 v1, v3;
	_ =	sdelay $0x1  }
0x61: {  	s16 =	simm.s32 $0x2480  }
0x62: {  	[tilespmem:s16], [sflag:$0x1] =	stream.indirect_vreg.gather [hbm4b:s3+s2], $0x80, v4, vm0, $0xb8;
	[tilespmem:$0x18480] =	vst v63  }
0x63: {  	s16 =	simm.s32 $0x2C80  }
0x64: {  	[tilespmem:s16], [sflag:$0x1] =	stream.indirect_vreg.gather [hbm4b:s3+s2], $0x80, v3, vm0, $0xb8;
	[tilespmem:$0x18480] =	vst v63  }
0x65: {  	v3 =	vld [tilespmem:$0x30];
	_ =	sdelay $0x4  }
0x66: {  	v59 =	vshll.u32 v3, $0x1  }
0x67: {  	v3 =	vand.u32 $0x7, v3;
	v4 =	vand.u32 $0xFFFFFFF0, v59  }
0x68: {  	v3 =	vor.u32 v3, v4  }
0x69: {  	v4 =	vperm.xlane v3, v0;
	_ =	sdelay $0x1  }
0x6a: {  	v3 =	vperm.xlane v3, v2;
	v4 =	vadd.s32 v1, v4;
	_ =	sdelay $0x1  }
0x6b: {  	v3 =	vadd.s32 v1, v3;
	_ =	sdelay $0x1  }
0x6c: {  	s16 =	simm.s32 $0x3480  }
0x6d: {  	[tilespmem:s16], [sflag:$0x1] =	stream.indirect_vreg.gather [hbm4b:s3+s2], $0x80, v4, vm0, $0xb8;
	[tilespmem:$0x18480] =	vst v63  }
0x6e: {  	s16 =	simm.s32 $0x3C80  }
0x6f: {  	[tilespmem:s16], [sflag:$0x1] =	stream.indirect_vreg.gather [hbm4b:s3+s2], $0x80, v3, vm0, $0xb8;
	[tilespmem:$0x18480] =	vst v63  }
0x70: {  	v3 =	vld [tilespmem:$0x40];
	_ =	sdelay $0x4  }
0x71: {  	v60 =	vshll.u32 v3, $0x1  }
0x72: {  	v3 =	vand.u32 $0x7, v3;
	v4 =	vand.u32 $0xFFFFFFF0, v60  }
0x73: {  	v3 =	vor.u32 v3, v4  }
0x74: {  	v4 =	vperm.xlane v3, v0;
	_ =	sdelay $0x1  }
0x75: {  	v3 =	vperm.xlane v3, v2;
	v4 =	vadd.s32 v1, v4;
	_ =	sdelay $0x1  }
0x76: {  	v3 =	vadd.s32 v1, v3;
	_ =	sdelay $0x1  }
0x77: {  	s16 =	simm.s32 $0x4480  }
0x78: {  	[tilespmem:s16], [sflag:$0x1] =	stream.indirect_vreg.gather [hbm4b:s3+s2], $0x80, v4, vm0, $0xb8;
	[tilespmem:$0x18480] =	vst v63  }
0x79: {  	s16 =	simm.s32 $0x4C80  }
0x7a: {  	[tilespmem:s16], [sflag:$0x1] =	stream.indirect_vreg.gather [hbm4b:s3+s2], $0x80, v3, vm0, $0xb8;
	[tilespmem:$0x18480] =	vst v63  }
0x7b: {  	v3 =	vld [tilespmem:$0x50];
	_ =	sdelay $0x4  }
0x7c: {  	v61 =	vshll.u32 v3, $0x1  }
0x7d: {  	v3 =	vand.u32 $0x7, v3;
	v4 =	vand.u32 $0xFFFFFFF0, v61  }
0x7e: {  	v3 =	vor.u32 v3, v4  }
0x7f: {  	v4 =	vperm.xlane v3, v0;
	_ =	sdelay $0x1  }
0x80: {  	v3 =	vperm.xlane v3, v2;
	v4 =	vadd.s32 v1, v4;
	_ =	sdelay $0x1  }
0x81: {  	v3 =	vadd.s32 v1, v3;
	_ =	sdelay $0x1  }
0x82: {  	s16 =	simm.s32 $0x5480  }
0x83: {  	[tilespmem:s16], [sflag:$0x1] =	stream.indirect_vreg.gather [hbm4b:s3+s2], $0x80, v4, vm0, $0xb8;
	[tilespmem:$0x18480] =	vst v63  }
0x84: {  	s16 =	simm.s32 $0x5C80  }
0x85: {  	[tilespmem:s16], [sflag:$0x1] =	stream.indirect_vreg.gather [hbm4b:s3+s2], $0x80, v3, vm0, $0xb8;
	[tilespmem:$0x18480] =	vst v63  }
0x86: {  	v3 =	vld [tilespmem:$0x60];
	_ =	sdelay $0x4  }
0x87: {  	v62 =	vshll.u32 v3, $0x1  }
0x88: {  	v3 =	vand.u32 $0x7, v3;
	v4 =	vand.u32 $0xFFFFFFF0, v62  }
0x89: {  	v3 =	vor.u32 v3, v4  }
0x8a: {  	v4 =	vperm.xlane v3, v0;
	_ =	sdelay $0x1  }
0x8b: {  	v3 =	vperm.xlane v3, v2;
	v4 =	vadd.s32 v1, v4;
	_ =	sdelay $0x1  }
0x8c: {  	v3 =	vadd.s32 v1, v3;
	_ =	sdelay $0x1  }
0x8d: {  	s16 =	simm.s32 $0x6480  }
0x8e: {  	[tilespmem:s16], [sflag:$0x1] =	stream.indirect_vreg.gather [hbm4b:s3+s2], $0x80, v4, vm0, $0xb8;
	[tilespmem:$0x18480] =	vst v63  }
0x8f: {  	_ = 	snop  }
0x90: {  	[tilespmem:s17], [sflag:$0x1] =	stream.indirect_vreg.gather [hbm4b:s3+s2], $0x80, v3, vm0, $0xb8;
	[tilespmem:$0x18480] =	vst v63  }
0x91: {  	v3 =	vld [tilespmem:$0x70];
	_ =	sdelay $0x4  }
0x92: {  	v63 =	vshll.u32 v3, $0x1  }
0x93: {  	v3 =	vand.u32 $0x7, v3;
	v4 =	vand.u32 $0xFFFFFFF0, v63  }
0x94: {  	v3 =	vor.u32 v3, v4  }
0x95: {  	v4 =	vperm.xlane v3, v0;
	_ =	sdelay $0x1  }
0x96: {  	v3 =	vperm.xlane v3, v2;
	v4 =	vadd.s32 v1, v4;
	_ =	sdelay $0x1  }
0x97: {  	v3 =	vadd.s32 v1, v3;
	_ =	sdelay $0x2  }
0x98: {  	[tilespmem:s18], [sflag:$0x1] =	stream.indirect_vreg.gather [hbm4b:s3+s2], $0x80, v4, vm0, $0xb8;
	[tilespmem:$0x18480] =	vst v63  }
0x99: {  	_ = 	snop  }
0x9a: {  	[tilespmem:s19], [sflag:$0x1] =	stream.indirect_vreg.gather [hbm4b:s3+s2], $0x80, v3, vm0, $0xb8;
	[tilespmem:$0x18480] =	vst v63  }
.LBB2_3:
0x9b: {  	s15 =	rddreg [dreg:$0x6]  }
0x9c: {  	p1 =	sle.s32 s12, s15  }
.Ltmp3:
0x9d: {  	_ = 	snop;
	(pc) =	sbr.rel @p1 .LBB2_5-.Ltmp3, $1  }
0x9e: {  	_ =	sdelay $0x3  }
0x9f: {  	v3 =	vld [tilespmem:$0x80];
	_ =	sdelay $0x4  }
0xa0: {  	v4 =	vshll.u32 v3, $0x1  }
0xa1: {  	v3 =	vand.u32 $0x7, v3;
	v4 =	vand.u32 $0xFFFFFFF0, v4  }
0xa2: {  	v3 =	vor.u32 v3, v4  }
0xa3: {  	v4 =	vperm.xlane v3, v0;
	_ =	sdelay $0x1  }
0xa4: {  	v3 =	vperm.xlane v3, v2;
	v4 =	vadd.s32 v1, v4;
	_ =	sdelay $0x1  }
0xa5: {  	v3 =	vadd.s32 v1, v3;
	_ =	sdelay $0x2  }
0xa6: {  	[tilespmem:s28], [sflag:$0x2] =	stream.indirect_vreg.gather [hbm4b:s3+s2], $0x80, v4, vm0, $0xb8;
	[tilespmem:$0x18480] =	vst v63  }
0xa7: {  	_ = 	snop  }
0xa8: {  	[tilespmem:s29], [sflag:$0x2] =	stream.indirect_vreg.gather [hbm4b:s3+s2], $0x80, v3, vm0, $0xb8;
	[tilespmem:$0x18480] =	vst v63  }
0xa9: {  	v3 =	vld [tilespmem:$0x90];
	_ =	sdelay $0x4  }
0xaa: {  	v57 =	vshll.u32 v3, $0x1  }
0xab: {  	v3 =	vand.u32 $0x7, v3;
	v4 =	vand.u32 $0xFFFFFFF0, v57  }
0xac: {  	v3 =	vor.u32 v3, v4  }
0xad: {  	v4 =	vperm.xlane v3, v0;
	_ =	sdelay $0x1  }
0xae: {  	v3 =	vperm.xlane v3, v2;
	v4 =	vadd.s32 v1, v4;
	_ =	sdelay $0x1  }
0xaf: {  	v3 =	vadd.s32 v1, v3;
	_ =	sdelay $0x2  }
0xb0: {  	[tilespmem:s30], [sflag:$0x2] =	stream.indirect_vreg.gather [hbm4b:s3+s2], $0x80, v4, vm0, $0xb8;
	[tilespmem:$0x18480] =	vst v63  }
0xb1: {  	_ = 	snop  }
0xb2: {  	[tilespmem:s31], [sflag:$0x2] =	stream.indirect_vreg.gather [hbm4b:s3+s2], $0x80, v3, vm0, $0xb8;
	[tilespmem:$0x18480] =	vst v63  }
0xb3: {  	v3 =	vld [tilespmem:$0xA0];
	_ =	sdelay $0x4  }
0xb4: {  	v58 =	vshll.u32 v3, $0x1  }
0xb5: {  	v3 =	vand.u32 $0x7, v3;
	v4 =	vand.u32 $0xFFFFFFF0, v58  }
0xb6: {  	v3 =	vor.u32 v3, v4  }
0xb7: {  	v4 =	vperm.xlane v3, v0;
	_ =	sdelay $0x1  }
0xb8: {  	v3 =	vperm.xlane v3, v2;
	v4 =	vadd.s32 v1, v4;
	_ =	sdelay $0x1  }
0xb9: {  	v3 =	vadd.s32 v1, v3;
	_ =	sdelay $0x2  }
0xba: {  	[tilespmem:s1], [sflag:$0x2] =	stream.indirect_vreg.gather [hbm4b:s3+s2], $0x80, v4, vm0, $0xb8;
	[tilespmem:$0x18480] =	vst v63  }
0xbb: {  	_ = 	snop  }
0xbc: {  	[tilespmem:s0], [sflag:$0x2] =	stream.indirect_vreg.gather [hbm4b:s3+s2], $0x80, v3, vm0, $0xb8;
	[tilespmem:$0x18480] =	vst v63  }
0xbd: {  	v3 =	vld [tilespmem:$0xB0];
	_ =	sdelay $0x4  }
0xbe: {  	v59 =	vshll.u32 v3, $0x1  }
0xbf: {  	v3 =	vand.u32 $0x7, v3;
	v4 =	vand.u32 $0xFFFFFFF0, v59  }
0xc0: {  	v3 =	vor.u32 v3, v4  }
0xc1: {  	v4 =	vperm.xlane v3, v0;
	_ =	sdelay $0x1  }
0xc2: {  	v3 =	vperm.xlane v3, v2;
	v4 =	vadd.s32 v1, v4;
	_ =	sdelay $0x1  }
0xc3: {  	v3 =	vadd.s32 v1, v3;
	_ =	sdelay $0x2  }
0xc4: {  	[tilespmem:s20], [sflag:$0x2] =	stream.indirect_vreg.gather [hbm4b:s3+s2], $0x80, v4, vm0, $0xb8;
	[tilespmem:$0x18480] =	vst v63  }
0xc5: {  	_ = 	snop  }
0xc6: {  	[tilespmem:s25], [sflag:$0x2] =	stream.indirect_vreg.gather [hbm4b:s3+s2], $0x80, v3, vm0, $0xb8;
	[tilespmem:$0x18480] =	vst v63  }
0xc7: {  	v3 =	vld [tilespmem:$0xC0];
	_ =	sdelay $0x4  }
0xc8: {  	v60 =	vshll.u32 v3, $0x1  }
0xc9: {  	v3 =	vand.u32 $0x7, v3;
	v4 =	vand.u32 $0xFFFFFFF0, v60  }
0xca: {  	v3 =	vor.u32 v3, v4  }
0xcb: {  	v4 =	vperm.xlane v3, v0;
	_ =	sdelay $0x1  }
0xcc: {  	v3 =	vperm.xlane v3, v2;
	v4 =	vadd.s32 v1, v4;
	_ =	sdelay $0x1  }
0xcd: {  	v3 =	vadd.s32 v1, v3;
	_ =	sdelay $0x2  }
0xce: {  	[tilespmem:s8], [sflag:$0x2] =	stream.indirect_vreg.gather [hbm4b:s3+s2], $0x80, v4, vm0, $0xb8;
	[tilespmem:$0x18480] =	vst v63  }
0xcf: {  	_ = 	snop  }
0xd0: {  	[tilespmem:s21], [sflag:$0x2] =	stream.indirect_vreg.gather [hbm4b:s3+s2], $0x80, v3, vm0, $0xb8;
	[tilespmem:$0x18480] =	vst v63  }
0xd1: {  	v3 =	vld [tilespmem:$0xD0];
	_ =	sdelay $0x4  }
0xd2: {  	v61 =	vshll.u32 v3, $0x1  }
0xd3: {  	v3 =	vand.u32 $0x7, v3;
	v4 =	vand.u32 $0xFFFFFFF0, v61  }
0xd4: {  	v3 =	vor.u32 v3, v4  }
0xd5: {  	v4 =	vperm.xlane v3, v0;
	_ =	sdelay $0x1  }
0xd6: {  	v3 =	vperm.xlane v3, v2;
	v4 =	vadd.s32 v1, v4;
	_ =	sdelay $0x1  }
0xd7: {  	v3 =	vadd.s32 v1, v3;
	_ =	sdelay $0x2  }
0xd8: {  	[tilespmem:s26], [sflag:$0x2] =	stream.indirect_vreg.gather [hbm4b:s3+s2], $0x80, v4, vm0, $0xb8;
	[tilespmem:$0x18480] =	vst v63  }
0xd9: {  	_ = 	snop  }
0xda: {  	[tilespmem:s9], [sflag:$0x2] =	stream.indirect_vreg.gather [hbm4b:s3+s2], $0x80, v3, vm0, $0xb8;
	[tilespmem:$0x18480] =	vst v63  }
0xdb: {  	v3 =	vld [tilespmem:$0xE0];
	_ =	sdelay $0x4  }
0xdc: {  	v62 =	vshll.u32 v3, $0x1  }
0xdd: {  	v3 =	vand.u32 $0x7, v3;
	v4 =	vand.u32 $0xFFFFFFF0, v62  }
0xde: {  	v3 =	vor.u32 v3, v4  }
0xdf: {  	v4 =	vperm.xlane v3, v0;
	_ =	sdelay $0x1  }
0xe0: {  	v3 =	vperm.xlane v3, v2;
	v4 =	vadd.s32 v1, v4;
	_ =	sdelay $0x1  }
0xe1: {  	v3 =	vadd.s32 v1, v3;
	_ =	sdelay $0x2  }
0xe2: {  	[tilespmem:s4], [sflag:$0x2] =	stream.indirect_vreg.gather [hbm4b:s3+s2], $0x80, v4, vm0, $0xb8;
	[tilespmem:$0x18480] =	vst v63  }
0xe3: {  	_ = 	snop  }
0xe4: {  	[tilespmem:s10], [sflag:$0x2] =	stream.indirect_vreg.gather [hbm4b:s3+s2], $0x80, v3, vm0, $0xb8;
	[tilespmem:$0x18480] =	vst v63  }
0xe5: {  	v3 =	vld [tilespmem:$0xF0];
	_ =	sdelay $0x4  }
0xe6: {  	v63 =	vshll.u32 v3, $0x1  }
0xe7: {  	v3 =	vand.u32 $0x7, v3;
	v4 =	vand.u32 $0xFFFFFFF0, v63  }
0xe8: {  	v3 =	vor.u32 v3, v4  }
0xe9: {  	v4 =	vperm.xlane v3, v0;
	_ =	sdelay $0x1  }
0xea: {  	v3 =	vperm.xlane v3, v2;
	v4 =	vadd.s32 v1, v4;
	_ =	sdelay $0x1  }
0xeb: {  	v3 =	vadd.s32 v1, v3;
	_ =	sdelay $0x2  }
0xec: {  	[tilespmem:s22], [sflag:$0x2] =	stream.indirect_vreg.gather [hbm4b:s3+s2], $0x80, v4, vm0, $0xb8;
	[tilespmem:$0x18480] =	vst v63  }
0xed: {  	_ = 	snop  }
0xee: {  	[tilespmem:s5], [sflag:$0x2] =	stream.indirect_vreg.gather [hbm4b:s3+s2], $0x80, v3, vm0, $0xb8;
	[tilespmem:$0x18480] =	vst v63  }
.LBB2_5:
0xef: {  	s15 =	simm.s32 @!p0 $0x1  }
0xf0: {  	_ =	swait.ge @!p0 [sflag:s15], $0x8000  }
0xf1: {  	s16 =	simm.s32 @!p0 $0x480;
	[sflag:s15] =	ssyncset.done @!p0 $0x0  }
0xf2: {  	s16 =	simm.s32 @p0 $0x10480;
	[sflag:s15] =	ssyncadd.s32 @!p0 $0xFFFF8000;
	s15 =	rddreg [dreg:$0xb]  }
0xf3: {  	[hbm4b:s15+s2] =	stream.linear.scatter [tilespmem:s16], [sflag:$0x3], $0x8000, $0x38;
	[tilespmem:$0x18480] =	vst v63  }
0xf4: {  	_ =	swait.ge [sflag:s11], $0x8000  }
0xf5: {  	s16 =	rddreg [dreg:$0x7]  }
0xf6: {  	p0 =	sle.s32 s12, s16  }
.Ltmp4:
0xf7: {  	_ = 	snop;
	(pc) =	sbr.rel @p0 .LBB2_7-.Ltmp4, $3  }
0xf8: {  	_ =	sdelay $0x1  }
0xf9: {  	[sflag:s11] =	ssyncset.done $0x0  }
0xfa: {  	[sflag:s11] =	ssyncadd.s32 $0xFFFF8000  }
0xfb: {  	v3 =	vld [tilespmem:$0x100];
	_ =	sdelay $0x4  }
0xfc: {  	v4 =	vshll.u32 v3, $0x1  }
0xfd: {  	v3 =	vand.u32 $0x7, v3;
	v4 =	vand.u32 $0xFFFFFFF0, v4  }
0xfe: {  	v3 =	vor.u32 v3, v4  }
0xff: {  	v4 =	vperm.xlane v3, v0;
	_ =	sdelay $0x1  }
0x100: {  	v3 =	vperm.xlane v3, v2;
	v4 =	vadd.s32 v1, v4;
	_ =	sdelay $0x1  }
0x101: {  	v3 =	vadd.s32 v1, v3;
	_ =	sdelay $0x1  }
0x102: {  	s15 =	simm.s32 $0x480  }
0x103: {  	[tilespmem:s15], [sflag:$0x1] =	stream.indirect_vreg.gather [hbm4b:s3+s2], $0x80, v4, vm0, $0xb8;
	[tilespmem:$0x18480] =	vst v63  }
0x104: {  	s16 =	simm.s32 $0xC80  }
0x105: {  	[tilespmem:s16], [sflag:$0x1] =	stream.indirect_vreg.gather [hbm4b:s3+s2], $0x80, v3, vm0, $0xb8;
	[tilespmem:$0x18480] =	vst v63  }
0x106: {  	v3 =	vld [tilespmem:$0x110];
	_ =	sdelay $0x4  }
0x107: {  	v57 =	vshll.u32 v3, $0x1  }
0x108: {  	v3 =	vand.u32 $0x7, v3;
	v4 =	vand.u32 $0xFFFFFFF0, v57  }
0x109: {  	v3 =	vor.u32 v3, v4  }
0x10a: {  	v4 =	vperm.xlane v3, v0;
	_ =	sdelay $0x1  }
0x10b: {  	v3 =	vperm.xlane v3, v2;
	v4 =	vadd.s32 v1, v4;
	_ =	sdelay $0x1  }
0x10c: {  	v3 =	vadd.s32 v1, v3;
	_ =	sdelay $0x1  }
0x10d: {  	s16 =	simm.s32 $0x1480  }
0x10e: {  	[tilespmem:s16], [sflag:$0x1] =	stream.indirect_vreg.gather [hbm4b:s3+s2], $0x80, v4, vm0, $0xb8;
	[tilespmem:$0x18480] =	vst v63  }
0x10f: {  	s16 =	simm.s32 $0x1C80  }
0x110: {  	[tilespmem:s16], [sflag:$0x1] =	stream.indirect_vreg.gather [hbm4b:s3+s2], $0x80, v3, vm0, $0xb8;
	[tilespmem:$0x18480] =	vst v63  }
0x111: {  	v3 =	vld [tilespmem:$0x120];
	_ =	sdelay $0x4  }
0x112: {  	v58 =	vshll.u32 v3, $0x1  }
0x113: {  	v3 =	vand.u32 $0x7, v3;
	v4 =	vand.u32 $0xFFFFFFF0, v58  }
0x114: {  	v3 =	vor.u32 v3, v4  }
0x115: {  	v4 =	vperm.xlane v3, v0;
	_ =	sdelay $0x1  }
0x116: {  	v3 =	vperm.xlane v3, v2;
	v4 =	vadd.s32 v1, v4;
	_ =	sdelay $0x1  }
0x117: {  	v3 =	vadd.s32 v1, v3;
	_ =	sdelay $0x1  }
0x118: {  	s16 =	simm.s32 $0x2480  }
0x119: {  	[tilespmem:s16], [sflag:$0x1] =	stream.indirect_vreg.gather [hbm4b:s3+s2], $0x80, v4, vm0, $0xb8;
	[tilespmem:$0x18480] =	vst v63  }
0x11a: {  	s16 =	simm.s32 $0x2C80  }
0x11b: {  	[tilespmem:s16], [sflag:$0x1] =	stream.indirect_vreg.gather [hbm4b:s3+s2], $0x80, v3, vm0, $0xb8;
	[tilespmem:$0x18480] =	vst v63  }
0x11c: {  	v3 =	vld [tilespmem:$0x130];
	_ =	sdelay $0x4  }
0x11d: {  	v59 =	vshll.u32 v3, $0x1  }
0x11e: {  	v3 =	vand.u32 $0x7, v3;
	v4 =	vand.u32 $0xFFFFFFF0, v59  }
0x11f: {  	v3 =	vor.u32 v3, v4  }
0x120: {  	v4 =	vperm.xlane v3, v0;
	_ =	sdelay $0x1  }
0x121: {  	v3 =	vperm.xlane v3, v2;
	v4 =	vadd.s32 v1, v4;
	_ =	sdelay $0x1  }
0x122: {  	v3 =	vadd.s32 v1, v3;
	_ =	sdelay $0x1  }
0x123: {  	s16 =	simm.s32 $0x3480  }
0x124: {  	[tilespmem:s16], [sflag:$0x1] =	stream.indirect_vreg.gather [hbm4b:s3+s2], $0x80, v4, vm0, $0xb8;
	[tilespmem:$0x18480] =	vst v63  }
0x125: {  	s16 =	simm.s32 $0x3C80  }
0x126: {  	[tilespmem:s16], [sflag:$0x1] =	stream.indirect_vreg.gather [hbm4b:s3+s2], $0x80, v3, vm0, $0xb8;
	[tilespmem:$0x18480] =	vst v63  }
0x127: {  	v3 =	vld [tilespmem:$0x140];
	_ =	sdelay $0x4  }
0x128: {  	v60 =	vshll.u32 v3, $0x1  }
0x129: {  	v3 =	vand.u32 $0x7, v3;
	v4 =	vand.u32 $0xFFFFFFF0, v60  }
0x12a: {  	v3 =	vor.u32 v3, v4  }
0x12b: {  	v4 =	vperm.xlane v3, v0;
	_ =	sdelay $0x1  }
0x12c: {  	v3 =	vperm.xlane v3, v2;
	v4 =	vadd.s32 v1, v4;
	_ =	sdelay $0x1  }
0x12d: {  	v3 =	vadd.s32 v1, v3;
	_ =	sdelay $0x1  }
0x12e: {  	s16 =	simm.s32 $0x4480  }
0x12f: {  	[tilespmem:s16], [sflag:$0x1] =	stream.indirect_vreg.gather [hbm4b:s3+s2], $0x80, v4, vm0, $0xb8;
	[tilespmem:$0x18480] =	vst v63  }
0x130: {  	s16 =	simm.s32 $0x4C80  }
0x131: {  	[tilespmem:s16], [sflag:$0x1] =	stream.indirect_vreg.gather [hbm4b:s3+s2], $0x80, v3, vm0, $0xb8;
	[tilespmem:$0x18480] =	vst v63  }
0x132: {  	v3 =	vld [tilespmem:$0x150];
	_ =	sdelay $0x4  }
0x133: {  	v61 =	vshll.u32 v3, $0x1  }
0x134: {  	v3 =	vand.u32 $0x7, v3;
	v4 =	vand.u32 $0xFFFFFFF0, v61  }
0x135: {  	v3 =	vor.u32 v3, v4  }
0x136: {  	v4 =	vperm.xlane v3, v0;
	_ =	sdelay $0x1  }
0x137: {  	v3 =	vperm.xlane v3, v2;
	v4 =	vadd.s32 v1, v4;
	_ =	sdelay $0x1  }
0x138: {  	v3 =	vadd.s32 v1, v3;
	_ =	sdelay $0x1  }
0x139: {  	s16 =	simm.s32 $0x5480  }
0x13a: {  	[tilespmem:s16], [sflag:$0x1] =	stream.indirect_vreg.gather [hbm4b:s3+s2], $0x80, v4, vm0, $0xb8;
	[tilespmem:$0x18480] =	vst v63  }
0x13b: {  	s16 =	simm.s32 $0x5C80  }
0x13c: {  	[tilespmem:s16], [sflag:$0x1] =	stream.indirect_vreg.gather [hbm4b:s3+s2], $0x80, v3, vm0, $0xb8;
	[tilespmem:$0x18480] =	vst v63  }
0x13d: {  	v3 =	vld [tilespmem:$0x160];
	_ =	sdelay $0x4  }
0x13e: {  	v62 =	vshll.u32 v3, $0x1  }
0x13f: {  	v3 =	vand.u32 $0x7, v3;
	v4 =	vand.u32 $0xFFFFFFF0, v62  }
0x140: {  	v3 =	vor.u32 v3, v4  }
0x141: {  	v4 =	vperm.xlane v3, v0;
	_ =	sdelay $0x1  }
0x142: {  	v3 =	vperm.xlane v3, v2;
	v4 =	vadd.s32 v1, v4;
	_ =	sdelay $0x1  }
0x143: {  	v3 =	vadd.s32 v1, v3;
	_ =	sdelay $0x1  }
0x144: {  	s16 =	simm.s32 $0x6480  }
0x145: {  	[tilespmem:s16], [sflag:$0x1] =	stream.indirect_vreg.gather [hbm4b:s3+s2], $0x80, v4, vm0, $0xb8;
	[tilespmem:$0x18480] =	vst v63  }
0x146: {  	_ = 	snop  }
0x147: {  	[tilespmem:s17], [sflag:$0x1] =	stream.indirect_vreg.gather [hbm4b:s3+s2], $0x80, v3, vm0, $0xb8;
	[tilespmem:$0x18480] =	vst v63  }
0x148: {  	v3 =	vld [tilespmem:$0x170];
	_ =	sdelay $0x4  }
0x149: {  	v63 =	vshll.u32 v3, $0x1  }
0x14a: {  	v3 =	vand.u32 $0x7, v3;
	v4 =	vand.u32 $0xFFFFFFF0, v63  }
0x14b: {  	v3 =	vor.u32 v3, v4  }
0x14c: {  	v4 =	vperm.xlane v3, v0;
	_ =	sdelay $0x1  }
0x14d: {  	v3 =	vperm.xlane v3, v2;
	v4 =	vadd.s32 v1, v4;
	_ =	sdelay $0x1  }
0x14e: {  	v3 =	vadd.s32 v1, v3;
	_ =	sdelay $0x2  }
0x14f: {  	[tilespmem:s18], [sflag:$0x1] =	stream.indirect_vreg.gather [hbm4b:s3+s2], $0x80, v4, vm0, $0xb8;
	[tilespmem:$0x18480] =	vst v63  }
0x150: {  	_ = 	snop  }
0x151: {  	[tilespmem:s19], [sflag:$0x1] =	stream.indirect_vreg.gather [hbm4b:s3+s2], $0x80, v3, vm0, $0xb8;
	[tilespmem:$0x18480] =	vst v63  }
.LBB2_7:
0x152: {  	s15 =	simm.s32 @!p1 $0x2  }
0x153: {  	_ =	swait.ge @!p1 [sflag:s15], $0x8000  }
0x154: {  	s16 =	simm.s32 @!p1 $0x8480;
	[sflag:s15] =	ssyncset.done @!p1 $0x0  }
0x155: {  	s16 =	simm.s32 @p1 $0x10480;
	[sflag:s15] =	ssyncadd.s32 @!p1 $0xFFFF8000;
	s15 =	rddreg [dreg:$0xc]  }
0x156: {  	[hbm4b:s15+s2] =	stream.linear.scatter [tilespmem:s16], [sflag:$0x4], $0x8000, $0x38;
	[tilespmem:$0x18480] =	vst v63  }
0x157: {  	_ =	swait.ge [sflag:s6], $0x8000  }
0x158: {  	s16 =	rddreg [dreg:$0x8]  }
0x159: {  	p1 =	sle.s32 s12, s16  }
.Ltmp5:
0x15a: {  	_ = 	snop;
	(pc) =	sbr.rel @p1 .LBB2_9-.Ltmp5, $3  }
0x15b: {  	_ =	sdelay $0x1  }
0x15c: {  	[sflag:s6] =	ssyncset.done $0x0  }
0x15d: {  	[sflag:s6] =	ssyncadd.s32 $0xFFFF8000  }
0x15e: {  	v3 =	vld [tilespmem:$0x180];
	_ =	sdelay $0x4  }
0x15f: {  	v4 =	vshll.u32 v3, $0x1  }
0x160: {  	v3 =	vand.u32 $0x7, v3;
	v4 =	vand.u32 $0xFFFFFFF0, v4  }
0x161: {  	v3 =	vor.u32 v3, v4  }
0x162: {  	v4 =	vperm.xlane v3, v0;
	_ =	sdelay $0x1  }
0x163: {  	v3 =	vperm.xlane v3, v2;
	v4 =	vadd.s32 v1, v4;
	_ =	sdelay $0x1  }
0x164: {  	v3 =	vadd.s32 v1, v3;
	_ =	sdelay $0x2  }
0x165: {  	[tilespmem:s28], [sflag:$0x2] =	stream.indirect_vreg.gather [hbm4b:s3+s2], $0x80, v4, vm0, $0xb8;
	[tilespmem:$0x18480] =	vst v63  }
0x166: {  	_ = 	snop  }
0x167: {  	[tilespmem:s29], [sflag:$0x2] =	stream.indirect_vreg.gather [hbm4b:s3+s2], $0x80, v3, vm0, $0xb8;
	[tilespmem:$0x18480] =	vst v63  }
0x168: {  	v3 =	vld [tilespmem:$0x190];
	_ =	sdelay $0x4  }
0x169: {  	v57 =	vshll.u32 v3, $0x1  }
0x16a: {  	v3 =	vand.u32 $0x7, v3;
	v4 =	vand.u32 $0xFFFFFFF0, v57  }
0x16b: {  	v3 =	vor.u32 v3, v4  }
0x16c: {  	v4 =	vperm.xlane v3, v0;
	_ =	sdelay $0x1  }
0x16d: {  	v3 =	vperm.xlane v3, v2;
	v4 =	vadd.s32 v1, v4;
	_ =	sdelay $0x1  }
0x16e: {  	v3 =	vadd.s32 v1, v3;
	_ =	sdelay $0x2  }
0x16f: {  	[tilespmem:s30], [sflag:$0x2] =	stream.indirect_vreg.gather [hbm4b:s3+s2], $0x80, v4, vm0, $0xb8;
	[tilespmem:$0x18480] =	vst v63  }
0x170: {  	_ = 	snop  }
0x171: {  	[tilespmem:s31], [sflag:$0x2] =	stream.indirect_vreg.gather [hbm4b:s3+s2], $0x80, v3, vm0, $0xb8;
	[tilespmem:$0x18480] =	vst v63  }
0x172: {  	v3 =	vld [tilespmem:$0x1A0];
	_ =	sdelay $0x4  }
0x173: {  	v58 =	vshll.u32 v3, $0x1  }
0x174: {  	v3 =	vand.u32 $0x7, v3;
	v4 =	vand.u32 $0xFFFFFFF0, v58  }
0x175: {  	v3 =	vor.u32 v3, v4  }
0x176: {  	v4 =	vperm.xlane v3, v0;
	_ =	sdelay $0x1  }
0x177: {  	v3 =	vperm.xlane v3, v2;
	v4 =	vadd.s32 v1, v4;
	_ =	sdelay $0x1  }
0x178: {  	v3 =	vadd.s32 v1, v3;
	_ =	sdelay $0x2  }
0x179: {  	[tilespmem:s1], [sflag:$0x2] =	stream.indirect_vreg.gather [hbm4b:s3+s2], $0x80, v4, vm0, $0xb8;
	[tilespmem:$0x18480] =	vst v63  }
0x17a: {  	_ = 	snop  }
0x17b: {  	[tilespmem:s0], [sflag:$0x2] =	stream.indirect_vreg.gather [hbm4b:s3+s2], $0x80, v3, vm0, $0xb8;
	[tilespmem:$0x18480] =	vst v63  }
0x17c: {  	v3 =	vld [tilespmem:$0x1B0];
	_ =	sdelay $0x4  }
0x17d: {  	v59 =	vshll.u32 v3, $0x1  }
0x17e: {  	v3 =	vand.u32 $0x7, v3;
	v4 =	vand.u32 $0xFFFFFFF0, v59  }
0x17f: {  	v3 =	vor.u32 v3, v4  }
0x180: {  	v4 =	vperm.xlane v3, v0;
	_ =	sdelay $0x1  }
0x181: {  	v3 =	vperm.xlane v3, v2;
	v4 =	vadd.s32 v1, v4;
	_ =	sdelay $0x1  }
0x182: {  	v3 =	vadd.s32 v1, v3;
	_ =	sdelay $0x2  }
0x183: {  	[tilespmem:s20], [sflag:$0x2] =	stream.indirect_vreg.gather [hbm4b:s3+s2], $0x80, v4, vm0, $0xb8;
	[tilespmem:$0x18480] =	vst v63  }
0x184: {  	_ = 	snop  }
0x185: {  	[tilespmem:s25], [sflag:$0x2] =	stream.indirect_vreg.gather [hbm4b:s3+s2], $0x80, v3, vm0, $0xb8;
	[tilespmem:$0x18480] =	vst v63  }
0x186: {  	v3 =	vld [tilespmem:$0x1C0];
	_ =	sdelay $0x4  }
0x187: {  	v60 =	vshll.u32 v3, $0x1  }
0x188: {  	v3 =	vand.u32 $0x7, v3;
	v4 =	vand.u32 $0xFFFFFFF0, v60  }
0x189: {  	v3 =	vor.u32 v3, v4  }
0x18a: {  	v4 =	vperm.xlane v3, v0;
	_ =	sdelay $0x1  }
0x18b: {  	v3 =	vperm.xlane v3, v2;
	v4 =	vadd.s32 v1, v4;
	_ =	sdelay $0x1  }
0x18c: {  	v3 =	vadd.s32 v1, v3;
	_ =	sdelay $0x2  }
0x18d: {  	[tilespmem:s8], [sflag:$0x2] =	stream.indirect_vreg.gather [hbm4b:s3+s2], $0x80, v4, vm0, $0xb8;
	[tilespmem:$0x18480] =	vst v63  }
0x18e: {  	_ = 	snop  }
0x18f: {  	[tilespmem:s21], [sflag:$0x2] =	stream.indirect_vreg.gather [hbm4b:s3+s2], $0x80, v3, vm0, $0xb8;
	[tilespmem:$0x18480] =	vst v63  }
0x190: {  	v3 =	vld [tilespmem:$0x1D0];
	_ =	sdelay $0x4  }
0x191: {  	v61 =	vshll.u32 v3, $0x1  }
0x192: {  	v3 =	vand.u32 $0x7, v3;
	v4 =	vand.u32 $0xFFFFFFF0, v61  }
0x193: {  	v3 =	vor.u32 v3, v4  }
0x194: {  	v4 =	vperm.xlane v3, v0;
	_ =	sdelay $0x1  }
0x195: {  	v3 =	vperm.xlane v3, v2;
	v4 =	vadd.s32 v1, v4;
	_ =	sdelay $0x1  }
0x196: {  	v3 =	vadd.s32 v1, v3;
	_ =	sdelay $0x2  }
0x197: {  	[tilespmem:s26], [sflag:$0x2] =	stream.indirect_vreg.gather [hbm4b:s3+s2], $0x80, v4, vm0, $0xb8;
	[tilespmem:$0x18480] =	vst v63  }
0x198: {  	_ = 	snop  }
0x199: {  	[tilespmem:s9], [sflag:$0x2] =	stream.indirect_vreg.gather [hbm4b:s3+s2], $0x80, v3, vm0, $0xb8;
	[tilespmem:$0x18480] =	vst v63  }
0x19a: {  	v3 =	vld [tilespmem:$0x1E0];
	_ =	sdelay $0x4  }
0x19b: {  	v62 =	vshll.u32 v3, $0x1  }
0x19c: {  	v3 =	vand.u32 $0x7, v3;
	v4 =	vand.u32 $0xFFFFFFF0, v62  }
0x19d: {  	v3 =	vor.u32 v3, v4  }
0x19e: {  	v4 =	vperm.xlane v3, v0;
	_ =	sdelay $0x1  }
0x19f: {  	v3 =	vperm.xlane v3, v2;
	v4 =	vadd.s32 v1, v4;
	_ =	sdelay $0x1  }
0x1a0: {  	v3 =	vadd.s32 v1, v3;
	_ =	sdelay $0x2  }
0x1a1: {  	[tilespmem:s4], [sflag:$0x2] =	stream.indirect_vreg.gather [hbm4b:s3+s2], $0x80, v4, vm0, $0xb8;
	[tilespmem:$0x18480] =	vst v63  }
0x1a2: {  	_ = 	snop  }
0x1a3: {  	[tilespmem:s10], [sflag:$0x2] =	stream.indirect_vreg.gather [hbm4b:s3+s2], $0x80, v3, vm0, $0xb8;
	[tilespmem:$0x18480] =	vst v63  }
0x1a4: {  	v3 =	vld [tilespmem:$0x1F0];
	_ =	sdelay $0x4  }
0x1a5: {  	v63 =	vshll.u32 v3, $0x1  }
0x1a6: {  	v3 =	vand.u32 $0x7, v3;
	v4 =	vand.u32 $0xFFFFFFF0, v63  }
0x1a7: {  	v3 =	vor.u32 v3, v4  }
0x1a8: {  	v4 =	vperm.xlane v3, v0;
	_ =	sdelay $0x1  }
0x1a9: {  	v3 =	vperm.xlane v3, v2;
	v4 =	vadd.s32 v1, v4;
	_ =	sdelay $0x1  }
0x1aa: {  	v3 =	vadd.s32 v1, v3;
	_ =	sdelay $0x2  }
0x1ab: {  	[tilespmem:s22], [sflag:$0x2] =	stream.indirect_vreg.gather [hbm4b:s3+s2], $0x80, v4, vm0, $0xb8;
	[tilespmem:$0x18480] =	vst v63  }
0x1ac: {  	_ = 	snop  }
0x1ad: {  	[tilespmem:s5], [sflag:$0x2] =	stream.indirect_vreg.gather [hbm4b:s3+s2], $0x80, v3, vm0, $0xb8;
	[tilespmem:$0x18480] =	vst v63  }
.LBB2_9:
0x1ae: {  	s15 =	simm.s32 @!p0 $0x1  }
0x1af: {  	_ =	swait.ge @!p0 [sflag:s15], $0x8000  }
0x1b0: {  	s16 =	simm.s32 @!p0 $0x480;
	[sflag:s15] =	ssyncset.done @!p0 $0x0  }
0x1b1: {  	s16 =	simm.s32 @p0 $0x10480;
	[sflag:s15] =	ssyncadd.s32 @!p0 $0xFFFF8000;
	s15 =	rddreg [dreg:$0xd]  }
0x1b2: {  	[hbm4b:s15+s2] =	stream.linear.scatter [tilespmem:s16], [sflag:$0x3], $0x8000, $0x38;
	[tilespmem:$0x18480] =	vst v63  }
0x1b3: {  	_ =	swait.ge [sflag:s11], $0x8000  }
0x1b4: {  	s16 =	rddreg [dreg:$0x9]  }
0x1b5: {  	p0 =	sle.s32 s12, s16  }
.Ltmp6:
0x1b6: {  	_ = 	snop;
	(pc) =	sbr.rel @p0 .LBB2_11-.Ltmp6, $3  }
0x1b7: {  	_ =	sdelay $0x1  }
0x1b8: {  	[sflag:s11] =	ssyncset.done $0x0  }
0x1b9: {  	[sflag:s11] =	ssyncadd.s32 $0xFFFF8000  }
0x1ba: {  	v3 =	vld [tilespmem:$0x200];
	_ =	sdelay $0x4  }
0x1bb: {  	v4 =	vshll.u32 v3, $0x1  }
0x1bc: {  	v3 =	vand.u32 $0x7, v3;
	v4 =	vand.u32 $0xFFFFFFF0, v4  }
0x1bd: {  	v3 =	vor.u32 v3, v4  }
0x1be: {  	v4 =	vperm.xlane v3, v0;
	_ =	sdelay $0x1  }
0x1bf: {  	v3 =	vperm.xlane v3, v2;
	v4 =	vadd.s32 v1, v4;
	_ =	sdelay $0x1  }
0x1c0: {  	v3 =	vadd.s32 v1, v3;
	_ =	sdelay $0x1  }
0x1c1: {  	s15 =	simm.s32 $0x480  }
0x1c2: {  	[tilespmem:s15], [sflag:$0x1] =	stream.indirect_vreg.gather [hbm4b:s3+s2], $0x80, v4, vm0, $0xb8;
	[tilespmem:$0x18480] =	vst v63  }
0x1c3: {  	s16 =	simm.s32 $0xC80  }
0x1c4: {  	[tilespmem:s16], [sflag:$0x1] =	stream.indirect_vreg.gather [hbm4b:s3+s2], $0x80, v3, vm0, $0xb8;
	[tilespmem:$0x18480] =	vst v63  }
0x1c5: {  	v3 =	vld [tilespmem:$0x210];
	_ =	sdelay $0x4  }
0x1c6: {  	v57 =	vshll.u32 v3, $0x1  }
0x1c7: {  	v3 =	vand.u32 $0x7, v3;
	v4 =	vand.u32 $0xFFFFFFF0, v57  }
0x1c8: {  	v3 =	vor.u32 v3, v4  }
0x1c9: {  	v4 =	vperm.xlane v3, v0;
	_ =	sdelay $0x1  }
0x1ca: {  	v3 =	vperm.xlane v3, v2;
	v4 =	vadd.s32 v1, v4;
	_ =	sdelay $0x1  }
0x1cb: {  	v3 =	vadd.s32 v1, v3;
	_ =	sdelay $0x1  }
0x1cc: {  	s16 =	simm.s32 $0x1480  }
0x1cd: {  	[tilespmem:s16], [sflag:$0x1] =	stream.indirect_vreg.gather [hbm4b:s3+s2], $0x80, v4, vm0, $0xb8;
	[tilespmem:$0x18480] =	vst v63  }
0x1ce: {  	s16 =	simm.s32 $0x1C80  }
0x1cf: {  	[tilespmem:s16], [sflag:$0x1] =	stream.indirect_vreg.gather [hbm4b:s3+s2], $0x80, v3, vm0, $0xb8;
	[tilespmem:$0x18480] =	vst v63  }
0x1d0: {  	v3 =	vld [tilespmem:$0x220];
	_ =	sdelay $0x4  }
0x1d1: {  	v58 =	vshll.u32 v3, $0x1  }
0x1d2: {  	v3 =	vand.u32 $0x7, v3;
	v4 =	vand.u32 $0xFFFFFFF0, v58  }
0x1d3: {  	v3 =	vor.u32 v3, v4  }
0x1d4: {  	v4 =	vperm.xlane v3, v0;
	_ =	sdelay $0x1  }
0x1d5: {  	v3 =	vperm.xlane v3, v2;
	v4 =	vadd.s32 v1, v4;
	_ =	sdelay $0x1  }
0x1d6: {  	v3 =	vadd.s32 v1, v3;
	_ =	sdelay $0x1  }
0x1d7: {  	s16 =	simm.s32 $0x2480  }
0x1d8: {  	[tilespmem:s16], [sflag:$0x1] =	stream.indirect_vreg.gather [hbm4b:s3+s2], $0x80, v4, vm0, $0xb8;
	[tilespmem:$0x18480] =	vst v63  }
0x1d9: {  	s16 =	simm.s32 $0x2C80  }
0x1da: {  	[tilespmem:s16], [sflag:$0x1] =	stream.indirect_vreg.gather [hbm4b:s3+s2], $0x80, v3, vm0, $0xb8;
	[tilespmem:$0x18480] =	vst v63  }
0x1db: {  	v3 =	vld [tilespmem:$0x230];
	_ =	sdelay $0x4  }
0x1dc: {  	v59 =	vshll.u32 v3, $0x1  }
0x1dd: {  	v3 =	vand.u32 $0x7, v3;
	v4 =	vand.u32 $0xFFFFFFF0, v59  }
0x1de: {  	v3 =	vor.u32 v3, v4  }
0x1df: {  	v4 =	vperm.xlane v3, v0;
	_ =	sdelay $0x1  }
0x1e0: {  	v3 =	vperm.xlane v3, v2;
	v4 =	vadd.s32 v1, v4;
	_ =	sdelay $0x1  }
0x1e1: {  	v3 =	vadd.s32 v1, v3;
	_ =	sdelay $0x1  }
0x1e2: {  	s16 =	simm.s32 $0x3480  }
0x1e3: {  	[tilespmem:s16], [sflag:$0x1] =	stream.indirect_vreg.gather [hbm4b:s3+s2], $0x80, v4, vm0, $0xb8;
	[tilespmem:$0x18480] =	vst v63  }
0x1e4: {  	s16 =	simm.s32 $0x3C80  }
0x1e5: {  	[tilespmem:s16], [sflag:$0x1] =	stream.indirect_vreg.gather [hbm4b:s3+s2], $0x80, v3, vm0, $0xb8;
	[tilespmem:$0x18480] =	vst v63  }
0x1e6: {  	v3 =	vld [tilespmem:$0x240];
	_ =	sdelay $0x4  }
0x1e7: {  	v60 =	vshll.u32 v3, $0x1  }
0x1e8: {  	v3 =	vand.u32 $0x7, v3;
	v4 =	vand.u32 $0xFFFFFFF0, v60  }
0x1e9: {  	v3 =	vor.u32 v3, v4  }
0x1ea: {  	v4 =	vperm.xlane v3, v0;
	_ =	sdelay $0x1  }
0x1eb: {  	v3 =	vperm.xlane v3, v2;
	v4 =	vadd.s32 v1, v4;
	_ =	sdelay $0x1  }
0x1ec: {  	v3 =	vadd.s32 v1, v3;
	_ =	sdelay $0x1  }
0x1ed: {  	s16 =	simm.s32 $0x4480  }
0x1ee: {  	[tilespmem:s16], [sflag:$0x1] =	stream.indirect_vreg.gather [hbm4b:s3+s2], $0x80, v4, vm0, $0xb8;
	[tilespmem:$0x18480] =	vst v63  }
0x1ef: {  	s16 =	simm.s32 $0x4C80  }
0x1f0: {  	[tilespmem:s16], [sflag:$0x1] =	stream.indirect_vreg.gather [hbm4b:s3+s2], $0x80, v3, vm0, $0xb8;
	[tilespmem:$0x18480] =	vst v63  }
0x1f1: {  	v3 =	vld [tilespmem:$0x250];
	_ =	sdelay $0x4  }
0x1f2: {  	v61 =	vshll.u32 v3, $0x1  }
0x1f3: {  	v3 =	vand.u32 $0x7, v3;
	v4 =	vand.u32 $0xFFFFFFF0, v61  }
0x1f4: {  	v3 =	vor.u32 v3, v4  }
0x1f5: {  	v4 =	vperm.xlane v3, v0;
	_ =	sdelay $0x1  }
0x1f6: {  	v3 =	vperm.xlane v3, v2;
	v4 =	vadd.s32 v1, v4;
	_ =	sdelay $0x1  }
0x1f7: {  	v3 =	vadd.s32 v1, v3;
	_ =	sdelay $0x1  }
0x1f8: {  	s16 =	simm.s32 $0x5480  }
0x1f9: {  	[tilespmem:s16], [sflag:$0x1] =	stream.indirect_vreg.gather [hbm4b:s3+s2], $0x80, v4, vm0, $0xb8;
	[tilespmem:$0x18480] =	vst v63  }
0x1fa: {  	s16 =	simm.s32 $0x5C80  }
0x1fb: {  	[tilespmem:s16], [sflag:$0x1] =	stream.indirect_vreg.gather [hbm4b:s3+s2], $0x80, v3, vm0, $0xb8;
	[tilespmem:$0x18480] =	vst v63  }
0x1fc: {  	v3 =	vld [tilespmem:$0x260];
	_ =	sdelay $0x4  }
0x1fd: {  	v62 =	vshll.u32 v3, $0x1  }
0x1fe: {  	v3 =	vand.u32 $0x7, v3;
	v4 =	vand.u32 $0xFFFFFFF0, v62  }
0x1ff: {  	v3 =	vor.u32 v3, v4  }
0x200: {  	v4 =	vperm.xlane v3, v0;
	_ =	sdelay $0x1  }
0x201: {  	v3 =	vperm.xlane v3, v2;
	v4 =	vadd.s32 v1, v4;
	_ =	sdelay $0x1  }
0x202: {  	v3 =	vadd.s32 v1, v3;
	_ =	sdelay $0x1  }
0x203: {  	s16 =	simm.s32 $0x6480  }
0x204: {  	[tilespmem:s16], [sflag:$0x1] =	stream.indirect_vreg.gather [hbm4b:s3+s2], $0x80, v4, vm0, $0xb8;
	[tilespmem:$0x18480] =	vst v63  }
0x205: {  	_ = 	snop  }
0x206: {  	[tilespmem:s17], [sflag:$0x1] =	stream.indirect_vreg.gather [hbm4b:s3+s2], $0x80, v3, vm0, $0xb8;
	[tilespmem:$0x18480] =	vst v63  }
0x207: {  	v3 =	vld [tilespmem:$0x270];
	_ =	sdelay $0x4  }
0x208: {  	v63 =	vshll.u32 v3, $0x1  }
0x209: {  	v3 =	vand.u32 $0x7, v3;
	v4 =	vand.u32 $0xFFFFFFF0, v63  }
0x20a: {  	v3 =	vor.u32 v3, v4  }
0x20b: {  	v4 =	vperm.xlane v3, v0;
	_ =	sdelay $0x1  }
0x20c: {  	v3 =	vperm.xlane v3, v2;
	v4 =	vadd.s32 v1, v4;
	_ =	sdelay $0x1  }
0x20d: {  	v3 =	vadd.s32 v1, v3;
	_ =	sdelay $0x2  }
0x20e: {  	[tilespmem:s18], [sflag:$0x1] =	stream.indirect_vreg.gather [hbm4b:s3+s2], $0x80, v4, vm0, $0xb8;
	[tilespmem:$0x18480] =	vst v63  }
0x20f: {  	_ = 	snop  }
0x210: {  	[tilespmem:s19], [sflag:$0x1] =	stream.indirect_vreg.gather [hbm4b:s3+s2], $0x80, v3, vm0, $0xb8;
	[tilespmem:$0x18480] =	vst v63  }
.LBB2_11:
0x211: {  	s15 =	simm.s32 @!p1 $0x2  }
0x212: {  	_ =	swait.ge @!p1 [sflag:s15], $0x8000  }
0x213: {  	s16 =	simm.s32 @!p1 $0x8480;
	[sflag:s15] =	ssyncset.done @!p1 $0x0  }
0x214: {  	s16 =	simm.s32 @p1 $0x10480;
	[sflag:s15] =	ssyncadd.s32 @!p1 $0xFFFF8000;
	s15 =	rddreg [dreg:$0xe]  }
0x215: {  	[hbm4b:s15+s2] =	stream.linear.scatter [tilespmem:s16], [sflag:$0x4], $0x8000, $0x38;
	[tilespmem:$0x18480] =	vst v63  }
0x216: {  	_ =	swait.ge [sflag:s6], $0x8000  }
0x217: {  	s16 =	rddreg [dreg:$0xa]  }
0x218: {  	p1 =	sle.s32 s12, s16  }
.Ltmp7:
0x219: {  	_ = 	snop;
	(pc) =	sbr.rel @p1 .LBB2_13-.Ltmp7, $3  }
0x21a: {  	_ =	sdelay $0x1  }
0x21b: {  	[sflag:s6] =	ssyncset.done $0x0  }
0x21c: {  	[sflag:s6] =	ssyncadd.s32 $0xFFFF8000  }
0x21d: {  	v3 =	vld [tilespmem:$0x280];
	_ =	sdelay $0x4  }
0x21e: {  	v4 =	vshll.u32 v3, $0x1  }
0x21f: {  	v3 =	vand.u32 $0x7, v3;
	v4 =	vand.u32 $0xFFFFFFF0, v4  }
0x220: {  	v3 =	vor.u32 v3, v4  }
0x221: {  	v4 =	vperm.xlane v3, v0;
	_ =	sdelay $0x1  }
0x222: {  	v3 =	vperm.xlane v3, v2;
	v4 =	vadd.s32 v1, v4;
	_ =	sdelay $0x1  }
0x223: {  	v3 =	vadd.s32 v1, v3;
	_ =	sdelay $0x2  }
0x224: {  	[tilespmem:s28], [sflag:$0x2] =	stream.indirect_vreg.gather [hbm4b:s3+s2], $0x80, v4, vm0, $0xb8;
	[tilespmem:$0x18480] =	vst v63  }
0x225: {  	_ = 	snop  }
0x226: {  	[tilespmem:s29], [sflag:$0x2] =	stream.indirect_vreg.gather [hbm4b:s3+s2], $0x80, v3, vm0, $0xb8;
	[tilespmem:$0x18480] =	vst v63  }
0x227: {  	v3 =	vld [tilespmem:$0x290];
	_ =	sdelay $0x4  }
0x228: {  	v57 =	vshll.u32 v3, $0x1  }
0x229: {  	v3 =	vand.u32 $0x7, v3;
	v4 =	vand.u32 $0xFFFFFFF0, v57  }
0x22a: {  	v3 =	vor.u32 v3, v4  }
0x22b: {  	v4 =	vperm.xlane v3, v0;
	_ =	sdelay $0x1  }
0x22c: {  	v3 =	vperm.xlane v3, v2;
	v4 =	vadd.s32 v1, v4;
	_ =	sdelay $0x1  }
0x22d: {  	v3 =	vadd.s32 v1, v3;
	_ =	sdelay $0x2  }
0x22e: {  	[tilespmem:s30], [sflag:$0x2] =	stream.indirect_vreg.gather [hbm4b:s3+s2], $0x80, v4, vm0, $0xb8;
	[tilespmem:$0x18480] =	vst v63  }
0x22f: {  	_ = 	snop  }
0x230: {  	[tilespmem:s31], [sflag:$0x2] =	stream.indirect_vreg.gather [hbm4b:s3+s2], $0x80, v3, vm0, $0xb8;
	[tilespmem:$0x18480] =	vst v63  }
0x231: {  	v3 =	vld [tilespmem:$0x2A0];
	_ =	sdelay $0x4  }
0x232: {  	v58 =	vshll.u32 v3, $0x1  }
0x233: {  	v3 =	vand.u32 $0x7, v3;
	v4 =	vand.u32 $0xFFFFFFF0, v58  }
0x234: {  	v3 =	vor.u32 v3, v4  }
0x235: {  	v4 =	vperm.xlane v3, v0;
	_ =	sdelay $0x1  }
0x236: {  	v3 =	vperm.xlane v3, v2;
	v4 =	vadd.s32 v1, v4;
	_ =	sdelay $0x1  }
0x237: {  	v3 =	vadd.s32 v1, v3;
	_ =	sdelay $0x2  }
0x238: {  	[tilespmem:s1], [sflag:$0x2] =	stream.indirect_vreg.gather [hbm4b:s3+s2], $0x80, v4, vm0, $0xb8;
	[tilespmem:$0x18480] =	vst v63  }
0x239: {  	_ = 	snop  }
0x23a: {  	[tilespmem:s0], [sflag:$0x2] =	stream.indirect_vreg.gather [hbm4b:s3+s2], $0x80, v3, vm0, $0xb8;
	[tilespmem:$0x18480] =	vst v63  }
0x23b: {  	v3 =	vld [tilespmem:$0x2B0];
	_ =	sdelay $0x4  }
0x23c: {  	v59 =	vshll.u32 v3, $0x1  }
0x23d: {  	v3 =	vand.u32 $0x7, v3;
	v4 =	vand.u32 $0xFFFFFFF0, v59  }
0x23e: {  	v3 =	vor.u32 v3, v4  }
0x23f: {  	v4 =	vperm.xlane v3, v0;
	_ =	sdelay $0x1  }
0x240: {  	v3 =	vperm.xlane v3, v2;
	v4 =	vadd.s32 v1, v4;
	_ =	sdelay $0x1  }
0x241: {  	v3 =	vadd.s32 v1, v3;
	_ =	sdelay $0x2  }
0x242: {  	[tilespmem:s20], [sflag:$0x2] =	stream.indirect_vreg.gather [hbm4b:s3+s2], $0x80, v4, vm0, $0xb8;
	[tilespmem:$0x18480] =	vst v63  }
0x243: {  	_ = 	snop  }
0x244: {  	[tilespmem:s25], [sflag:$0x2] =	stream.indirect_vreg.gather [hbm4b:s3+s2], $0x80, v3, vm0, $0xb8;
	[tilespmem:$0x18480] =	vst v63  }
0x245: {  	v3 =	vld [tilespmem:$0x2C0];
	_ =	sdelay $0x4  }
0x246: {  	v60 =	vshll.u32 v3, $0x1  }
0x247: {  	v3 =	vand.u32 $0x7, v3;
	v4 =	vand.u32 $0xFFFFFFF0, v60  }
0x248: {  	v3 =	vor.u32 v3, v4  }
0x249: {  	v4 =	vperm.xlane v3, v0;
	_ =	sdelay $0x1  }
0x24a: {  	v3 =	vperm.xlane v3, v2;
	v4 =	vadd.s32 v1, v4;
	_ =	sdelay $0x1  }
0x24b: {  	v3 =	vadd.s32 v1, v3;
	_ =	sdelay $0x2  }
0x24c: {  	[tilespmem:s8], [sflag:$0x2] =	stream.indirect_vreg.gather [hbm4b:s3+s2], $0x80, v4, vm0, $0xb8;
	[tilespmem:$0x18480] =	vst v63  }
0x24d: {  	_ = 	snop  }
0x24e: {  	[tilespmem:s21], [sflag:$0x2] =	stream.indirect_vreg.gather [hbm4b:s3+s2], $0x80, v3, vm0, $0xb8;
	[tilespmem:$0x18480] =	vst v63  }
0x24f: {  	v3 =	vld [tilespmem:$0x2D0];
	_ =	sdelay $0x4  }
0x250: {  	v61 =	vshll.u32 v3, $0x1  }
0x251: {  	v3 =	vand.u32 $0x7, v3;
	v4 =	vand.u32 $0xFFFFFFF0, v61  }
0x252: {  	v3 =	vor.u32 v3, v4  }
0x253: {  	v4 =	vperm.xlane v3, v0;
	_ =	sdelay $0x1  }
0x254: {  	v3 =	vperm.xlane v3, v2;
	v4 =	vadd.s32 v1, v4;
	_ =	sdelay $0x1  }
0x255: {  	v3 =	vadd.s32 v1, v3;
	_ =	sdelay $0x2  }
0x256: {  	[tilespmem:s26], [sflag:$0x2] =	stream.indirect_vreg.gather [hbm4b:s3+s2], $0x80, v4, vm0, $0xb8;
	[tilespmem:$0x18480] =	vst v63  }
0x257: {  	_ = 	snop  }
0x258: {  	[tilespmem:s9], [sflag:$0x2] =	stream.indirect_vreg.gather [hbm4b:s3+s2], $0x80, v3, vm0, $0xb8;
	[tilespmem:$0x18480] =	vst v63  }
0x259: {  	v3 =	vld [tilespmem:$0x2E0];
	_ =	sdelay $0x4  }
0x25a: {  	v62 =	vshll.u32 v3, $0x1  }
0x25b: {  	v3 =	vand.u32 $0x7, v3;
	v4 =	vand.u32 $0xFFFFFFF0, v62  }
0x25c: {  	v3 =	vor.u32 v3, v4  }
0x25d: {  	v4 =	vperm.xlane v3, v0;
	_ =	sdelay $0x1  }
0x25e: {  	v3 =	vperm.xlane v3, v2;
	v4 =	vadd.s32 v1, v4;
	_ =	sdelay $0x1  }
0x25f: {  	v3 =	vadd.s32 v1, v3;
	_ =	sdelay $0x2  }
0x260: {  	[tilespmem:s4], [sflag:$0x2] =	stream.indirect_vreg.gather [hbm4b:s3+s2], $0x80, v4, vm0, $0xb8;
	[tilespmem:$0x18480] =	vst v63  }
0x261: {  	_ = 	snop  }
0x262: {  	[tilespmem:s10], [sflag:$0x2] =	stream.indirect_vreg.gather [hbm4b:s3+s2], $0x80, v3, vm0, $0xb8;
	[tilespmem:$0x18480] =	vst v63  }
0x263: {  	v3 =	vld [tilespmem:$0x2F0];
	_ =	sdelay $0x4  }
0x264: {  	v63 =	vshll.u32 v3, $0x1  }
0x265: {  	v3 =	vand.u32 $0x7, v3;
	v4 =	vand.u32 $0xFFFFFFF0, v63  }
0x266: {  	v3 =	vor.u32 v3, v4  }
0x267: {  	v4 =	vperm.xlane v3, v0;
	_ =	sdelay $0x1  }
0x268: {  	v3 =	vperm.xlane v3, v2;
	v4 =	vadd.s32 v1, v4;
	_ =	sdelay $0x1  }
0x269: {  	v3 =	vadd.s32 v1, v3;
	_ =	sdelay $0x2  }
0x26a: {  	[tilespmem:s22], [sflag:$0x2] =	stream.indirect_vreg.gather [hbm4b:s3+s2], $0x80, v4, vm0, $0xb8;
	[tilespmem:$0x18480] =	vst v63  }
0x26b: {  	_ = 	snop  }
0x26c: {  	[tilespmem:s5], [sflag:$0x2] =	stream.indirect_vreg.gather [hbm4b:s3+s2], $0x80, v3, vm0, $0xb8;
	[tilespmem:$0x18480] =	vst v63  }
.LBB2_13:
0x26d: {  	s15 =	simm.s32 @!p0 $0x1  }
0x26e: {  	_ =	swait.ge @!p0 [sflag:s15], $0x8000  }
0x26f: {  	s16 =	simm.s32 @!p0 $0x480;
	[sflag:s15] =	ssyncset.done @!p0 $0x0  }
0x270: {  	s16 =	simm.s32 @p0 $0x10480;
	[sflag:s15] =	ssyncadd.s32 @!p0 $0xFFFF8000;
	p0 =	sle.s32 s12, s13  }
.Ltmp8:
0x271: {  	s15 =	rddreg [dreg:$0xf];
	(pc) =	sbr.rel @p0 .LBB2_15-.Ltmp8, $4  }
0x272: {  	[hbm4b:s15+s2] =	stream.linear.scatter [tilespmem:s16], [sflag:$0x3], $0x8000, $0x38;
	[tilespmem:$0x18480] =	vst v63  }
0x273: {  	_ =	swait.ge [sflag:s11], $0x8000  }
0x274: {  	[sflag:s11] =	ssyncset.done $0x0  }
0x275: {  	[sflag:s11] =	ssyncadd.s32 $0xFFFF8000  }
0x276: {  	v3 =	vld [tilespmem:$0x300];
	_ =	sdelay $0x4  }
0x277: {  	v4 =	vshll.u32 v3, $0x1  }
0x278: {  	v3 =	vand.u32 $0x7, v3;
	v4 =	vand.u32 $0xFFFFFFF0, v4  }
0x279: {  	v3 =	vor.u32 v3, v4  }
0x27a: {  	v4 =	vperm.xlane v3, v0;
	_ =	sdelay $0x1  }
0x27b: {  	v3 =	vperm.xlane v3, v2;
	v4 =	vadd.s32 v1, v4;
	_ =	sdelay $0x1  }
0x27c: {  	v3 =	vadd.s32 v1, v3;
	_ =	sdelay $0x1  }
0x27d: {  	s15 =	simm.s32 $0x480  }
0x27e: {  	[tilespmem:s15], [sflag:$0x1] =	stream.indirect_vreg.gather [hbm4b:s3+s2], $0x80, v4, vm0, $0xb8;
	[tilespmem:$0x18480] =	vst v63  }
0x27f: {  	s16 =	simm.s32 $0xC80  }
0x280: {  	[tilespmem:s16], [sflag:$0x1] =	stream.indirect_vreg.gather [hbm4b:s3+s2], $0x80, v3, vm0, $0xb8;
	[tilespmem:$0x18480] =	vst v63  }
0x281: {  	v3 =	vld [tilespmem:$0x310];
	_ =	sdelay $0x4  }
0x282: {  	v57 =	vshll.u32 v3, $0x1  }
0x283: {  	v3 =	vand.u32 $0x7, v3;
	v4 =	vand.u32 $0xFFFFFFF0, v57  }
0x284: {  	v3 =	vor.u32 v3, v4  }
0x285: {  	v4 =	vperm.xlane v3, v0;
	_ =	sdelay $0x1  }
0x286: {  	v3 =	vperm.xlane v3, v2;
	v4 =	vadd.s32 v1, v4;
	_ =	sdelay $0x1  }
0x287: {  	v3 =	vadd.s32 v1, v3;
	_ =	sdelay $0x1  }
0x288: {  	s16 =	simm.s32 $0x1480  }
0x289: {  	[tilespmem:s16], [sflag:$0x1] =	stream.indirect_vreg.gather [hbm4b:s3+s2], $0x80, v4, vm0, $0xb8;
	[tilespmem:$0x18480] =	vst v63  }
0x28a: {  	s16 =	simm.s32 $0x1C80  }
0x28b: {  	[tilespmem:s16], [sflag:$0x1] =	stream.indirect_vreg.gather [hbm4b:s3+s2], $0x80, v3, vm0, $0xb8;
	[tilespmem:$0x18480] =	vst v63  }
0x28c: {  	v3 =	vld [tilespmem:$0x320];
	_ =	sdelay $0x4  }
0x28d: {  	v58 =	vshll.u32 v3, $0x1  }
0x28e: {  	v3 =	vand.u32 $0x7, v3;
	v4 =	vand.u32 $0xFFFFFFF0, v58  }
0x28f: {  	v3 =	vor.u32 v3, v4  }
0x290: {  	v4 =	vperm.xlane v3, v0;
	_ =	sdelay $0x1  }
0x291: {  	v3 =	vperm.xlane v3, v2;
	v4 =	vadd.s32 v1, v4;
	_ =	sdelay $0x1  }
0x292: {  	v3 =	vadd.s32 v1, v3;
	_ =	sdelay $0x1  }
0x293: {  	s16 =	simm.s32 $0x2480  }
0x294: {  	[tilespmem:s16], [sflag:$0x1] =	stream.indirect_vreg.gather [hbm4b:s3+s2], $0x80, v4, vm0, $0xb8;
	[tilespmem:$0x18480] =	vst v63  }
0x295: {  	s16 =	simm.s32 $0x2C80  }
0x296: {  	[tilespmem:s16], [sflag:$0x1] =	stream.indirect_vreg.gather [hbm4b:s3+s2], $0x80, v3, vm0, $0xb8;
	[tilespmem:$0x18480] =	vst v63  }
0x297: {  	v3 =	vld [tilespmem:$0x330];
	_ =	sdelay $0x4  }
0x298: {  	v59 =	vshll.u32 v3, $0x1  }
0x299: {  	v3 =	vand.u32 $0x7, v3;
	v4 =	vand.u32 $0xFFFFFFF0, v59  }
0x29a: {  	v3 =	vor.u32 v3, v4  }
0x29b: {  	v4 =	vperm.xlane v3, v0;
	_ =	sdelay $0x1  }
0x29c: {  	v3 =	vperm.xlane v3, v2;
	v4 =	vadd.s32 v1, v4;
	_ =	sdelay $0x1  }
0x29d: {  	v3 =	vadd.s32 v1, v3;
	_ =	sdelay $0x1  }
0x29e: {  	s16 =	simm.s32 $0x3480  }
0x29f: {  	[tilespmem:s16], [sflag:$0x1] =	stream.indirect_vreg.gather [hbm4b:s3+s2], $0x80, v4, vm0, $0xb8;
	[tilespmem:$0x18480] =	vst v63  }
0x2a0: {  	s16 =	simm.s32 $0x3C80  }
0x2a1: {  	[tilespmem:s16], [sflag:$0x1] =	stream.indirect_vreg.gather [hbm4b:s3+s2], $0x80, v3, vm0, $0xb8;
	[tilespmem:$0x18480] =	vst v63  }
0x2a2: {  	v3 =	vld [tilespmem:$0x340];
	_ =	sdelay $0x4  }
0x2a3: {  	v60 =	vshll.u32 v3, $0x1  }
0x2a4: {  	v3 =	vand.u32 $0x7, v3;
	v4 =	vand.u32 $0xFFFFFFF0, v60  }
0x2a5: {  	v3 =	vor.u32 v3, v4  }
0x2a6: {  	v4 =	vperm.xlane v3, v0;
	_ =	sdelay $0x1  }
0x2a7: {  	v3 =	vperm.xlane v3, v2;
	v4 =	vadd.s32 v1, v4;
	_ =	sdelay $0x1  }
0x2a8: {  	v3 =	vadd.s32 v1, v3;
	_ =	sdelay $0x1  }
0x2a9: {  	s16 =	simm.s32 $0x4480  }
0x2aa: {  	[tilespmem:s16], [sflag:$0x1] =	stream.indirect_vreg.gather [hbm4b:s3+s2], $0x80, v4, vm0, $0xb8;
	[tilespmem:$0x18480] =	vst v63  }
0x2ab: {  	s16 =	simm.s32 $0x4C80  }
0x2ac: {  	[tilespmem:s16], [sflag:$0x1] =	stream.indirect_vreg.gather [hbm4b:s3+s2], $0x80, v3, vm0, $0xb8;
	[tilespmem:$0x18480] =	vst v63  }
0x2ad: {  	v3 =	vld [tilespmem:$0x350];
	_ =	sdelay $0x4  }
0x2ae: {  	v61 =	vshll.u32 v3, $0x1  }
0x2af: {  	v3 =	vand.u32 $0x7, v3;
	v4 =	vand.u32 $0xFFFFFFF0, v61  }
0x2b0: {  	v3 =	vor.u32 v3, v4  }
0x2b1: {  	v4 =	vperm.xlane v3, v0;
	_ =	sdelay $0x1  }
0x2b2: {  	v3 =	vperm.xlane v3, v2;
	v4 =	vadd.s32 v1, v4;
	_ =	sdelay $0x1  }
0x2b3: {  	v3 =	vadd.s32 v1, v3;
	_ =	sdelay $0x1  }
0x2b4: {  	s16 =	simm.s32 $0x5480  }
0x2b5: {  	[tilespmem:s16], [sflag:$0x1] =	stream.indirect_vreg.gather [hbm4b:s3+s2], $0x80, v4, vm0, $0xb8;
	[tilespmem:$0x18480] =	vst v63  }
0x2b6: {  	s16 =	simm.s32 $0x5C80  }
0x2b7: {  	[tilespmem:s16], [sflag:$0x1] =	stream.indirect_vreg.gather [hbm4b:s3+s2], $0x80, v3, vm0, $0xb8;
	[tilespmem:$0x18480] =	vst v63  }
0x2b8: {  	v3 =	vld [tilespmem:$0x360];
	_ =	sdelay $0x4  }
0x2b9: {  	v62 =	vshll.u32 v3, $0x1  }
0x2ba: {  	v3 =	vand.u32 $0x7, v3;
	v4 =	vand.u32 $0xFFFFFFF0, v62  }
0x2bb: {  	v3 =	vor.u32 v3, v4  }
0x2bc: {  	v4 =	vperm.xlane v3, v0;
	_ =	sdelay $0x1  }
0x2bd: {  	v3 =	vperm.xlane v3, v2;
	v4 =	vadd.s32 v1, v4;
	_ =	sdelay $0x1  }
0x2be: {  	v3 =	vadd.s32 v1, v3;
	_ =	sdelay $0x1  }
0x2bf: {  	s16 =	simm.s32 $0x6480  }
0x2c0: {  	[tilespmem:s16], [sflag:$0x1] =	stream.indirect_vreg.gather [hbm4b:s3+s2], $0x80, v4, vm0, $0xb8;
	[tilespmem:$0x18480] =	vst v63  }
0x2c1: {  	_ = 	snop  }
0x2c2: {  	[tilespmem:s17], [sflag:$0x1] =	stream.indirect_vreg.gather [hbm4b:s3+s2], $0x80, v3, vm0, $0xb8;
	[tilespmem:$0x18480] =	vst v63  }
0x2c3: {  	v3 =	vld [tilespmem:$0x370];
	_ =	sdelay $0x4  }
0x2c4: {  	v63 =	vshll.u32 v3, $0x1  }
0x2c5: {  	v3 =	vand.u32 $0x7, v3;
	v4 =	vand.u32 $0xFFFFFFF0, v63  }
0x2c6: {  	v3 =	vor.u32 v3, v4  }
0x2c7: {  	v4 =	vperm.xlane v3, v0;
	_ =	sdelay $0x1  }
0x2c8: {  	v3 =	vperm.xlane v3, v2;
	v4 =	vadd.s32 v1, v4;
	_ =	sdelay $0x1  }
0x2c9: {  	v3 =	vadd.s32 v1, v3;
	_ =	sdelay $0x2  }
0x2ca: {  	[tilespmem:s18], [sflag:$0x1] =	stream.indirect_vreg.gather [hbm4b:s3+s2], $0x80, v4, vm0, $0xb8;
	[tilespmem:$0x18480] =	vst v63  }
0x2cb: {  	_ = 	snop  }
0x2cc: {  	[tilespmem:s19], [sflag:$0x1] =	stream.indirect_vreg.gather [hbm4b:s3+s2], $0x80, v3, vm0, $0xb8;
	[tilespmem:$0x18480] =	vst v63  }
.LBB2_15:
0x2cd: {  	s15 =	simm.s32 @!p1 $0x2  }
0x2ce: {  	_ =	swait.ge @!p1 [sflag:s15], $0x8000  }
0x2cf: {  	s16 =	simm.s32 @!p1 $0x8480;
	[sflag:s15] =	ssyncset.done @!p1 $0x0  }
0x2d0: {  	s16 =	simm.s32 @p1 $0x10480;
	[sflag:s15] =	ssyncadd.s32 @!p1 $0xFFFF8000;
	p1 =	sle.s32 s12, s14  }
.Ltmp9:
0x2d1: {  	s15 =	rddreg [dreg:$0x10];
	(pc) =	sbr.rel @p1 .LBB2_17-.Ltmp9, $4  }
0x2d2: {  	[hbm4b:s15+s2] =	stream.linear.scatter [tilespmem:s16], [sflag:$0x4], $0x8000, $0x38;
	[tilespmem:$0x18480] =	vst v63  }
0x2d3: {  	_ =	swait.ge [sflag:s6], $0x8000  }
0x2d4: {  	[sflag:s6] =	ssyncset.done $0x0  }
0x2d5: {  	[sflag:s6] =	ssyncadd.s32 $0xFFFF8000  }
0x2d6: {  	v3 =	vld [tilespmem:$0x380];
	_ =	sdelay $0x4  }
0x2d7: {  	v4 =	vshll.u32 v3, $0x1  }
0x2d8: {  	v3 =	vand.u32 $0x7, v3;
	v4 =	vand.u32 $0xFFFFFFF0, v4  }
0x2d9: {  	v3 =	vor.u32 v3, v4  }
0x2da: {  	v4 =	vperm.xlane v3, v0;
	_ =	sdelay $0x1  }
0x2db: {  	v3 =	vperm.xlane v3, v2;
	v4 =	vadd.s32 v1, v4;
	_ =	sdelay $0x1  }
0x2dc: {  	v3 =	vadd.s32 v1, v3;
	_ =	sdelay $0x2  }
0x2dd: {  	[tilespmem:s28], [sflag:$0x2] =	stream.indirect_vreg.gather [hbm4b:s3+s2], $0x80, v4, vm0, $0xb8;
	[tilespmem:$0x18480] =	vst v63  }
0x2de: {  	_ = 	snop  }
0x2df: {  	[tilespmem:s29], [sflag:$0x2] =	stream.indirect_vreg.gather [hbm4b:s3+s2], $0x80, v3, vm0, $0xb8;
	[tilespmem:$0x18480] =	vst v63  }
0x2e0: {  	v3 =	vld [tilespmem:$0x390];
	_ =	sdelay $0x4  }
0x2e1: {  	v57 =	vshll.u32 v3, $0x1  }
0x2e2: {  	v3 =	vand.u32 $0x7, v3;
	v4 =	vand.u32 $0xFFFFFFF0, v57  }
0x2e3: {  	v3 =	vor.u32 v3, v4  }
0x2e4: {  	v4 =	vperm.xlane v3, v0;
	_ =	sdelay $0x1  }
0x2e5: {  	v3 =	vperm.xlane v3, v2;
	v4 =	vadd.s32 v1, v4;
	_ =	sdelay $0x1  }
0x2e6: {  	v3 =	vadd.s32 v1, v3;
	_ =	sdelay $0x2  }
0x2e7: {  	[tilespmem:s30], [sflag:$0x2] =	stream.indirect_vreg.gather [hbm4b:s3+s2], $0x80, v4, vm0, $0xb8;
	[tilespmem:$0x18480] =	vst v63  }
0x2e8: {  	_ = 	snop  }
0x2e9: {  	[tilespmem:s31], [sflag:$0x2] =	stream.indirect_vreg.gather [hbm4b:s3+s2], $0x80, v3, vm0, $0xb8;
	[tilespmem:$0x18480] =	vst v63  }
0x2ea: {  	v3 =	vld [tilespmem:$0x3A0];
	_ =	sdelay $0x4  }
0x2eb: {  	v58 =	vshll.u32 v3, $0x1  }
0x2ec: {  	v3 =	vand.u32 $0x7, v3;
	v4 =	vand.u32 $0xFFFFFFF0, v58  }
0x2ed: {  	v3 =	vor.u32 v3, v4  }
0x2ee: {  	v4 =	vperm.xlane v3, v0;
	_ =	sdelay $0x1  }
0x2ef: {  	v3 =	vperm.xlane v3, v2;
	v4 =	vadd.s32 v1, v4;
	_ =	sdelay $0x1  }
0x2f0: {  	v3 =	vadd.s32 v1, v3;
	_ =	sdelay $0x2  }
0x2f1: {  	[tilespmem:s1], [sflag:$0x2] =	stream.indirect_vreg.gather [hbm4b:s3+s2], $0x80, v4, vm0, $0xb8;
	[tilespmem:$0x18480] =	vst v63  }
0x2f2: {  	_ = 	snop  }
0x2f3: {  	[tilespmem:s0], [sflag:$0x2] =	stream.indirect_vreg.gather [hbm4b:s3+s2], $0x80, v3, vm0, $0xb8;
	[tilespmem:$0x18480] =	vst v63  }
0x2f4: {  	v3 =	vld [tilespmem:$0x3B0];
	_ =	sdelay $0x4  }
0x2f5: {  	v59 =	vshll.u32 v3, $0x1  }
0x2f6: {  	v3 =	vand.u32 $0x7, v3;
	v4 =	vand.u32 $0xFFFFFFF0, v59  }
0x2f7: {  	v3 =	vor.u32 v3, v4  }
0x2f8: {  	v4 =	vperm.xlane v3, v0;
	_ =	sdelay $0x1  }
0x2f9: {  	v3 =	vperm.xlane v3, v2;
	v4 =	vadd.s32 v1, v4;
	_ =	sdelay $0x1  }
0x2fa: {  	v3 =	vadd.s32 v1, v3;
	_ =	sdelay $0x2  }
0x2fb: {  	[tilespmem:s20], [sflag:$0x2] =	stream.indirect_vreg.gather [hbm4b:s3+s2], $0x80, v4, vm0, $0xb8;
	[tilespmem:$0x18480] =	vst v63  }
0x2fc: {  	_ = 	snop  }
0x2fd: {  	[tilespmem:s25], [sflag:$0x2] =	stream.indirect_vreg.gather [hbm4b:s3+s2], $0x80, v3, vm0, $0xb8;
	[tilespmem:$0x18480] =	vst v63  }
0x2fe: {  	v3 =	vld [tilespmem:$0x3C0];
	_ =	sdelay $0x4  }
0x2ff: {  	v60 =	vshll.u32 v3, $0x1  }
0x300: {  	v3 =	vand.u32 $0x7, v3;
	v4 =	vand.u32 $0xFFFFFFF0, v60  }
0x301: {  	v3 =	vor.u32 v3, v4  }
0x302: {  	v4 =	vperm.xlane v3, v0;
	_ =	sdelay $0x1  }
0x303: {  	v3 =	vperm.xlane v3, v2;
	v4 =	vadd.s32 v1, v4;
	_ =	sdelay $0x1  }
0x304: {  	v3 =	vadd.s32 v1, v3;
	_ =	sdelay $0x2  }
0x305: {  	[tilespmem:s8], [sflag:$0x2] =	stream.indirect_vreg.gather [hbm4b:s3+s2], $0x80, v4, vm0, $0xb8;
	[tilespmem:$0x18480] =	vst v63  }
0x306: {  	_ = 	snop  }
0x307: {  	[tilespmem:s21], [sflag:$0x2] =	stream.indirect_vreg.gather [hbm4b:s3+s2], $0x80, v3, vm0, $0xb8;
	[tilespmem:$0x18480] =	vst v63  }
0x308: {  	v3 =	vld [tilespmem:$0x3D0];
	_ =	sdelay $0x4  }
0x309: {  	v61 =	vshll.u32 v3, $0x1  }
0x30a: {  	v3 =	vand.u32 $0x7, v3;
	v4 =	vand.u32 $0xFFFFFFF0, v61  }
0x30b: {  	v3 =	vor.u32 v3, v4  }
0x30c: {  	v4 =	vperm.xlane v3, v0;
	_ =	sdelay $0x1  }
0x30d: {  	v3 =	vperm.xlane v3, v2;
	v4 =	vadd.s32 v1, v4;
	_ =	sdelay $0x1  }
0x30e: {  	v3 =	vadd.s32 v1, v3;
	_ =	sdelay $0x2  }
0x30f: {  	[tilespmem:s26], [sflag:$0x2] =	stream.indirect_vreg.gather [hbm4b:s3+s2], $0x80, v4, vm0, $0xb8;
	[tilespmem:$0x18480] =	vst v63  }
0x310: {  	_ = 	snop  }
0x311: {  	[tilespmem:s9], [sflag:$0x2] =	stream.indirect_vreg.gather [hbm4b:s3+s2], $0x80, v3, vm0, $0xb8;
	[tilespmem:$0x18480] =	vst v63  }
0x312: {  	v3 =	vld [tilespmem:$0x3E0];
	_ =	sdelay $0x4  }
0x313: {  	v62 =	vshll.u32 v3, $0x1  }
0x314: {  	v3 =	vand.u32 $0x7, v3;
	v4 =	vand.u32 $0xFFFFFFF0, v62  }
0x315: {  	v3 =	vor.u32 v3, v4  }
0x316: {  	v4 =	vperm.xlane v3, v0;
	_ =	sdelay $0x1  }
0x317: {  	v3 =	vperm.xlane v3, v2;
	v4 =	vadd.s32 v1, v4;
	_ =	sdelay $0x1  }
0x318: {  	v3 =	vadd.s32 v1, v3;
	_ =	sdelay $0x2  }
0x319: {  	[tilespmem:s4], [sflag:$0x2] =	stream.indirect_vreg.gather [hbm4b:s3+s2], $0x80, v4, vm0, $0xb8;
	[tilespmem:$0x18480] =	vst v63  }
0x31a: {  	_ = 	snop  }
0x31b: {  	[tilespmem:s10], [sflag:$0x2] =	stream.indirect_vreg.gather [hbm4b:s3+s2], $0x80, v3, vm0, $0xb8;
	[tilespmem:$0x18480] =	vst v63  }
0x31c: {  	v3 =	vld [tilespmem:$0x3F0];
	_ =	sdelay $0x4  }
0x31d: {  	v63 =	vshll.u32 v3, $0x1  }
0x31e: {  	v3 =	vand.u32 $0x7, v3;
	v4 =	vand.u32 $0xFFFFFFF0, v63  }
0x31f: {  	v3 =	vor.u32 v3, v4  }
0x320: {  	v4 =	vperm.xlane v3, v0;
	_ =	sdelay $0x1  }
0x321: {  	v3 =	vperm.xlane v3, v2;
	v4 =	vadd.s32 v1, v4;
	_ =	sdelay $0x1  }
0x322: {  	v3 =	vadd.s32 v1, v3  }
.Ltmp10:
0x323: {  	_ = 	snop;
	(pc) =	sbr.rel .LBB2_17-.Ltmp10, $4  }
0x324: {  	_ = 	snop  }
0x325: {  	[tilespmem:s22], [sflag:$0x2] =	stream.indirect_vreg.gather [hbm4b:s3+s2], $0x80, v4, vm0, $0xb8;
	[tilespmem:$0x18480] =	vst v63  }
0x326: {  	_ = 	snop  }
0x327: {  	[tilespmem:s5], [sflag:$0x2] =	stream.indirect_vreg.gather [hbm4b:s3+s2], $0x80, v3, vm0, $0xb8;
	[tilespmem:$0x18480] =	vst v63  }
.LBB2_18:
0x328: {  	_ =	sfence.sel $0x180000  }
0x329: {  	[bflag:$0x0] =	sbarrier.arrive $0xFFFF  }
0x32a: {  	_ =	strace $0x90000047  }
0x32b: {  	s0 =	stileid.u32;
	[bflag:$0x2] =	sbarrier.arrive $0xFFFF  }
0x32c: {  	p0 =	sne.s32 s0, $0x0;
	s0 =	rddreg [dreg:$0x2]  }
0x32d: {  	s0 =	sadd.s32 @!p0 $0x100000, s0  }
0x32e: {  	[sflag:s0] =	ssyncadd.tile.s32 @!p0 $0x1;
	_ =	shalt  }
.Lfunc_end2:
_tile_overlayer_lowered:
.L_overlay_start_2:
0x32f: {  	(tag) =	ssettag $0x2  }
0x330: {  	s0 =	rddreg [dreg:$0x0];
	s2 =	stileid.u32  }
0x331: {  	s1 =	rddreg [dreg:$0x1];
	p0 =	sne.s32 s2, $0x0  }
0x332: {  	s3 =	rddreg [dreg:$0x2];
	[bflag:$0x3] =	sbarrier.arrive $0xFFFF;
	s2 =	simm.s32 @!p0 $0x1C05  }
0x333: {  	[timem:s3], [sflag:s2] =	dma.local @!p0 [hbm:s0], s1  }
0x334: {  	s0 =	simm.s32 @!p0 $0x5  }
0x335: {  	_ =	swait.ge @!p0 [sflag:s0], s1  }
0x336: {  	s1 =	ssub.s32 @!p0 $0x0, s1;
	[sflag:s0] =	ssyncset.done @!p0 $0x0  }
0x337: {  	[sflag:s0] =	ssyncadd.s32 @!p0 s1  }
0x338: {  	[bflag:$0x3] =	sbarrier.arrive $0xFFFF  }
0x339: {  	_ =	shalt  }

</sc_bundles>
